<compile_context>
chip_gen: v7x
topology: tpu7x:2x2x1
jax: 0.10.2.dev20260603
libtpu: 0.0.44.dev20260713+nightly
codegen_flags: <defaults>
</compile_context>

<pallas_src>
import functools
import math

import jax
import jax.numpy as jnp
from jax import lax
from jax.experimental import pallas as pl
from jax.experimental.pallas import tpu as pltpu
from jax.experimental.pallas import tpu_sc as plsc

D = 128
LANES = 16
NC = 2
NS = 16
NW = NC * NS
NBUF = 10
HALF = 64


def _build(batch, hist):
    per_w = batch // NW
    assert per_w * NW == batch and per_w == 2 * HALF
    n_chunks = 2 * hist
    assert n_chunks % NBUF == 0
    scale = math.sqrt(float(D))

    mesh = plsc.VectorSubcoreMesh(core_axis_name="c", subcore_axis_name="s")

    @functools.partial(
        pl.kernel,
        out_type=jax.ShapeDtypeStruct((hist, batch, D), jnp.float32),
        mesh=mesh,
        scratch_types=[
            pltpu.VMEM((hist, per_w), jnp.int32),
            [pltpu.VMEM((HALF, D), jnp.float32) for _ in range(NBUF)],
            [pltpu.SemaphoreType.DMA for _ in range(NBUF)],
            [pltpu.SemaphoreType.DMA for _ in range(NBUF)],
        ],
    )
    def emb_kernel(idx_hbm, table_hbm, out_hbm, idx_v, bufs, gsems, ssems):
        wid = lax.axis_index("s") * NC + lax.axis_index("c")
        i0 = wid * per_w

        pltpu.sync_copy(idx_hbm.at[:, pl.ds(i0, per_w)], idx_v)

        def idx_slice(g, h):
            return idx_v.at[g // 2, pl.ds(h * HALF, HALF)]

        def fire_gather(g, h, b):
            pltpu.async_copy(table_hbm.at[idx_slice(g, h)], bufs[b], gsems[b])

        def wait_gather(g, h, b):
            pltpu.make_async_copy(
                table_hbm.at[idx_slice(g, h)], bufs[b], gsems[b]).wait()

        def out_slice(g, h):
            return out_hbm.at[g // 2, pl.ds(i0 + h * HALF, HALF)]

        def fire_scatter(g, h, b):
            pltpu.async_copy(bufs[b], out_slice(g, h), ssems[b])

        def wait_scatter(g, h, b):
            pltpu.make_async_copy(
                bufs[b], out_slice(g, h), ssems[b]).wait()

        def scale_buf(b):
            buf = bufs[b]

            def row(r, carry):
                for c in range(D // LANES):
                    sl = (r, pl.ds(c * LANES, LANES))
                    buf[sl] = buf[sl] * scale
                return carry

            lax.fori_loop(0, HALF, row, 0)

        for b in range(NBUF):
            fire_gather(b, b % 2, b)

        @pl.loop(0, n_chunks, step=NBUF)
        def _(go):
            for b in range(NBUF):
                g = go + b
                h = b % 2
                wait_gather(g, h, b)
                scale_buf(b)
                fire_scatter(g, h, b)

                b2 = (b - 3) % NBUF
                h2 = (b - 3) % 2
                g2 = g - 3

                @pl.when(jnp.logical_and(g2 >= 0, g2 + NBUF < n_chunks))
                def _():
                    wait_scatter(g2, h2, b2)
                    fire_gather(g2 + NBUF, h2, b2)

        for b in range(NBUF):
            wait_scatter(n_chunks - NBUF + b, b % 2, b)

    return emb_kernel


def kernel(indices, table):
    batch, hist = indices.shape
    out = _build(batch, hist)(indices.T, table)
    return out.transpose(1, 0, 2)

# --- scband reference (transcript-rebuilt; emitter-appended) ---
"""Pipeline reference for scband-embedding-module-17231408792372 (READ-ONLY COPY).

The authoritative reference and input builder live on the scoring server;
editing this copy changes nothing except your own understanding.
"""

import math
import jax, jax.numpy as jnp
import numpy as np

NUM_EMBEDDINGS = 100000
EMBEDDING_DIM = 128
BATCH = 4096
HIST_LEN = 50
SCALE_BY_DIM = True


def setup_inputs(seed: int = 0) -> dict:
    key = jax.random.key(seed)
    k_idx, k_tab = jax.random.split(key)
    indices = jax.random.randint(k_idx, (BATCH, HIST_LEN), 0, NUM_EMBEDDINGS, dtype=jnp.int32)
    # nn.Embedding default init: N(0, 1)
    table = jax.random.normal(k_tab, (NUM_EMBEDDINGS, EMBEDDING_DIM), dtype=jnp.float32)
    return {"indices": indices, "table": table}


def reference(indices, table):
    # EmbeddingModule.forward: res = embedding(input_tuple[0]); optional scale by sqrt(dim)
    res = jnp.take(table, indices, axis=0)
    if SCALE_BY_DIM:
        res = res * math.sqrt(EMBEDDING_DIM)
    return res

if __name__ == "__main__":
    import jax
    _d = setup_inputs()
    print(jax.jit(kernel)(*tuple(_d.values())))

</pallas_src>

<mosaic_0001>
#map = affine_map<(d0, d1) -> (0, 0)>
#map1 = affine_map<(d0, d1) -> (0, 0, 0)>
module attributes {stable_mosaic.version = 14 : i64} {
  func.func @emb_kernel(%arg0: i32, %arg1: i32, %arg2: memref<50x4096xi32, #tpu.memory_space<hbm>>, %arg3: memref<100000x128xf32, #tpu.memory_space<hbm>>, %arg4: memref<50x4096x128xf32, #tpu.memory_space<hbm>>, %arg5: memref<50x128xi32, #tpu.memory_space<vmem>>, %arg6: memref<64x128xf32, #tpu.memory_space<vmem>>, %arg7: memref<64x128xf32, #tpu.memory_space<vmem>>, %arg8: memref<64x128xf32, #tpu.memory_space<vmem>>, %arg9: memref<64x128xf32, #tpu.memory_space<vmem>>, %arg10: memref<64x128xf32, #tpu.memory_space<vmem>>, %arg11: memref<64x128xf32, #tpu.memory_space<vmem>>, %arg12: memref<64x128xf32, #tpu.memory_space<vmem>>, %arg13: memref<64x128xf32, #tpu.memory_space<vmem>>, %arg14: memref<64x128xf32, #tpu.memory_space<vmem>>, %arg15: memref<64x128xf32, #tpu.memory_space<vmem>>, %arg16: memref<!tpu.dma_semaphore, #tpu.memory_space<semaphore_mem>>, %arg17: memref<!tpu.dma_semaphore, #tpu.memory_space<semaphore_mem>>, %arg18: memref<!tpu.dma_semaphore, #tpu.memory_space<semaphore_mem>>, %arg19: memref<!tpu.dma_semaphore, #tpu.memory_space<semaphore_mem>>, %arg20: memref<!tpu.dma_semaphore, #tpu.memory_space<semaphore_mem>>, %arg21: memref<!tpu.dma_semaphore, #tpu.memory_space<semaphore_mem>>, %arg22: memref<!tpu.dma_semaphore, #tpu.memory_space<semaphore_mem>>, %arg23: memref<!tpu.dma_semaphore, #tpu.memory_space<semaphore_mem>>, %arg24: memref<!tpu.dma_semaphore, #tpu.memory_space<semaphore_mem>>, %arg25: memref<!tpu.dma_semaphore, #tpu.memory_space<semaphore_mem>>, %arg26: memref<!tpu.dma_semaphore, #tpu.memory_space<semaphore_mem>>, %arg27: memref<!tpu.dma_semaphore, #tpu.memory_space<semaphore_mem>>, %arg28: memref<!tpu.dma_semaphore, #tpu.memory_space<semaphore_mem>>, %arg29: memref<!tpu.dma_semaphore, #tpu.memory_space<semaphore_mem>>, %arg30: memref<!tpu.dma_semaphore, #tpu.memory_space<semaphore_mem>>, %arg31: memref<!tpu.dma_semaphore, #tpu.memory_space<semaphore_mem>>, %arg32: memref<!tpu.dma_semaphore, #tpu.memory_space<semaphore_mem>>, %arg33: memref<!tpu.dma_semaphore, #tpu.memory_space<semaphore_mem>>, %arg34: memref<!tpu.dma_semaphore, #tpu.memory_space<semaphore_mem>>, %arg35: memref<!tpu.dma_semaphore, #tpu.memory_space<semaphore_mem>>) attributes {dimension_semantics = [#tpu.dimension_semantics<core_parallel>, #tpu.dimension_semantics<subcore_parallel>], iteration_bounds = array<i64: 2, 16>, scalar_prefetch = 0 : i64, scratch_operands = 31 : i64, tpu.core_type = #tpu.core_type<sc_vector_subcore>, window_params = [{transform_indices = #map}, {transform_indices = #map}, {transform_indices = #map1}]} {
    %mul3A = arith.constant 2 : i32
    %mul3A_0 = arith.muli %arg1, %mul3A : i32
    %add3A = arith.addi %mul3A_0, %arg0 : i32
    %mul3A_1 = arith.constant 128 : i32
    %mul3A_2 = arith.muli %add3A, %mul3A_1 : i32
    "tpu.region"() ({
      %run_scoped3A = tpu.sem_alloc : memref<!tpu.dma_semaphore, #tpu.memory_space<semaphore_mem>>
      %dma_start3A_165 = arith.constant 0 : i32
      %dma_start3A_166 = tpu.memref_slice %arg2[%dma_start3A_165, %mul3A_2] : memref<50x4096xi32, #tpu.memory_space<hbm>> -> memref<50x128xi32, #tpu.memory_space<hbm>>
      %dma_start3A_167 = arith.constant 0 : i32
      %dma_start3A_168 = tpu.memref_slice %arg2[%dma_start3A_167, %mul3A_2] : memref<50x4096xi32, #tpu.memory_space<hbm>> -> memref<50x128xi32, #tpu.memory_space<hbm>>
      tpu.enqueue_dma source(%dma_start3A_168 : memref<50x128xi32, #tpu.memory_space<hbm>>) target(%arg5 : memref<50x128xi32, #tpu.memory_space<vmem>>) target_semaphore(%run_scoped3A : memref<!tpu.dma_semaphore, #tpu.memory_space<semaphore_mem>>)
      %dma_wait3A_169 = arith.constant 0 : i32
      %dma_wait3A_170 = tpu.memref_slice %arg2[%dma_wait3A_169, %mul3A_2] : memref<50x4096xi32, #tpu.memory_space<hbm>> -> memref<50x128xi32, #tpu.memory_space<hbm>>
      %dma_wait3A_171 = arith.constant 0 : i32
      %dma_wait3A_172 = tpu.memref_slice %arg2[%dma_wait3A_171, %mul3A_2] : memref<50x4096xi32, #tpu.memory_space<hbm>> -> memref<50x128xi32, #tpu.memory_space<hbm>>
      tpu.wait_dma2 semaphore(%run_scoped3A : memref<!tpu.dma_semaphore, #tpu.memory_space<semaphore_mem>>) src(%dma_wait3A_172 : memref<50x128xi32, #tpu.memory_space<hbm>>) dst(%arg5 : memref<50x128xi32, #tpu.memory_space<vmem>>)
      tpu.yield
    }) : () -> ()
    %dma_start3A = arith.constant 0 : i32
    %dma_start3A_3 = arith.constant 0 : i32
    %dma_start3A_4 = tpu.memref_slice %arg5[%dma_start3A, %dma_start3A_3] : memref<50x128xi32, #tpu.memory_space<vmem>> -> memref<1x64xi32, #tpu.memory_space<vmem>>
    %dma_start3A_5 = tpu.memref_squeeze %dma_start3A_4 : memref<1x64xi32, #tpu.memory_space<vmem>> -> memref<64xi32, #tpu.memory_space<vmem>>
    %dma_start3A_6 = arith.constant 0 : i32
    %dma_start3A_7 = arith.constant 0 : i32
    %dma_start3A_8 = tpu.memref_slice %arg3[%dma_start3A_6, %dma_start3A_7] : memref<100000x128xf32, #tpu.memory_space<hbm>> -> memref<100000x128xf32, #tpu.memory_space<hbm>>
    tpu.enqueue_indirect_dma source(%dma_start3A_8 : memref<100000x128xf32, #tpu.memory_space<hbm>>) target(%arg6 : memref<64x128xf32, #tpu.memory_space<vmem>>) offsets(%dma_start3A_5 : memref<64xi32, #tpu.memory_space<vmem>>) semaphore(%arg16 : memref<!tpu.dma_semaphore, #tpu.memory_space<semaphore_mem>>)
    %dma_start3A_9 = arith.constant 0 : i32
    %dma_start3A_10 = arith.constant 64 : i32
    %dma_start3A_11 = tpu.memref_slice %arg5[%dma_start3A_9, %dma_start3A_10] : memref<50x128xi32, #tpu.memory_space<vmem>> -> memref<1x64xi32, #tpu.memory_space<vmem>>
    %dma_start3A_12 = tpu.memref_squeeze %dma_start3A_11 : memref<1x64xi32, #tpu.memory_space<vmem>> -> memref<64xi32, #tpu.memory_space<vmem>>
    %dma_start3A_13 = arith.constant 0 : i32
    %dma_start3A_14 = arith.constant 0 : i32
    %dma_start3A_15 = tpu.memref_slice %arg3[%dma_start3A_13, %dma_start3A_14] : memref<100000x128xf32, #tpu.memory_space<hbm>> -> memref<100000x128xf32, #tpu.memory_space<hbm>>
    tpu.enqueue_indirect_dma source(%dma_start3A_15 : memref<100000x128xf32, #tpu.memory_space<hbm>>) target(%arg7 : memref<64x128xf32, #tpu.memory_space<vmem>>) offsets(%dma_start3A_12 : memref<64xi32, #tpu.memory_space<vmem>>) semaphore(%arg17 : memref<!tpu.dma_semaphore, #tpu.memory_space<semaphore_mem>>)
    %dma_start3A_16 = arith.constant 1 : i32
    %dma_start3A_17 = arith.constant 0 : i32
    %dma_start3A_18 = tpu.memref_slice %arg5[%dma_start3A_16, %dma_start3A_17] : memref<50x128xi32, #tpu.memory_space<vmem>> -> memref<1x64xi32, #tpu.memory_space<vmem>>
    %dma_start3A_19 = tpu.memref_squeeze %dma_start3A_18 : memref<1x64xi32, #tpu.memory_space<vmem>> -> memref<64xi32, #tpu.memory_space<vmem>>
    %dma_start3A_20 = arith.constant 0 : i32
    %dma_start3A_21 = arith.constant 0 : i32
    %dma_start3A_22 = tpu.memref_slice %arg3[%dma_start3A_20, %dma_start3A_21] : memref<100000x128xf32, #tpu.memory_space<hbm>> -> memref<100000x128xf32, #tpu.memory_space<hbm>>
    tpu.enqueue_indirect_dma source(%dma_start3A_22 : memref<100000x128xf32, #tpu.memory_space<hbm>>) target(%arg8 : memref<64x128xf32, #tpu.memory_space<vmem>>) offsets(%dma_start3A_19 : memref<64xi32, #tpu.memory_space<vmem>>) semaphore(%arg18 : memref<!tpu.dma_semaphore, #tpu.memory_space<semaphore_mem>>)
    %dma_start3A_23 = arith.constant 1 : i32
    %dma_start3A_24 = arith.constant 64 : i32
    %dma_start3A_25 = tpu.memref_slice %arg5[%dma_start3A_23, %dma_start3A_24] : memref<50x128xi32, #tpu.memory_space<vmem>> -> memref<1x64xi32, #tpu.memory_space<vmem>>
    %dma_start3A_26 = tpu.memref_squeeze %dma_start3A_25 : memref<1x64xi32, #tpu.memory_space<vmem>> -> memref<64xi32, #tpu.memory_space<vmem>>
    %dma_start3A_27 = arith.constant 0 : i32
    %dma_start3A_28 = arith.constant 0 : i32
    %dma_start3A_29 = tpu.memref_slice %arg3[%dma_start3A_27, %dma_start3A_28] : memref<100000x128xf32, #tpu.memory_space<hbm>> -> memref<100000x128xf32, #tpu.memory_space<hbm>>
    tpu.enqueue_indirect_dma source(%dma_start3A_29 : memref<100000x128xf32, #tpu.memory_space<hbm>>) target(%arg9 : memref<64x128xf32, #tpu.memory_space<vmem>>) offsets(%dma_start3A_26 : memref<64xi32, #tpu.memory_space<vmem>>) semaphore(%arg19 : memref<!tpu.dma_semaphore, #tpu.memory_space<semaphore_mem>>)
    %dma_start3A_30 = arith.constant 2 : i32
    %dma_start3A_31 = arith.constant 0 : i32
    %dma_start3A_32 = tpu.memref_slice %arg5[%dma_start3A_30, %dma_start3A_31] : memref<50x128xi32, #tpu.memory_space<vmem>> -> memref<1x64xi32, #tpu.memory_space<vmem>>
    %dma_start3A_33 = tpu.memref_squeeze %dma_start3A_32 : memref<1x64xi32, #tpu.memory_space<vmem>> -> memref<64xi32, #tpu.memory_space<vmem>>
    %dma_start3A_34 = arith.constant 0 : i32
    %dma_start3A_35 = arith.constant 0 : i32
    %dma_start3A_36 = tpu.memref_slice %arg3[%dma_start3A_34, %dma_start3A_35] : memref<100000x128xf32, #tpu.memory_space<hbm>> -> memref<100000x128xf32, #tpu.memory_space<hbm>>
    tpu.enqueue_indirect_dma source(%dma_start3A_36 : memref<100000x128xf32, #tpu.memory_space<hbm>>) target(%arg10 : memref<64x128xf32, #tpu.memory_space<vmem>>) offsets(%dma_start3A_33 : memref<64xi32, #tpu.memory_space<vmem>>) semaphore(%arg20 : memref<!tpu.dma_semaphore, #tpu.memory_space<semaphore_mem>>)
    %dma_start3A_37 = arith.constant 2 : i32
    %dma_start3A_38 = arith.constant 64 : i32
    %dma_start3A_39 = tpu.memref_slice %arg5[%dma_start3A_37, %dma_start3A_38] : memref<50x128xi32, #tpu.memory_space<vmem>> -> memref<1x64xi32, #tpu.memory_space<vmem>>
    %dma_start3A_40 = tpu.memref_squeeze %dma_start3A_39 : memref<1x64xi32, #tpu.memory_space<vmem>> -> memref<64xi32, #tpu.memory_space<vmem>>
    %dma_start3A_41 = arith.constant 0 : i32
    %dma_start3A_42 = arith.constant 0 : i32
    %dma_start3A_43 = tpu.memref_slice %arg3[%dma_start3A_41, %dma_start3A_42] : memref<100000x128xf32, #tpu.memory_space<hbm>> -> memref<100000x128xf32, #tpu.memory_space<hbm>>
    tpu.enqueue_indirect_dma source(%dma_start3A_43 : memref<100000x128xf32, #tpu.memory_space<hbm>>) target(%arg11 : memref<64x128xf32, #tpu.memory_space<vmem>>) offsets(%dma_start3A_40 : memref<64xi32, #tpu.memory_space<vmem>>) semaphore(%arg21 : memref<!tpu.dma_semaphore, #tpu.memory_space<semaphore_mem>>)
    %dma_start3A_44 = arith.constant 3 : i32
    %dma_start3A_45 = arith.constant 0 : i32
    %dma_start3A_46 = tpu.memref_slice %arg5[%dma_start3A_44, %dma_start3A_45] : memref<50x128xi32, #tpu.memory_space<vmem>> -> memref<1x64xi32, #tpu.memory_space<vmem>>
    %dma_start3A_47 = tpu.memref_squeeze %dma_start3A_46 : memref<1x64xi32, #tpu.memory_space<vmem>> -> memref<64xi32, #tpu.memory_space<vmem>>
    %dma_start3A_48 = arith.constant 0 : i32
    %dma_start3A_49 = arith.constant 0 : i32
    %dma_start3A_50 = tpu.memref_slice %arg3[%dma_start3A_48, %dma_start3A_49] : memref<100000x128xf32, #tpu.memory_space<hbm>> -> memref<100000x128xf32, #tpu.memory_space<hbm>>
    tpu.enqueue_indirect_dma source(%dma_start3A_50 : memref<100000x128xf32, #tpu.memory_space<hbm>>) target(%arg12 : memref<64x128xf32, #tpu.memory_space<vmem>>) offsets(%dma_start3A_47 : memref<64xi32, #tpu.memory_space<vmem>>) semaphore(%arg22 : memref<!tpu.dma_semaphore, #tpu.memory_space<semaphore_mem>>)
    %dma_start3A_51 = arith.constant 3 : i32
    %dma_start3A_52 = arith.constant 64 : i32
    %dma_start3A_53 = tpu.memref_slice %arg5[%dma_start3A_51, %dma_start3A_52] : memref<50x128xi32, #tpu.memory_space<vmem>> -> memref<1x64xi32, #tpu.memory_space<vmem>>
    %dma_start3A_54 = tpu.memref_squeeze %dma_start3A_53 : memref<1x64xi32, #tpu.memory_space<vmem>> -> memref<64xi32, #tpu.memory_space<vmem>>
    %dma_start3A_55 = arith.constant 0 : i32
    %dma_start3A_56 = arith.constant 0 : i32
    %dma_start3A_57 = tpu.memref_slice %arg3[%dma_start3A_55, %dma_start3A_56] : memref<100000x128xf32, #tpu.memory_space<hbm>> -> memref<100000x128xf32, #tpu.memory_space<hbm>>
    tpu.enqueue_indirect_dma source(%dma_start3A_57 : memref<100000x128xf32, #tpu.memory_space<hbm>>) target(%arg13 : memref<64x128xf32, #tpu.memory_space<vmem>>) offsets(%dma_start3A_54 : memref<64xi32, #tpu.memory_space<vmem>>) semaphore(%arg23 : memref<!tpu.dma_semaphore, #tpu.memory_space<semaphore_mem>>)
    %dma_start3A_58 = arith.constant 4 : i32
    %dma_start3A_59 = arith.constant 0 : i32
    %dma_start3A_60 = tpu.memref_slice %arg5[%dma_start3A_58, %dma_start3A_59] : memref<50x128xi32, #tpu.memory_space<vmem>> -> memref<1x64xi32, #tpu.memory_space<vmem>>
    %dma_start3A_61 = tpu.memref_squeeze %dma_start3A_60 : memref<1x64xi32, #tpu.memory_space<vmem>> -> memref<64xi32, #tpu.memory_space<vmem>>
    %dma_start3A_62 = arith.constant 0 : i32
    %dma_start3A_63 = arith.constant 0 : i32
    %dma_start3A_64 = tpu.memref_slice %arg3[%dma_start3A_62, %dma_start3A_63] : memref<100000x128xf32, #tpu.memory_space<hbm>> -> memref<100000x128xf32, #tpu.memory_space<hbm>>
    tpu.enqueue_indirect_dma source(%dma_start3A_64 : memref<100000x128xf32, #tpu.memory_space<hbm>>) target(%arg14 : memref<64x128xf32, #tpu.memory_space<vmem>>) offsets(%dma_start3A_61 : memref<64xi32, #tpu.memory_space<vmem>>) semaphore(%arg24 : memref<!tpu.dma_semaphore, #tpu.memory_space<semaphore_mem>>)
    %dma_start3A_65 = arith.constant 4 : i32
    %dma_start3A_66 = arith.constant 64 : i32
    %dma_start3A_67 = tpu.memref_slice %arg5[%dma_start3A_65, %dma_start3A_66] : memref<50x128xi32, #tpu.memory_space<vmem>> -> memref<1x64xi32, #tpu.memory_space<vmem>>
    %dma_start3A_68 = tpu.memref_squeeze %dma_start3A_67 : memref<1x64xi32, #tpu.memory_space<vmem>> -> memref<64xi32, #tpu.memory_space<vmem>>
    %dma_start3A_69 = arith.constant 0 : i32
    %dma_start3A_70 = arith.constant 0 : i32
    %dma_start3A_71 = tpu.memref_slice %arg3[%dma_start3A_69, %dma_start3A_70] : memref<100000x128xf32, #tpu.memory_space<hbm>> -> memref<100000x128xf32, #tpu.memory_space<hbm>>
    tpu.enqueue_indirect_dma source(%dma_start3A_71 : memref<100000x128xf32, #tpu.memory_space<hbm>>) target(%arg15 : memref<64x128xf32, #tpu.memory_space<vmem>>) offsets(%dma_start3A_68 : memref<64xi32, #tpu.memory_space<vmem>>) semaphore(%arg25 : memref<!tpu.dma_semaphore, #tpu.memory_space<semaphore_mem>>)
    %scan3A = arith.constant 0 : i32
    %scan3A_72 = arith.constant 10 : i32
    %scan3A_73 = arith.addi %scan3A, %scan3A_72 : i32
    %scan3A_74 = arith.constant 1 : i32
    scf.for %scan3A_165 = %scan3A to %scan3A_73 step %scan3A_74  : i32 {
      %mul3A_166 = arith.constant 10 : i32
      %mul3A_167 = arith.muli %scan3A_165, %mul3A_166 : i32
      %add3A_168 = arith.constant 0 : i32
      %add3A_169 = arith.addi %add3A_168, %mul3A_167 : i32
      %add3A_170 = arith.constant 0 : i32
      %add3A_171 = arith.addi %add3A_169, %add3A_170 : i32
      %jit3A = arith.constant 2 : i32
      %div3A = arith.divsi %add3A_171, %jit3A : i32
      %sign3A = arith.constant 0 : i32
      %sign3A_172 = arith.cmpi sgt, %add3A_171, %sign3A : i32
      %sign3A_173 = arith.extui %sign3A_172 : i1 to i32
      %sign3A_174 = arith.constant 0 : i32
      %sign3A_175 = arith.cmpi slt, %add3A_171, %sign3A_174 : i32
      %sign3A_176 = arith.extui %sign3A_175 : i1 to i32
      %sign3A_177 = arith.subi %sign3A_173, %sign3A_176 : i32
      %sign3A_178 = arith.constant 0 : i32
      %sign3A_179 = arith.cmpi sgt, %jit3A, %sign3A_178 : i32
      %sign3A_180 = arith.extui %sign3A_179 : i1 to i32
      %sign3A_181 = arith.constant 0 : i32
      %sign3A_182 = arith.cmpi slt, %jit3A, %sign3A_181 : i32
      %sign3A_183 = arith.extui %sign3A_182 : i1 to i32
      %sign3A_184 = arith.subi %sign3A_180, %sign3A_183 : i32
      %ne3A = arith.cmpi ne, %sign3A_177, %sign3A_184 : i32
      %rem3A = arith.remsi %add3A_171, %jit3A : i32
      %ne3A_185 = arith.constant 0 : i32
      %ne3A_186 = arith.cmpi ne, %rem3A, %ne3A_185 : i32
      %and3A = arith.andi %ne3A, %ne3A_186 : i1
      %sub3A = arith.constant 1 : i32
      %sub3A_187 = arith.subi %div3A, %sub3A : i32
      %select_n3A = arith.select %and3A, %sub3A_187, %div3A : i32
      %dma_wait3A_188 = arith.constant 0 : i32
      %dma_wait3A_189 = tpu.memref_slice %arg5[%select_n3A, %dma_wait3A_188] : memref<50x128xi32, #tpu.memory_space<vmem>> -> memref<1x64xi32, #tpu.memory_space<vmem>>
      %dma_wait3A_190 = tpu.memref_squeeze %dma_wait3A_189 : memref<1x64xi32, #tpu.memory_space<vmem>> -> memref<64xi32, #tpu.memory_space<vmem>>
      %dma_wait3A_191 = arith.constant 0 : i32
      %dma_wait3A_192 = arith.constant 0 : i32
      %dma_wait3A_193 = tpu.memref_slice %arg3[%dma_wait3A_191, %dma_wait3A_192] : memref<100000x128xf32, #tpu.memory_space<hbm>> -> memref<100000x128xf32, #tpu.memory_space<hbm>>
      tpu.wait_indirect_dma semaphore(%arg16 : memref<!tpu.dma_semaphore, #tpu.memory_space<semaphore_mem>>) src(%dma_wait3A_193 : memref<100000x128xf32, #tpu.memory_space<hbm>>) dst(%arg6 : memref<64x128xf32, #tpu.memory_space<vmem>>)
      %scan3A_194 = arith.constant 0 : i32
      %scan3A_195 = arith.constant 0 : i32
      %scan3A_196 = arith.constant 64 : i32
      %scan3A_197 = arith.addi %scan3A_195, %scan3A_196 : i32
      %scan3A_198 = arith.constant 1 : i32
      scf.for %scan3A_978 = %scan3A_195 to %scan3A_197 step %scan3A_198  : i32 {
        %get3A = arith.index_cast %scan3A_978 : i32 to index
        %get3A_979 = arith.constant 0 : index
        %get3A_980 = tpu.vector_load %arg6[%get3A, %get3A_979] {strides = array<i32>} : memref<64x128xf32, #tpu.memory_space<vmem>>, vector<1x16xf32>,
        %get3A_981 = vector.shape_cast %get3A_980 : vector<1x16xf32> to vector<16xf32>
        %mul3A_982 = arith.constant 11.3137083 : f32
        %mul3A_983 = vector.broadcast %mul3A_982 : f32 to vector<16xf32>
        %mul3A_984 = arith.mulf %get3A_981, %mul3A_983 : vector<16xf32>
        %swap3A = arith.index_cast %scan3A_978 : i32 to index
        %swap3A_985 = arith.constant 0 : index
        %swap3A_986 = tpu.vector_load %arg6[%swap3A, %swap3A_985] {strides = array<i32>} : memref<64x128xf32, #tpu.memory_space<vmem>>, vector<1x16xf32>,
        %swap3A_987 = vector.shape_cast %swap3A_986 : vector<1x16xf32> to vector<16xf32>
        %swap3A_988 = vector.shape_cast %mul3A_984 : vector<16xf32> to vector<1x16xf32>
        tpu.vector_store %arg6[%swap3A, %swap3A_985], %swap3A_988 {strides = array<i32>} : memref<64x128xf32, #tpu.memory_space<vmem>>, vector<1x16xf32>,
        %get3A_989 = arith.index_cast %scan3A_978 : i32 to index
        %get3A_990 = arith.constant 16 : index
        %get3A_991 = tpu.vector_load %arg6[%get3A_989, %get3A_990] {strides = array<i32>} : memref<64x128xf32, #tpu.memory_space<vmem>>, vector<1x16xf32>,
        %get3A_992 = vector.shape_cast %get3A_991 : vector<1x16xf32> to vector<16xf32>
        %mul3A_993 = arith.constant 11.3137083 : f32
        %mul3A_994 = vector.broadcast %mul3A_993 : f32 to vector<16xf32>
        %mul3A_995 = arith.mulf %get3A_992, %mul3A_994 : vector<16xf32>
        %swap3A_996 = arith.index_cast %scan3A_978 : i32 to index
        %swap3A_997 = arith.constant 16 : index
        %swap3A_998 = tpu.vector_load %arg6[%swap3A_996, %swap3A_997] {strides = array<i32>} : memref<64x128xf32, #tpu.memory_space<vmem>>, vector<1x16xf32>,
        %swap3A_999 = vector.shape_cast %swap3A_998 : vector<1x16xf32> to vector<16xf32>
        %swap3A_1000 = vector.shape_cast %mul3A_995 : vector<16xf32> to vector<1x16xf32>
        tpu.vector_store %arg6[%swap3A_996, %swap3A_997], %swap3A_1000 {strides = array<i32>} : memref<64x128xf32, #tpu.memory_space<vmem>>, vector<1x16xf32>,
        %get3A_1001 = arith.index_cast %scan3A_978 : i32 to index
        %get3A_1002 = arith.constant 32 : index
        %get3A_1003 = tpu.vector_load %arg6[%get3A_1001, %get3A_1002] {strides = array<i32>} : memref<64x128xf32, #tpu.memory_space<vmem>>, vector<1x16xf32>,
        %get3A_1004 = vector.shape_cast %get3A_1003 : vector<1x16xf32> to vector<16xf32>
        %mul3A_1005 = arith.constant 11.3137083 : f32
        %mul3A_1006 = vector.broadcast %mul3A_1005 : f32 to vector<16xf32>
        %mul3A_1007 = arith.mulf %get3A_1004, %mul3A_1006 : vector<16xf32>
        %swap3A_1008 = arith.index_cast %scan3A_978 : i32 to index
        %swap3A_1009 = arith.constant 32 : index
        %swap3A_1010 = tpu.vector_load %arg6[%swap3A_1008, %swap3A_1009] {strides = array<i32>} : memref<64x128xf32, #tpu.memory_space<vmem>>, vector<1x16xf32>,
        %swap3A_1011 = vector.shape_cast %swap3A_1010 : vector<1x16xf32> to vector<16xf32>
        %swap3A_1012 = vector.shape_cast %mul3A_1007 : vector<16xf32> to vector<1x16xf32>
        tpu.vector_store %arg6[%swap3A_1008, %swap3A_1009], %swap3A_1012 {strides = array<i32>} : memref<64x128xf32, #tpu.memory_space<vmem>>, vector<1x16xf32>,
        %get3A_1013 = arith.index_cast %scan3A_978 : i32 to index
        %get3A_1014 = arith.constant 48 : index
        %get3A_1015 = tpu.vector_load %arg6[%get3A_1013, %get3A_1014] {strides = array<i32>} : memref<64x128xf32, #tpu.memory_space<vmem>>, vector<1x16xf32>,
        %get3A_1016 = vector.shape_cast %get3A_1015 : vector<1x16xf32> to vector<16xf32>
        %mul3A_1017 = arith.constant 11.3137083 : f32
        %mul3A_1018 = vector.broadcast %mul3A_1017 : f32 to vector<16xf32>
        %mul3A_1019 = arith.mulf %get3A_1016, %mul3A_1018 : vector<16xf32>
        %swap3A_1020 = arith.index_cast %scan3A_978 : i32 to index
        %swap3A_1021 = arith.constant 48 : index
        %swap3A_1022 = tpu.vector_load %arg6[%swap3A_1020, %swap3A_1021] {strides = array<i32>} : memref<64x128xf32, #tpu.memory_space<vmem>>, vector<1x16xf32>,
        %swap3A_1023 = vector.shape_cast %swap3A_1022 : vector<1x16xf32> to vector<16xf32>
        %swap3A_1024 = vector.shape_cast %mul3A_1019 : vector<16xf32> to vector<1x16xf32>
        tpu.vector_store %arg6[%swap3A_1020, %swap3A_1021], %swap3A_1024 {strides = array<i32>} : memref<64x128xf32, #tpu.memory_space<vmem>>, vector<1x16xf32>,
        %get3A_1025 = arith.index_cast %scan3A_978 : i32 to index
        %get3A_1026 = arith.constant 64 : index
        %get3A_1027 = tpu.vector_load %arg6[%get3A_1025, %get3A_1026] {strides = array<i32>} : memref<64x128xf32, #tpu.memory_space<vmem>>, vector<1x16xf32>,
        %get3A_1028 = vector.shape_cast %get3A_1027 : vector<1x16xf32> to vector<16xf32>
        %mul3A_1029 = arith.constant 11.3137083 : f32
        %mul3A_1030 = vector.broadcast %mul3A_1029 : f32 to vector<16xf32>
        %mul3A_1031 = arith.mulf %get3A_1028, %mul3A_1030 : vector<16xf32>
        %swap3A_1032 = arith.index_cast %scan3A_978 : i32 to index
        %swap3A_1033 = arith.constant 64 : index
        %swap3A_1034 = tpu.vector_load %arg6[%swap3A_1032, %swap3A_1033] {strides = array<i32>} : memref<64x128xf32, #tpu.memory_space<vmem>>, vector<1x16xf32>,
        %swap3A_1035 = vector.shape_cast %swap3A_1034 : vector<1x16xf32> to vector<16xf32>
        %swap3A_1036 = vector.shape_cast %mul3A_1031 : vector<16xf32> to vector<1x16xf32>
        tpu.vector_store %arg6[%swap3A_1032, %swap3A_1033], %swap3A_1036 {strides = array<i32>} : memref<64x128xf32, #tpu.memory_space<vmem>>, vector<1x16xf32>,
        %get3A_1037 = arith.index_cast %scan3A_978 : i32 to index
        %get3A_1038 = arith.constant 80 : index
        %get3A_1039 = tpu.vector_load %arg6[%get3A_1037, %get3A_1038] {strides = array<i32>} : memref<64x128xf32, #tpu.memory_space<vmem>>, vector<1x16xf32>,
        %get3A_1040 = vector.shape_cast %get3A_1039 : vector<1x16xf32> to vector<16xf32>
        %mul3A_1041 = arith.constant 11.3137083 : f32
        %mul3A_1042 = vector.broadcast %mul3A_1041 : f32 to vector<16xf32>
        %mul3A_1043 = arith.mulf %get3A_1040, %mul3A_1042 : vector<16xf32>
        %swap3A_1044 = arith.index_cast %scan3A_978 : i32 to index
        %swap3A_1045 = arith.constant 80 : index
        %swap3A_1046 = tpu.vector_load %arg6[%swap3A_1044, %swap3A_1045] {strides = array<i32>} : memref<64x128xf32, #tpu.memory_space<vmem>>, vector<1x16xf32>,
        %swap3A_1047 = vector.shape_cast %swap3A_1046 : vector<1x16xf32> to vector<16xf32>
        %swap3A_1048 = vector.shape_cast %mul3A_1043 : vector<16xf32> to vector<1x16xf32>
        tpu.vector_store %arg6[%swap3A_1044, %swap3A_1045], %swap3A_1048 {strides = array<i32>} : memref<64x128xf32, #tpu.memory_space<vmem>>, vector<1x16xf32>,
        %get3A_1049 = arith.index_cast %scan3A_978 : i32 to index
        %get3A_1050 = arith.constant 96 : index
        %get3A_1051 = tpu.vector_load %arg6[%get3A_1049, %get3A_1050] {strides = array<i32>} : memref<64x128xf32, #tpu.memory_space<vmem>>, vector<1x16xf32>,
        %get3A_1052 = vector.shape_cast %get3A_1051 : vector<1x16xf32> to vector<16xf32>
        %mul3A_1053 = arith.constant 11.3137083 : f32
        %mul3A_1054 = vector.broadcast %mul3A_1053 : f32 to vector<16xf32>
        %mul3A_1055 = arith.mulf %get3A_1052, %mul3A_1054 : vector<16xf32>
        %swap3A_1056 = arith.index_cast %scan3A_978 : i32 to index
        %swap3A_1057 = arith.constant 96 : index
        %swap3A_1058 = tpu.vector_load %arg6[%swap3A_1056, %swap3A_1057] {strides = array<i32>} : memref<64x128xf32, #tpu.memory_space<vmem>>, vector<1x16xf32>,
        %swap3A_1059 = vector.shape_cast %swap3A_1058 : vector<1x16xf32> to vector<16xf32>
        %swap3A_1060 = vector.shape_cast %mul3A_1055 : vector<16xf32> to vector<1x16xf32>
        tpu.vector_store %arg6[%swap3A_1056, %swap3A_1057], %swap3A_1060 {strides = array<i32>} : memref<64x128xf32, #tpu.memory_space<vmem>>, vector<1x16xf32>,
        %get3A_1061 = arith.index_cast %scan3A_978 : i32 to index
        %get3A_1062 = arith.constant 112 : index
        %get3A_1063 = tpu.vector_load %arg6[%get3A_1061, %get3A_1062] {strides = array<i32>} : memref<64x128xf32, #tpu.memory_space<vmem>>, vector<1x16xf32>,
        %get3A_1064 = vector.shape_cast %get3A_1063 : vector<1x16xf32> to vector<16xf32>
        %mul3A_1065 = arith.constant 11.3137083 : f32
        %mul3A_1066 = vector.broadcast %mul3A_1065 : f32 to vector<16xf32>
        %mul3A_1067 = arith.mulf %get3A_1064, %mul3A_1066 : vector<16xf32>
        %swap3A_1068 = arith.index_cast %scan3A_978 : i32 to index
        %swap3A_1069 = arith.constant 112 : index
        %swap3A_1070 = tpu.vector_load %arg6[%swap3A_1068, %swap3A_1069] {strides = array<i32>} : memref<64x128xf32, #tpu.memory_space<vmem>>, vector<1x16xf32>,
        %swap3A_1071 = vector.shape_cast %swap3A_1070 : vector<1x16xf32> to vector<16xf32>
        %swap3A_1072 = vector.shape_cast %mul3A_1067 : vector<16xf32> to vector<1x16xf32>
        tpu.vector_store %arg6[%swap3A_1068, %swap3A_1069], %swap3A_1072 {strides = array<i32>} : memref<64x128xf32, #tpu.memory_space<vmem>>, vector<1x16xf32>,
      }
      %scan3A_199 = arith.constant 64 : i32
      %jit3A_200 = arith.constant 2 : i32
      %div3A_201 = arith.divsi %add3A_171, %jit3A_200 : i32
      %sign3A_202 = arith.constant 0 : i32
      %sign3A_203 = arith.cmpi sgt, %add3A_171, %sign3A_202 : i32
      %sign3A_204 = arith.extui %sign3A_203 : i1 to i32
      %sign3A_205 = arith.constant 0 : i32
      %sign3A_206 = arith.cmpi slt, %add3A_171, %sign3A_205 : i32
      %sign3A_207 = arith.extui %sign3A_206 : i1 to i32
      %sign3A_208 = arith.subi %sign3A_204, %sign3A_207 : i32
      %sign3A_209 = arith.constant 0 : i32
      %sign3A_210 = arith.cmpi sgt, %jit3A_200, %sign3A_209 : i32
      %sign3A_211 = arith.extui %sign3A_210 : i1 to i32
      %sign3A_212 = arith.constant 0 : i32
      %sign3A_213 = arith.cmpi slt, %jit3A_200, %sign3A_212 : i32
      %sign3A_214 = arith.extui %sign3A_213 : i1 to i32
      %sign3A_215 = arith.subi %sign3A_211, %sign3A_214 : i32
      %ne3A_216 = arith.cmpi ne, %sign3A_208, %sign3A_215 : i32
      %rem3A_217 = arith.remsi %add3A_171, %jit3A_200 : i32
      %ne3A_218 = arith.constant 0 : i32
      %ne3A_219 = arith.cmpi ne, %rem3A_217, %ne3A_218 : i32
      %and3A_220 = arith.andi %ne3A_216, %ne3A_219 : i1
      %sub3A_221 = arith.constant 1 : i32
      %sub3A_222 = arith.subi %div3A_201, %sub3A_221 : i32
      %select_n3A_223 = arith.select %and3A_220, %sub3A_222, %div3A_201 : i32
      %add3A_224 = arith.constant 0 : i32
      %add3A_225 = arith.addi %mul3A_2, %add3A_224 : i32
      %dma_start3A_226 = arith.constant 0 : i32
      %dma_start3A_227 = tpu.memref_slice %arg4[%select_n3A_223, %add3A_225, %dma_start3A_226] : memref<50x4096x128xf32, #tpu.memory_space<hbm>> -> memref<1x64x128xf32, #tpu.memory_space<hbm>>
      %dma_start3A_228 = tpu.memref_squeeze %dma_start3A_227 : memref<1x64x128xf32, #tpu.memory_space<hbm>> -> memref<64x128xf32, #tpu.memory_space<hbm>>
      %dma_start3A_229 = arith.constant 0 : i32
      %dma_start3A_230 = tpu.memref_slice %arg4[%select_n3A_223, %add3A_225, %dma_start3A_229] : memref<50x4096x128xf32, #tpu.memory_space<hbm>> -> memref<1x64x128xf32, #tpu.memory_space<hbm>>
      %dma_start3A_231 = tpu.memref_squeeze %dma_start3A_230 : memref<1x64x128xf32, #tpu.memory_space<hbm>> -> memref<64x128xf32, #tpu.memory_space<hbm>>
      tpu.enqueue_dma source(%arg6 : memref<64x128xf32, #tpu.memory_space<vmem>>) target(%dma_start3A_231 : memref<64x128xf32, #tpu.memory_space<hbm>>) target_semaphore(%arg26 : memref<!tpu.dma_semaphore, #tpu.memory_space<semaphore_mem>>)
      %sub3A_232 = arith.constant 3 : i32
      %sub3A_233 = arith.subi %add3A_171, %sub3A_232 : i32
      %ge3A = arith.constant 0 : i32
      %ge3A_234 = arith.cmpi sge, %sub3A_233, %ge3A : i32
      %add3A_235 = arith.constant 10 : i32
      %add3A_236 = arith.addi %sub3A_233, %add3A_235 : i32
      %lt3A = arith.constant 100 : i32
      %lt3A_237 = arith.cmpi slt, %add3A_236, %lt3A : i32
      %and3A_238 = arith.andi %ge3A_234, %lt3A_237 : i1
      %convert_element_type3A = arith.extui %and3A_238 : i1 to i32
      %cond3A = arith.constant 0 : i32
      %cond3A_239 = arith.cmpi ne, %convert_element_type3A, %cond3A : i32
      scf.if %cond3A_239 {
        %jit3A_978 = arith.constant 2 : i32
        %div3A_979 = arith.divsi %sub3A_233, %jit3A_978 : i32
        %sign3A_980 = arith.constant 0 : i32
        %sign3A_981 = arith.cmpi sgt, %sub3A_233, %sign3A_980 : i32
        %sign3A_982 = arith.extui %sign3A_981 : i1 to i32
        %sign3A_983 = arith.constant 0 : i32
        %sign3A_984 = arith.cmpi slt, %sub3A_233, %sign3A_983 : i32
        %sign3A_985 = arith.extui %sign3A_984 : i1 to i32
        %sign3A_986 = arith.subi %sign3A_982, %sign3A_985 : i32
        %sign3A_987 = arith.constant 0 : i32
        %sign3A_988 = arith.cmpi sgt, %jit3A_978, %sign3A_987 : i32
        %sign3A_989 = arith.extui %sign3A_988 : i1 to i32
        %sign3A_990 = arith.constant 0 : i32
        %sign3A_991 = arith.cmpi slt, %jit3A_978, %sign3A_990 : i32
        %sign3A_992 = arith.extui %sign3A_991 : i1 to i32
        %sign3A_993 = arith.subi %sign3A_989, %sign3A_992 : i32
        %ne3A_994 = arith.cmpi ne, %sign3A_986, %sign3A_993 : i32
        %rem3A_995 = arith.remsi %sub3A_233, %jit3A_978 : i32
        %ne3A_996 = arith.constant 0 : i32
        %ne3A_997 = arith.cmpi ne, %rem3A_995, %ne3A_996 : i32
        %and3A_998 = arith.andi %ne3A_994, %ne3A_997 : i1
        %sub3A_999 = arith.constant 1 : i32
        %sub3A_1000 = arith.subi %div3A_979, %sub3A_999 : i32
        %select_n3A_1001 = arith.select %and3A_998, %sub3A_1000, %div3A_979 : i32
        %add3A_1002 = arith.constant 64 : i32
        %add3A_1003 = arith.addi %mul3A_2, %add3A_1002 : i32
        %dma_wait3A_1004 = arith.constant 0 : i32
        %dma_wait3A_1005 = tpu.memref_slice %arg4[%select_n3A_1001, %add3A_1003, %dma_wait3A_1004] : memref<50x4096x128xf32, #tpu.memory_space<hbm>> -> memref<1x64x128xf32, #tpu.memory_space<hbm>>
        %dma_wait3A_1006 = tpu.memref_squeeze %dma_wait3A_1005 : memref<1x64x128xf32, #tpu.memory_space<hbm>> -> memref<64x128xf32, #tpu.memory_space<hbm>>
        %dma_wait3A_1007 = arith.constant 0 : i32
        %dma_wait3A_1008 = tpu.memref_slice %arg4[%select_n3A_1001, %add3A_1003, %dma_wait3A_1007] : memref<50x4096x128xf32, #tpu.memory_space<hbm>> -> memref<1x64x128xf32, #tpu.memory_space<hbm>>
        %dma_wait3A_1009 = tpu.memref_squeeze %dma_wait3A_1008 : memref<1x64x128xf32, #tpu.memory_space<hbm>> -> memref<64x128xf32, #tpu.memory_space<hbm>>
        tpu.wait_dma2 semaphore(%arg33 : memref<!tpu.dma_semaphore, #tpu.memory_space<semaphore_mem>>) src(%arg13 : memref<64x128xf32, #tpu.memory_space<vmem>>) dst(%dma_wait3A_1009 : memref<64x128xf32, #tpu.memory_space<hbm>>)
        %add3A_1010 = arith.constant 10 : i32
        %add3A_1011 = arith.addi %sub3A_233, %add3A_1010 : i32
        %jit3A_1012 = arith.constant 2 : i32
        %div3A_1013 = arith.divsi %add3A_1011, %jit3A_1012 : i32
        %sign3A_1014 = arith.constant 0 : i32
        %sign3A_1015 = arith.cmpi sgt, %add3A_1011, %sign3A_1014 : i32
        %sign3A_1016 = arith.extui %sign3A_1015 : i1 to i32
        %sign3A_1017 = arith.constant 0 : i32
        %sign3A_1018 = arith.cmpi slt, %add3A_1011, %sign3A_1017 : i32
        %sign3A_1019 = arith.extui %sign3A_1018 : i1 to i32
        %sign3A_1020 = arith.subi %sign3A_1016, %sign3A_1019 : i32
        %sign3A_1021 = arith.constant 0 : i32
        %sign3A_1022 = arith.cmpi sgt, %jit3A_1012, %sign3A_1021 : i32
        %sign3A_1023 = arith.extui %sign3A_1022 : i1 to i32
        %sign3A_1024 = arith.constant 0 : i32
        %sign3A_1025 = arith.cmpi slt, %jit3A_1012, %sign3A_1024 : i32
        %sign3A_1026 = arith.extui %sign3A_1025 : i1 to i32
        %sign3A_1027 = arith.subi %sign3A_1023, %sign3A_1026 : i32
        %ne3A_1028 = arith.cmpi ne, %sign3A_1020, %sign3A_1027 : i32
        %rem3A_1029 = arith.remsi %add3A_1011, %jit3A_1012 : i32
        %ne3A_1030 = arith.constant 0 : i32
        %ne3A_1031 = arith.cmpi ne, %rem3A_1029, %ne3A_1030 : i32
        %and3A_1032 = arith.andi %ne3A_1028, %ne3A_1031 : i1
        %sub3A_1033 = arith.constant 1 : i32
        %sub3A_1034 = arith.subi %div3A_1013, %sub3A_1033 : i32
        %select_n3A_1035 = arith.select %and3A_1032, %sub3A_1034, %div3A_1013 : i32
        %dma_start3A_1036 = arith.constant 64 : i32
        %dma_start3A_1037 = tpu.memref_slice %arg5[%select_n3A_1035, %dma_start3A_1036] : memref<50x128xi32, #tpu.memory_space<vmem>> -> memref<1x64xi32, #tpu.memory_space<vmem>>
        %dma_start3A_1038 = tpu.memref_squeeze %dma_start3A_1037 : memref<1x64xi32, #tpu.memory_space<vmem>> -> memref<64xi32, #tpu.memory_space<vmem>>
        %dma_start3A_1039 = arith.constant 0 : i32
        %dma_start3A_1040 = arith.constant 0 : i32
        %dma_start3A_1041 = tpu.memref_slice %arg3[%dma_start3A_1039, %dma_start3A_1040] : memref<100000x128xf32, #tpu.memory_space<hbm>> -> memref<100000x128xf32, #tpu.memory_space<hbm>>
        tpu.enqueue_indirect_dma source(%dma_start3A_1041 : memref<100000x128xf32, #tpu.memory_space<hbm>>) target(%arg13 : memref<64x128xf32, #tpu.memory_space<vmem>>) offsets(%dma_start3A_1038 : memref<64xi32, #tpu.memory_space<vmem>>) semaphore(%arg23 : memref<!tpu.dma_semaphore, #tpu.memory_space<semaphore_mem>>)
      } else {
      }
      %add3A_240 = arith.constant 1 : i32
      %add3A_241 = arith.addi %add3A_169, %add3A_240 : i32
      %jit3A_242 = arith.constant 2 : i32
      %div3A_243 = arith.divsi %add3A_241, %jit3A_242 : i32
      %sign3A_244 = arith.constant 0 : i32
      %sign3A_245 = arith.cmpi sgt, %add3A_241, %sign3A_244 : i32
      %sign3A_246 = arith.extui %sign3A_245 : i1 to i32
      %sign3A_247 = arith.constant 0 : i32
      %sign3A_248 = arith.cmpi slt, %add3A_241, %sign3A_247 : i32
      %sign3A_249 = arith.extui %sign3A_248 : i1 to i32
      %sign3A_250 = arith.subi %sign3A_246, %sign3A_249 : i32
      %sign3A_251 = arith.constant 0 : i32
      %sign3A_252 = arith.cmpi sgt, %jit3A_242, %sign3A_251 : i32
      %sign3A_253 = arith.extui %sign3A_252 : i1 to i32
      %sign3A_254 = arith.constant 0 : i32
      %sign3A_255 = arith.cmpi slt, %jit3A_242, %sign3A_254 : i32
      %sign3A_256 = arith.extui %sign3A_255 : i1 to i32
      %sign3A_257 = arith.subi %sign3A_253, %sign3A_256 : i32
      %ne3A_258 = arith.cmpi ne, %sign3A_250, %sign3A_257 : i32
      %rem3A_259 = arith.remsi %add3A_241, %jit3A_242 : i32
      %ne3A_260 = arith.constant 0 : i32
      %ne3A_261 = arith.cmpi ne, %rem3A_259, %ne3A_260 : i32
      %and3A_262 = arith.andi %ne3A_258, %ne3A_261 : i1
      %sub3A_263 = arith.constant 1 : i32
      %sub3A_264 = arith.subi %div3A_243, %sub3A_263 : i32
      %select_n3A_265 = arith.select %and3A_262, %sub3A_264, %div3A_243 : i32
      %dma_wait3A_266 = arith.constant 64 : i32
      %dma_wait3A_267 = tpu.memref_slice %arg5[%select_n3A_265, %dma_wait3A_266] : memref<50x128xi32, #tpu.memory_space<vmem>> -> memref<1x64xi32, #tpu.memory_space<vmem>>
      %dma_wait3A_268 = tpu.memref_squeeze %dma_wait3A_267 : memref<1x64xi32, #tpu.memory_space<vmem>> -> memref<64xi32, #tpu.memory_space<vmem>>
      %dma_wait3A_269 = arith.constant 0 : i32
      %dma_wait3A_270 = arith.constant 0 : i32
      %dma_wait3A_271 = tpu.memref_slice %arg3[%dma_wait3A_269, %dma_wait3A_270] : memref<100000x128xf32, #tpu.memory_space<hbm>> -> memref<100000x128xf32, #tpu.memory_space<hbm>>
      tpu.wait_indirect_dma semaphore(%arg17 : memref<!tpu.dma_semaphore, #tpu.memory_space<semaphore_mem>>) src(%dma_wait3A_271 : memref<100000x128xf32, #tpu.memory_space<hbm>>) dst(%arg7 : memref<64x128xf32, #tpu.memory_space<vmem>>)
      %scan3A_272 = arith.constant 0 : i32
      %scan3A_273 = arith.constant 0 : i32
      %scan3A_274 = arith.constant 64 : i32
      %scan3A_275 = arith.addi %scan3A_273, %scan3A_274 : i32
      %scan3A_276 = arith.constant 1 : i32
      scf.for %scan3A_978 = %scan3A_273 to %scan3A_275 step %scan3A_276  : i32 {
        %get3A = arith.index_cast %scan3A_978 : i32 to index
        %get3A_979 = arith.constant 0 : index
        %get3A_980 = tpu.vector_load %arg7[%get3A, %get3A_979] {strides = array<i32>} : memref<64x128xf32, #tpu.memory_space<vmem>>, vector<1x16xf32>,
        %get3A_981 = vector.shape_cast %get3A_980 : vector<1x16xf32> to vector<16xf32>
        %mul3A_982 = arith.constant 11.3137083 : f32
        %mul3A_983 = vector.broadcast %mul3A_982 : f32 to vector<16xf32>
        %mul3A_984 = arith.mulf %get3A_981, %mul3A_983 : vector<16xf32>
        %swap3A = arith.index_cast %scan3A_978 : i32 to index
        %swap3A_985 = arith.constant 0 : index
        %swap3A_986 = tpu.vector_load %arg7[%swap3A, %swap3A_985] {strides = array<i32>} : memref<64x128xf32, #tpu.memory_space<vmem>>, vector<1x16xf32>,
        %swap3A_987 = vector.shape_cast %swap3A_986 : vector<1x16xf32> to vector<16xf32>
        %swap3A_988 = vector.shape_cast %mul3A_984 : vector<16xf32> to vector<1x16xf32>
        tpu.vector_store %arg7[%swap3A, %swap3A_985], %swap3A_988 {strides = array<i32>} : memref<64x128xf32, #tpu.memory_space<vmem>>, vector<1x16xf32>,
        %get3A_989 = arith.index_cast %scan3A_978 : i32 to index
        %get3A_990 = arith.constant 16 : index
        %get3A_991 = tpu.vector_load %arg7[%get3A_989, %get3A_990] {strides = array<i32>} : memref<64x128xf32, #tpu.memory_space<vmem>>, vector<1x16xf32>,
        %get3A_992 = vector.shape_cast %get3A_991 : vector<1x16xf32> to vector<16xf32>
        %mul3A_993 = arith.constant 11.3137083 : f32
        %mul3A_994 = vector.broadcast %mul3A_993 : f32 to vector<16xf32>
        %mul3A_995 = arith.mulf %get3A_992, %mul3A_994 : vector<16xf32>
        %swap3A_996 = arith.index_cast %scan3A_978 : i32 to index
        %swap3A_997 = arith.constant 16 : index
        %swap3A_998 = tpu.vector_load %arg7[%swap3A_996, %swap3A_997] {strides = array<i32>} : memref<64x128xf32, #tpu.memory_space<vmem>>, vector<1x16xf32>,
        %swap3A_999 = vector.shape_cast %swap3A_998 : vector<1x16xf32> to vector<16xf32>
        %swap3A_1000 = vector.shape_cast %mul3A_995 : vector<16xf32> to vector<1x16xf32>
        tpu.vector_store %arg7[%swap3A_996, %swap3A_997], %swap3A_1000 {strides = array<i32>} : memref<64x128xf32, #tpu.memory_space<vmem>>, vector<1x16xf32>,
        %get3A_1001 = arith.index_cast %scan3A_978 : i32 to index
        %get3A_1002 = arith.constant 32 : index
        %get3A_1003 = tpu.vector_load %arg7[%get3A_1001, %get3A_1002] {strides = array<i32>} : memref<64x128xf32, #tpu.memory_space<vmem>>, vector<1x16xf32>,
        %get3A_1004 = vector.shape_cast %get3A_1003 : vector<1x16xf32> to vector<16xf32>
        %mul3A_1005 = arith.constant 11.3137083 : f32
        %mul3A_1006 = vector.broadcast %mul3A_1005 : f32 to vector<16xf32>
        %mul3A_1007 = arith.mulf %get3A_1004, %mul3A_1006 : vector<16xf32>
        %swap3A_1008 = arith.index_cast %scan3A_978 : i32 to index
        %swap3A_1009 = arith.constant 32 : index
        %swap3A_1010 = tpu.vector_load %arg7[%swap3A_1008, %swap3A_1009] {strides = array<i32>} : memref<64x128xf32, #tpu.memory_space<vmem>>, vector<1x16xf32>,
        %swap3A_1011 = vector.shape_cast %swap3A_1010 : vector<1x16xf32> to vector<16xf32>
        %swap3A_1012 = vector.shape_cast %mul3A_1007 : vector<16xf32> to vector<1x16xf32>
        tpu.vector_store %arg7[%swap3A_1008, %swap3A_1009], %swap3A_1012 {strides = array<i32>} : memref<64x128xf32, #tpu.memory_space<vmem>>, vector<1x16xf32>,
        %get3A_1013 = arith.index_cast %scan3A_978 : i32 to index
        %get3A_1014 = arith.constant 48 : index
        %get3A_1015 = tpu.vector_load %arg7[%get3A_1013, %get3A_1014] {strides = array<i32>} : memref<64x128xf32, #tpu.memory_space<vmem>>, vector<1x16xf32>,
        %get3A_1016 = vector.shape_cast %get3A_1015 : vector<1x16xf32> to vector<16xf32>
        %mul3A_1017 = arith.constant 11.3137083 : f32
        %mul3A_1018 = vector.broadcast %mul3A_1017 : f32 to vector<16xf32>
        %mul3A_1019 = arith.mulf %get3A_1016, %mul3A_1018 : vector<16xf32>
        %swap3A_1020 = arith.index_cast %scan3A_978 : i32 to index
        %swap3A_1021 = arith.constant 48 : index
        %swap3A_1022 = tpu.vector_load %arg7[%swap3A_1020, %swap3A_1021] {strides = array<i32>} : memref<64x128xf32, #tpu.memory_space<vmem>>, vector<1x16xf32>,
        %swap3A_1023 = vector.shape_cast %swap3A_1022 : vector<1x16xf32> to vector<16xf32>
        %swap3A_1024 = vector.shape_cast %mul3A_1019 : vector<16xf32> to vector<1x16xf32>
        tpu.vector_store %arg7[%swap3A_1020, %swap3A_1021], %swap3A_1024 {strides = array<i32>} : memref<64x128xf32, #tpu.memory_space<vmem>>, vector<1x16xf32>,
        %get3A_1025 = arith.index_cast %scan3A_978 : i32 to index
        %get3A_1026 = arith.constant 64 : index
        %get3A_1027 = tpu.vector_load %arg7[%get3A_1025, %get3A_1026] {strides = array<i32>} : memref<64x128xf32, #tpu.memory_space<vmem>>, vector<1x16xf32>,
        %get3A_1028 = vector.shape_cast %get3A_1027 : vector<1x16xf32> to vector<16xf32>
        %mul3A_1029 = arith.constant 11.3137083 : f32
        %mul3A_1030 = vector.broadcast %mul3A_1029 : f32 to vector<16xf32>
        %mul3A_1031 = arith.mulf %get3A_1028, %mul3A_1030 : vector<16xf32>
        %swap3A_1032 = arith.index_cast %scan3A_978 : i32 to index
        %swap3A_1033 = arith.constant 64 : index
        %swap3A_1034 = tpu.vector_load %arg7[%swap3A_1032, %swap3A_1033] {strides = array<i32>} : memref<64x128xf32, #tpu.memory_space<vmem>>, vector<1x16xf32>,
        %swap3A_1035 = vector.shape_cast %swap3A_1034 : vector<1x16xf32> to vector<16xf32>
        %swap3A_1036 = vector.shape_cast %mul3A_1031 : vector<16xf32> to vector<1x16xf32>
        tpu.vector_store %arg7[%swap3A_1032, %swap3A_1033], %swap3A_1036 {strides = array<i32>} : memref<64x128xf32, #tpu.memory_space<vmem>>, vector<1x16xf32>,
        %get3A_1037 = arith.index_cast %scan3A_978 : i32 to index
        %get3A_1038 = arith.constant 80 : index
        %get3A_1039 = tpu.vector_load %arg7[%get3A_1037, %get3A_1038] {strides = array<i32>} : memref<64x128xf32, #tpu.memory_space<vmem>>, vector<1x16xf32>,
        %get3A_1040 = vector.shape_cast %get3A_1039 : vector<1x16xf32> to vector<16xf32>
        %mul3A_1041 = arith.constant 11.3137083 : f32
        %mul3A_1042 = vector.broadcast %mul3A_1041 : f32 to vector<16xf32>
        %mul3A_1043 = arith.mulf %get3A_1040, %mul3A_1042 : vector<16xf32>
        %swap3A_1044 = arith.index_cast %scan3A_978 : i32 to index
        %swap3A_1045 = arith.constant 80 : index
        %swap3A_1046 = tpu.vector_load %arg7[%swap3A_1044, %swap3A_1045] {strides = array<i32>} : memref<64x128xf32, #tpu.memory_space<vmem>>, vector<1x16xf32>,
        %swap3A_1047 = vector.shape_cast %swap3A_1046 : vector<1x16xf32> to vector<16xf32>
        %swap3A_1048 = vector.shape_cast %mul3A_1043 : vector<16xf32> to vector<1x16xf32>
        tpu.vector_store %arg7[%swap3A_1044, %swap3A_1045], %swap3A_1048 {strides = array<i32>} : memref<64x128xf32, #tpu.memory_space<vmem>>, vector<1x16xf32>,
        %get3A_1049 = arith.index_cast %scan3A_978 : i32 to index
        %get3A_1050 = arith.constant 96 : index
        %get3A_1051 = tpu.vector_load %arg7[%get3A_1049, %get3A_1050] {strides = array<i32>} : memref<64x128xf32, #tpu.memory_space<vmem>>, vector<1x16xf32>,
        %get3A_1052 = vector.shape_cast %get3A_1051 : vector<1x16xf32> to vector<16xf32>
        %mul3A_1053 = arith.constant 11.3137083 : f32
        %mul3A_1054 = vector.broadcast %mul3A_1053 : f32 to vector<16xf32>
        %mul3A_1055 = arith.mulf %get3A_1052, %mul3A_1054 : vector<16xf32>
        %swap3A_1056 = arith.index_cast %scan3A_978 : i32 to index
        %swap3A_1057 = arith.constant 96 : index
        %swap3A_1058 = tpu.vector_load %arg7[%swap3A_1056, %swap3A_1057] {strides = array<i32>} : memref<64x128xf32, #tpu.memory_space<vmem>>, vector<1x16xf32>,
        %swap3A_1059 = vector.shape_cast %swap3A_1058 : vector<1x16xf32> to vector<16xf32>
        %swap3A_1060 = vector.shape_cast %mul3A_1055 : vector<16xf32> to vector<1x16xf32>
        tpu.vector_store %arg7[%swap3A_1056, %swap3A_1057], %swap3A_1060 {strides = array<i32>} : memref<64x128xf32, #tpu.memory_space<vmem>>, vector<1x16xf32>,
        %get3A_1061 = arith.index_cast %scan3A_978 : i32 to index
        %get3A_1062 = arith.constant 112 : index
        %get3A_1063 = tpu.vector_load %arg7[%get3A_1061, %get3A_1062] {strides = array<i32>} : memref<64x128xf32, #tpu.memory_space<vmem>>, vector<1x16xf32>,
        %get3A_1064 = vector.shape_cast %get3A_1063 : vector<1x16xf32> to vector<16xf32>
        %mul3A_1065 = arith.constant 11.3137083 : f32
        %mul3A_1066 = vector.broadcast %mul3A_1065 : f32 to vector<16xf32>
        %mul3A_1067 = arith.mulf %get3A_1064, %mul3A_1066 : vector<16xf32>
        %swap3A_1068 = arith.index_cast %scan3A_978 : i32 to index
        %swap3A_1069 = arith.constant 112 : index
        %swap3A_1070 = tpu.vector_load %arg7[%swap3A_1068, %swap3A_1069] {strides = array<i32>} : memref<64x128xf32, #tpu.memory_space<vmem>>, vector<1x16xf32>,
        %swap3A_1071 = vector.shape_cast %swap3A_1070 : vector<1x16xf32> to vector<16xf32>
        %swap3A_1072 = vector.shape_cast %mul3A_1067 : vector<16xf32> to vector<1x16xf32>
        tpu.vector_store %arg7[%swap3A_1068, %swap3A_1069], %swap3A_1072 {strides = array<i32>} : memref<64x128xf32, #tpu.memory_space<vmem>>, vector<1x16xf32>,
      }
      %scan3A_277 = arith.constant 64 : i32
      %jit3A_278 = arith.constant 2 : i32
      %div3A_279 = arith.divsi %add3A_241, %jit3A_278 : i32
      %sign3A_280 = arith.constant 0 : i32
      %sign3A_281 = arith.cmpi sgt, %add3A_241, %sign3A_280 : i32
      %sign3A_282 = arith.extui %sign3A_281 : i1 to i32
      %sign3A_283 = arith.constant 0 : i32
      %sign3A_284 = arith.cmpi slt, %add3A_241, %sign3A_283 : i32
      %sign3A_285 = arith.extui %sign3A_284 : i1 to i32
      %sign3A_286 = arith.subi %sign3A_282, %sign3A_285 : i32
      %sign3A_287 = arith.constant 0 : i32
      %sign3A_288 = arith.cmpi sgt, %jit3A_278, %sign3A_287 : i32
      %sign3A_289 = arith.extui %sign3A_288 : i1 to i32
      %sign3A_290 = arith.constant 0 : i32
      %sign3A_291 = arith.cmpi slt, %jit3A_278, %sign3A_290 : i32
      %sign3A_292 = arith.extui %sign3A_291 : i1 to i32
      %sign3A_293 = arith.subi %sign3A_289, %sign3A_292 : i32
      %ne3A_294 = arith.cmpi ne, %sign3A_286, %sign3A_293 : i32
      %rem3A_295 = arith.remsi %add3A_241, %jit3A_278 : i32
      %ne3A_296 = arith.constant 0 : i32
      %ne3A_297 = arith.cmpi ne, %rem3A_295, %ne3A_296 : i32
      %and3A_298 = arith.andi %ne3A_294, %ne3A_297 : i1
      %sub3A_299 = arith.constant 1 : i32
      %sub3A_300 = arith.subi %div3A_279, %sub3A_299 : i32
      %select_n3A_301 = arith.select %and3A_298, %sub3A_300, %div3A_279 : i32
      %add3A_302 = arith.constant 64 : i32
      %add3A_303 = arith.addi %mul3A_2, %add3A_302 : i32
      %dma_start3A_304 = arith.constant 0 : i32
      %dma_start3A_305 = tpu.memref_slice %arg4[%select_n3A_301, %add3A_303, %dma_start3A_304] : memref<50x4096x128xf32, #tpu.memory_space<hbm>> -> memref<1x64x128xf32, #tpu.memory_space<hbm>>
      %dma_start3A_306 = tpu.memref_squeeze %dma_start3A_305 : memref<1x64x128xf32, #tpu.memory_space<hbm>> -> memref<64x128xf32, #tpu.memory_space<hbm>>
      %dma_start3A_307 = arith.constant 0 : i32
      %dma_start3A_308 = tpu.memref_slice %arg4[%select_n3A_301, %add3A_303, %dma_start3A_307] : memref<50x4096x128xf32, #tpu.memory_space<hbm>> -> memref<1x64x128xf32, #tpu.memory_space<hbm>>
      %dma_start3A_309 = tpu.memref_squeeze %dma_start3A_308 : memref<1x64x128xf32, #tpu.memory_space<hbm>> -> memref<64x128xf32, #tpu.memory_space<hbm>>
      tpu.enqueue_dma source(%arg7 : memref<64x128xf32, #tpu.memory_space<vmem>>) target(%dma_start3A_309 : memref<64x128xf32, #tpu.memory_space<hbm>>) target_semaphore(%arg27 : memref<!tpu.dma_semaphore, #tpu.memory_space<semaphore_mem>>)
      %sub3A_310 = arith.constant 3 : i32
      %sub3A_311 = arith.subi %add3A_241, %sub3A_310 : i32
      %ge3A_312 = arith.constant 0 : i32
      %ge3A_313 = arith.cmpi sge, %sub3A_311, %ge3A_312 : i32
      %add3A_314 = arith.constant 10 : i32
      %add3A_315 = arith.addi %sub3A_311, %add3A_314 : i32
      %lt3A_316 = arith.constant 100 : i32
      %lt3A_317 = arith.cmpi slt, %add3A_315, %lt3A_316 : i32
      %and3A_318 = arith.andi %ge3A_313, %lt3A_317 : i1
      %convert_element_type3A_319 = arith.extui %and3A_318 : i1 to i32
      %cond3A_320 = arith.constant 0 : i32
      %cond3A_321 = arith.cmpi ne, %convert_element_type3A_319, %cond3A_320 : i32
      scf.if %cond3A_321 {
        %jit3A_978 = arith.constant 2 : i32
        %div3A_979 = arith.divsi %sub3A_311, %jit3A_978 : i32
        %sign3A_980 = arith.constant 0 : i32
        %sign3A_981 = arith.cmpi sgt, %sub3A_311, %sign3A_980 : i32
        %sign3A_982 = arith.extui %sign3A_981 : i1 to i32
        %sign3A_983 = arith.constant 0 : i32
        %sign3A_984 = arith.cmpi slt, %sub3A_311, %sign3A_983 : i32
        %sign3A_985 = arith.extui %sign3A_984 : i1 to i32
        %sign3A_986 = arith.subi %sign3A_982, %sign3A_985 : i32
        %sign3A_987 = arith.constant 0 : i32
        %sign3A_988 = arith.cmpi sgt, %jit3A_978, %sign3A_987 : i32
        %sign3A_989 = arith.extui %sign3A_988 : i1 to i32
        %sign3A_990 = arith.constant 0 : i32
        %sign3A_991 = arith.cmpi slt, %jit3A_978, %sign3A_990 : i32
        %sign3A_992 = arith.extui %sign3A_991 : i1 to i32
        %sign3A_993 = arith.subi %sign3A_989, %sign3A_992 : i32
        %ne3A_994 = arith.cmpi ne, %sign3A_986, %sign3A_993 : i32
        %rem3A_995 = arith.remsi %sub3A_311, %jit3A_978 : i32
        %ne3A_996 = arith.constant 0 : i32
        %ne3A_997 = arith.cmpi ne, %rem3A_995, %ne3A_996 : i32
        %and3A_998 = arith.andi %ne3A_994, %ne3A_997 : i1
        %sub3A_999 = arith.constant 1 : i32
        %sub3A_1000 = arith.subi %div3A_979, %sub3A_999 : i32
        %select_n3A_1001 = arith.select %and3A_998, %sub3A_1000, %div3A_979 : i32
        %add3A_1002 = arith.constant 0 : i32
        %add3A_1003 = arith.addi %mul3A_2, %add3A_1002 : i32
        %dma_wait3A_1004 = arith.constant 0 : i32
        %dma_wait3A_1005 = tpu.memref_slice %arg4[%select_n3A_1001, %add3A_1003, %dma_wait3A_1004] : memref<50x4096x128xf32, #tpu.memory_space<hbm>> -> memref<1x64x128xf32, #tpu.memory_space<hbm>>
        %dma_wait3A_1006 = tpu.memref_squeeze %dma_wait3A_1005 : memref<1x64x128xf32, #tpu.memory_space<hbm>> -> memref<64x128xf32, #tpu.memory_space<hbm>>
        %dma_wait3A_1007 = arith.constant 0 : i32
        %dma_wait3A_1008 = tpu.memref_slice %arg4[%select_n3A_1001, %add3A_1003, %dma_wait3A_1007] : memref<50x4096x128xf32, #tpu.memory_space<hbm>> -> memref<1x64x128xf32, #tpu.memory_space<hbm>>
        %dma_wait3A_1009 = tpu.memref_squeeze %dma_wait3A_1008 : memref<1x64x128xf32, #tpu.memory_space<hbm>> -> memref<64x128xf32, #tpu.memory_space<hbm>>
        tpu.wait_dma2 semaphore(%arg34 : memref<!tpu.dma_semaphore, #tpu.memory_space<semaphore_mem>>) src(%arg14 : memref<64x128xf32, #tpu.memory_space<vmem>>) dst(%dma_wait3A_1009 : memref<64x128xf32, #tpu.memory_space<hbm>>)
        %add3A_1010 = arith.constant 10 : i32
        %add3A_1011 = arith.addi %sub3A_311, %add3A_1010 : i32
        %jit3A_1012 = arith.constant 2 : i32
        %div3A_1013 = arith.divsi %add3A_1011, %jit3A_1012 : i32
        %sign3A_1014 = arith.constant 0 : i32
        %sign3A_1015 = arith.cmpi sgt, %add3A_1011, %sign3A_1014 : i32
        %sign3A_1016 = arith.extui %sign3A_1015 : i1 to i32
        %sign3A_1017 = arith.constant 0 : i32
        %sign3A_1018 = arith.cmpi slt, %add3A_1011, %sign3A_1017 : i32
        %sign3A_1019 = arith.extui %sign3A_1018 : i1 to i32
        %sign3A_1020 = arith.subi %sign3A_1016, %sign3A_1019 : i32
        %sign3A_1021 = arith.constant 0 : i32
        %sign3A_1022 = arith.cmpi sgt, %jit3A_1012, %sign3A_1021 : i32
        %sign3A_1023 = arith.extui %sign3A_1022 : i1 to i32
        %sign3A_1024 = arith.constant 0 : i32
        %sign3A_1025 = arith.cmpi slt, %jit3A_1012, %sign3A_1024 : i32
        %sign3A_1026 = arith.extui %sign3A_1025 : i1 to i32
        %sign3A_1027 = arith.subi %sign3A_1023, %sign3A_1026 : i32
        %ne3A_1028 = arith.cmpi ne, %sign3A_1020, %sign3A_1027 : i32
        %rem3A_1029 = arith.remsi %add3A_1011, %jit3A_1012 : i32
        %ne3A_1030 = arith.constant 0 : i32
        %ne3A_1031 = arith.cmpi ne, %rem3A_1029, %ne3A_1030 : i32
        %and3A_1032 = arith.andi %ne3A_1028, %ne3A_1031 : i1
        %sub3A_1033 = arith.constant 1 : i32
        %sub3A_1034 = arith.subi %div3A_1013, %sub3A_1033 : i32
        %select_n3A_1035 = arith.select %and3A_1032, %sub3A_1034, %div3A_1013 : i32
        %dma_start3A_1036 = arith.constant 0 : i32
        %dma_start3A_1037 = tpu.memref_slice %arg5[%select_n3A_1035, %dma_start3A_1036] : memref<50x128xi32, #tpu.memory_space<vmem>> -> memref<1x64xi32, #tpu.memory_space<vmem>>
        %dma_start3A_1038 = tpu.memref_squeeze %dma_start3A_1037 : memref<1x64xi32, #tpu.memory_space<vmem>> -> memref<64xi32, #tpu.memory_space<vmem>>
        %dma_start3A_1039 = arith.constant 0 : i32
        %dma_start3A_1040 = arith.constant 0 : i32
        %dma_start3A_1041 = tpu.memref_slice %arg3[%dma_start3A_1039, %dma_start3A_1040] : memref<100000x128xf32, #tpu.memory_space<hbm>> -> memref<100000x128xf32, #tpu.memory_space<hbm>>
        tpu.enqueue_indirect_dma source(%dma_start3A_1041 : memref<100000x128xf32, #tpu.memory_space<hbm>>) target(%arg14 : memref<64x128xf32, #tpu.memory_space<vmem>>) offsets(%dma_start3A_1038 : memref<64xi32, #tpu.memory_space<vmem>>) semaphore(%arg24 : memref<!tpu.dma_semaphore, #tpu.memory_space<semaphore_mem>>)
      } else {
      }
      %add3A_322 = arith.constant 2 : i32
      %add3A_323 = arith.addi %add3A_169, %add3A_322 : i32
      %jit3A_324 = arith.constant 2 : i32
      %div3A_325 = arith.divsi %add3A_323, %jit3A_324 : i32
      %sign3A_326 = arith.constant 0 : i32
      %sign3A_327 = arith.cmpi sgt, %add3A_323, %sign3A_326 : i32
      %sign3A_328 = arith.extui %sign3A_327 : i1 to i32
      %sign3A_329 = arith.constant 0 : i32
      %sign3A_330 = arith.cmpi slt, %add3A_323, %sign3A_329 : i32
      %sign3A_331 = arith.extui %sign3A_330 : i1 to i32
      %sign3A_332 = arith.subi %sign3A_328, %sign3A_331 : i32
      %sign3A_333 = arith.constant 0 : i32
      %sign3A_334 = arith.cmpi sgt, %jit3A_324, %sign3A_333 : i32
      %sign3A_335 = arith.extui %sign3A_334 : i1 to i32
      %sign3A_336 = arith.constant 0 : i32
      %sign3A_337 = arith.cmpi slt, %jit3A_324, %sign3A_336 : i32
      %sign3A_338 = arith.extui %sign3A_337 : i1 to i32
      %sign3A_339 = arith.subi %sign3A_335, %sign3A_338 : i32
      %ne3A_340 = arith.cmpi ne, %sign3A_332, %sign3A_339 : i32
      %rem3A_341 = arith.remsi %add3A_323, %jit3A_324 : i32
      %ne3A_342 = arith.constant 0 : i32
      %ne3A_343 = arith.cmpi ne, %rem3A_341, %ne3A_342 : i32
      %and3A_344 = arith.andi %ne3A_340, %ne3A_343 : i1
      %sub3A_345 = arith.constant 1 : i32
      %sub3A_346 = arith.subi %div3A_325, %sub3A_345 : i32
      %select_n3A_347 = arith.select %and3A_344, %sub3A_346, %div3A_325 : i32
      %dma_wait3A_348 = arith.constant 0 : i32
      %dma_wait3A_349 = tpu.memref_slice %arg5[%select_n3A_347, %dma_wait3A_348] : memref<50x128xi32, #tpu.memory_space<vmem>> -> memref<1x64xi32, #tpu.memory_space<vmem>>
      %dma_wait3A_350 = tpu.memref_squeeze %dma_wait3A_349 : memref<1x64xi32, #tpu.memory_space<vmem>> -> memref<64xi32, #tpu.memory_space<vmem>>
      %dma_wait3A_351 = arith.constant 0 : i32
      %dma_wait3A_352 = arith.constant 0 : i32
      %dma_wait3A_353 = tpu.memref_slice %arg3[%dma_wait3A_351, %dma_wait3A_352] : memref<100000x128xf32, #tpu.memory_space<hbm>> -> memref<100000x128xf32, #tpu.memory_space<hbm>>
      tpu.wait_indirect_dma semaphore(%arg18 : memref<!tpu.dma_semaphore, #tpu.memory_space<semaphore_mem>>) src(%dma_wait3A_353 : memref<100000x128xf32, #tpu.memory_space<hbm>>) dst(%arg8 : memref<64x128xf32, #tpu.memory_space<vmem>>)
      %scan3A_354 = arith.constant 0 : i32
      %scan3A_355 = arith.constant 0 : i32
      %scan3A_356 = arith.constant 64 : i32
      %scan3A_357 = arith.addi %scan3A_355, %scan3A_356 : i32
      %scan3A_358 = arith.constant 1 : i32
      scf.for %scan3A_978 = %scan3A_355 to %scan3A_357 step %scan3A_358  : i32 {
        %get3A = arith.index_cast %scan3A_978 : i32 to index
        %get3A_979 = arith.constant 0 : index
        %get3A_980 = tpu.vector_load %arg8[%get3A, %get3A_979] {strides = array<i32>} : memref<64x128xf32, #tpu.memory_space<vmem>>, vector<1x16xf32>,
        %get3A_981 = vector.shape_cast %get3A_980 : vector<1x16xf32> to vector<16xf32>
        %mul3A_982 = arith.constant 11.3137083 : f32
        %mul3A_983 = vector.broadcast %mul3A_982 : f32 to vector<16xf32>
        %mul3A_984 = arith.mulf %get3A_981, %mul3A_983 : vector<16xf32>
        %swap3A = arith.index_cast %scan3A_978 : i32 to index
        %swap3A_985 = arith.constant 0 : index
        %swap3A_986 = tpu.vector_load %arg8[%swap3A, %swap3A_985] {strides = array<i32>} : memref<64x128xf32, #tpu.memory_space<vmem>>, vector<1x16xf32>,
        %swap3A_987 = vector.shape_cast %swap3A_986 : vector<1x16xf32> to vector<16xf32>
        %swap3A_988 = vector.shape_cast %mul3A_984 : vector<16xf32> to vector<1x16xf32>
        tpu.vector_store %arg8[%swap3A, %swap3A_985], %swap3A_988 {strides = array<i32>} : memref<64x128xf32, #tpu.memory_space<vmem>>, vector<1x16xf32>,
        %get3A_989 = arith.index_cast %scan3A_978 : i32 to index
        %get3A_990 = arith.constant 16 : index
        %get3A_991 = tpu.vector_load %arg8[%get3A_989, %get3A_990] {strides = array<i32>} : memref<64x128xf32, #tpu.memory_space<vmem>>, vector<1x16xf32>,
        %get3A_992 = vector.shape_cast %get3A_991 : vector<1x16xf32> to vector<16xf32>
        %mul3A_993 = arith.constant 11.3137083 : f32
        %mul3A_994 = vector.broadcast %mul3A_993 : f32 to vector<16xf32>
        %mul3A_995 = arith.mulf %get3A_992, %mul3A_994 : vector<16xf32>
        %swap3A_996 = arith.index_cast %scan3A_978 : i32 to index
        %swap3A_997 = arith.constant 16 : index
        %swap3A_998 = tpu.vector_load %arg8[%swap3A_996, %swap3A_997] {strides = array<i32>} : memref<64x128xf32, #tpu.memory_space<vmem>>, vector<1x16xf32>,
        %swap3A_999 = vector.shape_cast %swap3A_998 : vector<1x16xf32> to vector<16xf32>
        %swap3A_1000 = vector.shape_cast %mul3A_995 : vector<16xf32> to vector<1x16xf32>
        tpu.vector_store %arg8[%swap3A_996, %swap3A_997], %swap3A_1000 {strides = array<i32>} : memref<64x128xf32, #tpu.memory_space<vmem>>, vector<1x16xf32>,
        %get3A_1001 = arith.index_cast %scan3A_978 : i32 to index
        %get3A_1002 = arith.constant 32 : index
        %get3A_1003 = tpu.vector_load %arg8[%get3A_1001, %get3A_1002] {strides = array<i32>} : memref<64x128xf32, #tpu.memory_space<vmem>>, vector<1x16xf32>,
        %get3A_1004 = vector.shape_cast %get3A_1003 : vector<1x16xf32> to vector<16xf32>
        %mul3A_1005 = arith.constant 11.3137083 : f32
        %mul3A_1006 = vector.broadcast %mul3A_1005 : f32 to vector<16xf32>
        %mul3A_1007 = arith.mulf %get3A_1004, %mul3A_1006 : vector<16xf32>
        %swap3A_1008 = arith.index_cast %scan3A_978 : i32 to index
        %swap3A_1009 = arith.constant 32 : index
        %swap3A_1010 = tpu.vector_load %arg8[%swap3A_1008, %swap3A_1009] {strides = array<i32>} : memref<64x128xf32, #tpu.memory_space<vmem>>, vector<1x16xf32>,
        %swap3A_1011 = vector.shape_cast %swap3A_1010 : vector<1x16xf32> to vector<16xf32>
        %swap3A_1012 = vector.shape_cast %mul3A_1007 : vector<16xf32> to vector<1x16xf32>
        tpu.vector_store %arg8[%swap3A_1008, %swap3A_1009], %swap3A_1012 {strides = array<i32>} : memref<64x128xf32, #tpu.memory_space<vmem>>, vector<1x16xf32>,
        %get3A_1013 = arith.index_cast %scan3A_978 : i32 to index
        %get3A_1014 = arith.constant 48 : index
        %get3A_1015 = tpu.vector_load %arg8[%get3A_1013, %get3A_1014] {strides = array<i32>} : memref<64x128xf32, #tpu.memory_space<vmem>>, vector<1x16xf32>,
        %get3A_1016 = vector.shape_cast %get3A_1015 : vector<1x16xf32> to vector<16xf32>
        %mul3A_1017 = arith.constant 11.3137083 : f32
        %mul3A_1018 = vector.broadcast %mul3A_1017 : f32 to vector<16xf32>
        %mul3A_1019 = arith.mulf %get3A_1016, %mul3A_1018 : vector<16xf32>
        %swap3A_1020 = arith.index_cast %scan3A_978 : i32 to index
        %swap3A_1021 = arith.constant 48 : index
        %swap3A_1022 = tpu.vector_load %arg8[%swap3A_1020, %swap3A_1021] {strides = array<i32>} : memref<64x128xf32, #tpu.memory_space<vmem>>, vector<1x16xf32>,
        %swap3A_1023 = vector.shape_cast %swap3A_1022 : vector<1x16xf32> to vector<16xf32>
        %swap3A_1024 = vector.shape_cast %mul3A_1019 : vector<16xf32> to vector<1x16xf32>
        tpu.vector_store %arg8[%swap3A_1020, %swap3A_1021], %swap3A_1024 {strides = array<i32>} : memref<64x128xf32, #tpu.memory_space<vmem>>, vector<1x16xf32>,
        %get3A_1025 = arith.index_cast %scan3A_978 : i32 to index
        %get3A_1026 = arith.constant 64 : index
        %get3A_1027 = tpu.vector_load %arg8[%get3A_1025, %get3A_1026] {strides = array<i32>} : memref<64x128xf32, #tpu.memory_space<vmem>>, vector<1x16xf32>,
        %get3A_1028 = vector.shape_cast %get3A_1027 : vector<1x16xf32> to vector<16xf32>
        %mul3A_1029 = arith.constant 11.3137083 : f32
        %mul3A_1030 = vector.broadcast %mul3A_1029 : f32 to vector<16xf32>
        %mul3A_1031 = arith.mulf %get3A_1028, %mul3A_1030 : vector<16xf32>
        %swap3A_1032 = arith.index_cast %scan3A_978 : i32 to index
        %swap3A_1033 = arith.constant 64 : index
        %swap3A_1034 = tpu.vector_load %arg8[%swap3A_1032, %swap3A_1033] {strides = array<i32>} : memref<64x128xf32, #tpu.memory_space<vmem>>, vector<1x16xf32>,
        %swap3A_1035 = vector.shape_cast %swap3A_1034 : vector<1x16xf32> to vector<16xf32>
        %swap3A_1036 = vector.shape_cast %mul3A_1031 : vector<16xf32> to vector<1x16xf32>
        tpu.vector_store %arg8[%swap3A_1032, %swap3A_1033], %swap3A_1036 {strides = array<i32>} : memref<64x128xf32, #tpu.memory_space<vmem>>, vector<1x16xf32>,
        %get3A_1037 = arith.index_cast %scan3A_978 : i32 to index
        %get3A_1038 = arith.constant 80 : index
        %get3A_1039 = tpu.vector_load %arg8[%get3A_1037, %get3A_1038] {strides = array<i32>} : memref<64x128xf32, #tpu.memory_space<vmem>>, vector<1x16xf32>,
        %get3A_1040 = vector.shape_cast %get3A_1039 : vector<1x16xf32> to vector<16xf32>
        %mul3A_1041 = arith.constant 11.3137083 : f32
        %mul3A_1042 = vector.broadcast %mul3A_1041 : f32 to vector<16xf32>
        %mul3A_1043 = arith.mulf %get3A_1040, %mul3A_1042 : vector<16xf32>
        %swap3A_1044 = arith.index_cast %scan3A_978 : i32 to index
        %swap3A_1045 = arith.constant 80 : index
        %swap3A_1046 = tpu.vector_load %arg8[%swap3A_1044, %swap3A_1045] {strides = array<i32>} : memref<64x128xf32, #tpu.memory_space<vmem>>, vector<1x16xf32>,
        %swap3A_1047 = vector.shape_cast %swap3A_1046 : vector<1x16xf32> to vector<16xf32>
        %swap3A_1048 = vector.shape_cast %mul3A_1043 : vector<16xf32> to vector<1x16xf32>
        tpu.vector_store %arg8[%swap3A_1044, %swap3A_1045], %swap3A_1048 {strides = array<i32>} : memref<64x128xf32, #tpu.memory_space<vmem>>, vector<1x16xf32>,
        %get3A_1049 = arith.index_cast %scan3A_978 : i32 to index
        %get3A_1050 = arith.constant 96 : index
        %get3A_1051 = tpu.vector_load %arg8[%get3A_1049, %get3A_1050] {strides = array<i32>} : memref<64x128xf32, #tpu.memory_space<vmem>>, vector<1x16xf32>,
        %get3A_1052 = vector.shape_cast %get3A_1051 : vector<1x16xf32> to vector<16xf32>
        %mul3A_1053 = arith.constant 11.3137083 : f32
        %mul3A_1054 = vector.broadcast %mul3A_1053 : f32 to vector<16xf32>
        %mul3A_1055 = arith.mulf %get3A_1052, %mul3A_1054 : vector<16xf32>
        %swap3A_1056 = arith.index_cast %scan3A_978 : i32 to index
        %swap3A_1057 = arith.constant 96 : index
        %swap3A_1058 = tpu.vector_load %arg8[%swap3A_1056, %swap3A_1057] {strides = array<i32>} : memref<64x128xf32, #tpu.memory_space<vmem>>, vector<1x16xf32>,
        %swap3A_1059 = vector.shape_cast %swap3A_1058 : vector<1x16xf32> to vector<16xf32>
        %swap3A_1060 = vector.shape_cast %mul3A_1055 : vector<16xf32> to vector<1x16xf32>
        tpu.vector_store %arg8[%swap3A_1056, %swap3A_1057], %swap3A_1060 {strides = array<i32>} : memref<64x128xf32, #tpu.memory_space<vmem>>, vector<1x16xf32>,
        %get3A_1061 = arith.index_cast %scan3A_978 : i32 to index
        %get3A_1062 = arith.constant 112 : index
        %get3A_1063 = tpu.vector_load %arg8[%get3A_1061, %get3A_1062] {strides = array<i32>} : memref<64x128xf32, #tpu.memory_space<vmem>>, vector<1x16xf32>,
        %get3A_1064 = vector.shape_cast %get3A_1063 : vector<1x16xf32> to vector<16xf32>
        %mul3A_1065 = arith.constant 11.3137083 : f32
        %mul3A_1066 = vector.broadcast %mul3A_1065 : f32 to vector<16xf32>
        %mul3A_1067 = arith.mulf %get3A_1064, %mul3A_1066 : vector<16xf32>
        %swap3A_1068 = arith.index_cast %scan3A_978 : i32 to index
        %swap3A_1069 = arith.constant 112 : index
        %swap3A_1070 = tpu.vector_load %arg8[%swap3A_1068, %swap3A_1069] {strides = array<i32>} : memref<64x128xf32, #tpu.memory_space<vmem>>, vector<1x16xf32>,
        %swap3A_1071 = vector.shape_cast %swap3A_1070 : vector<1x16xf32> to vector<16xf32>
        %swap3A_1072 = vector.shape_cast %mul3A_1067 : vector<16xf32> to vector<1x16xf32>
        tpu.vector_store %arg8[%swap3A_1068, %swap3A_1069], %swap3A_1072 {strides = array<i32>} : memref<64x128xf32, #tpu.memory_space<vmem>>, vector<1x16xf32>,
      }
      %scan3A_359 = arith.constant 64 : i32
      %jit3A_360 = arith.constant 2 : i32
      %div3A_361 = arith.divsi %add3A_323, %jit3A_360 : i32
      %sign3A_362 = arith.constant 0 : i32
      %sign3A_363 = arith.cmpi sgt, %add3A_323, %sign3A_362 : i32
      %sign3A_364 = arith.extui %sign3A_363 : i1 to i32
      %sign3A_365 = arith.constant 0 : i32
      %sign3A_366 = arith.cmpi slt, %add3A_323, %sign3A_365 : i32
      %sign3A_367 = arith.extui %sign3A_366 : i1 to i32
      %sign3A_368 = arith.subi %sign3A_364, %sign3A_367 : i32
      %sign3A_369 = arith.constant 0 : i32
      %sign3A_370 = arith.cmpi sgt, %jit3A_360, %sign3A_369 : i32
      %sign3A_371 = arith.extui %sign3A_370 : i1 to i32
      %sign3A_372 = arith.constant 0 : i32
      %sign3A_373 = arith.cmpi slt, %jit3A_360, %sign3A_372 : i32
      %sign3A_374 = arith.extui %sign3A_373 : i1 to i32
      %sign3A_375 = arith.subi %sign3A_371, %sign3A_374 : i32
      %ne3A_376 = arith.cmpi ne, %sign3A_368, %sign3A_375 : i32
      %rem3A_377 = arith.remsi %add3A_323, %jit3A_360 : i32
      %ne3A_378 = arith.constant 0 : i32
      %ne3A_379 = arith.cmpi ne, %rem3A_377, %ne3A_378 : i32
      %and3A_380 = arith.andi %ne3A_376, %ne3A_379 : i1
      %sub3A_381 = arith.constant 1 : i32
      %sub3A_382 = arith.subi %div3A_361, %sub3A_381 : i32
      %select_n3A_383 = arith.select %and3A_380, %sub3A_382, %div3A_361 : i32
      %add3A_384 = arith.constant 0 : i32
      %add3A_385 = arith.addi %mul3A_2, %add3A_384 : i32
      %dma_start3A_386 = arith.constant 0 : i32
      %dma_start3A_387 = tpu.memref_slice %arg4[%select_n3A_383, %add3A_385, %dma_start3A_386] : memref<50x4096x128xf32, #tpu.memory_space<hbm>> -> memref<1x64x128xf32, #tpu.memory_space<hbm>>
      %dma_start3A_388 = tpu.memref_squeeze %dma_start3A_387 : memref<1x64x128xf32, #tpu.memory_space<hbm>> -> memref<64x128xf32, #tpu.memory_space<hbm>>
      %dma_start3A_389 = arith.constant 0 : i32
      %dma_start3A_390 = tpu.memref_slice %arg4[%select_n3A_383, %add3A_385, %dma_start3A_389] : memref<50x4096x128xf32, #tpu.memory_space<hbm>> -> memref<1x64x128xf32, #tpu.memory_space<hbm>>
      %dma_start3A_391 = tpu.memref_squeeze %dma_start3A_390 : memref<1x64x128xf32, #tpu.memory_space<hbm>> -> memref<64x128xf32, #tpu.memory_space<hbm>>
      tpu.enqueue_dma source(%arg8 : memref<64x128xf32, #tpu.memory_space<vmem>>) target(%dma_start3A_391 : memref<64x128xf32, #tpu.memory_space<hbm>>) target_semaphore(%arg28 : memref<!tpu.dma_semaphore, #tpu.memory_space<semaphore_mem>>)
      %sub3A_392 = arith.constant 3 : i32
      %sub3A_393 = arith.subi %add3A_323, %sub3A_392 : i32
      %ge3A_394 = arith.constant 0 : i32
      %ge3A_395 = arith.cmpi sge, %sub3A_393, %ge3A_394 : i32
      %add3A_396 = arith.constant 10 : i32
      %add3A_397 = arith.addi %sub3A_393, %add3A_396 : i32
      %lt3A_398 = arith.constant 100 : i32
      %lt3A_399 = arith.cmpi slt, %add3A_397, %lt3A_398 : i32
      %and3A_400 = arith.andi %ge3A_395, %lt3A_399 : i1
      %convert_element_type3A_401 = arith.extui %and3A_400 : i1 to i32
      %cond3A_402 = arith.constant 0 : i32
      %cond3A_403 = arith.cmpi ne, %convert_element_type3A_401, %cond3A_402 : i32
      scf.if %cond3A_403 {
        %jit3A_978 = arith.constant 2 : i32
        %div3A_979 = arith.divsi %sub3A_393, %jit3A_978 : i32
        %sign3A_980 = arith.constant 0 : i32
        %sign3A_981 = arith.cmpi sgt, %sub3A_393, %sign3A_980 : i32
        %sign3A_982 = arith.extui %sign3A_981 : i1 to i32
        %sign3A_983 = arith.constant 0 : i32
        %sign3A_984 = arith.cmpi slt, %sub3A_393, %sign3A_983 : i32
        %sign3A_985 = arith.extui %sign3A_984 : i1 to i32
        %sign3A_986 = arith.subi %sign3A_982, %sign3A_985 : i32
        %sign3A_987 = arith.constant 0 : i32
        %sign3A_988 = arith.cmpi sgt, %jit3A_978, %sign3A_987 : i32
        %sign3A_989 = arith.extui %sign3A_988 : i1 to i32
        %sign3A_990 = arith.constant 0 : i32
        %sign3A_991 = arith.cmpi slt, %jit3A_978, %sign3A_990 : i32
        %sign3A_992 = arith.extui %sign3A_991 : i1 to i32
        %sign3A_993 = arith.subi %sign3A_989, %sign3A_992 : i32
        %ne3A_994 = arith.cmpi ne, %sign3A_986, %sign3A_993 : i32
        %rem3A_995 = arith.remsi %sub3A_393, %jit3A_978 : i32
        %ne3A_996 = arith.constant 0 : i32
        %ne3A_997 = arith.cmpi ne, %rem3A_995, %ne3A_996 : i32
        %and3A_998 = arith.andi %ne3A_994, %ne3A_997 : i1
        %sub3A_999 = arith.constant 1 : i32
        %sub3A_1000 = arith.subi %div3A_979, %sub3A_999 : i32
        %select_n3A_1001 = arith.select %and3A_998, %sub3A_1000, %div3A_979 : i32
        %add3A_1002 = arith.constant 64 : i32
        %add3A_1003 = arith.addi %mul3A_2, %add3A_1002 : i32
        %dma_wait3A_1004 = arith.constant 0 : i32
        %dma_wait3A_1005 = tpu.memref_slice %arg4[%select_n3A_1001, %add3A_1003, %dma_wait3A_1004] : memref<50x4096x128xf32, #tpu.memory_space<hbm>> -> memref<1x64x128xf32, #tpu.memory_space<hbm>>
        %dma_wait3A_1006 = tpu.memref_squeeze %dma_wait3A_1005 : memref<1x64x128xf32, #tpu.memory_space<hbm>> -> memref<64x128xf32, #tpu.memory_space<hbm>>
        %dma_wait3A_1007 = arith.constant 0 : i32
        %dma_wait3A_1008 = tpu.memref_slice %arg4[%select_n3A_1001, %add3A_1003, %dma_wait3A_1007] : memref<50x4096x128xf32, #tpu.memory_space<hbm>> -> memref<1x64x128xf32, #tpu.memory_space<hbm>>
        %dma_wait3A_1009 = tpu.memref_squeeze %dma_wait3A_1008 : memref<1x64x128xf32, #tpu.memory_space<hbm>> -> memref<64x128xf32, #tpu.memory_space<hbm>>
        tpu.wait_dma2 semaphore(%arg35 : memref<!tpu.dma_semaphore, #tpu.memory_space<semaphore_mem>>) src(%arg15 : memref<64x128xf32, #tpu.memory_space<vmem>>) dst(%dma_wait3A_1009 : memref<64x128xf32, #tpu.memory_space<hbm>>)
        %add3A_1010 = arith.constant 10 : i32
        %add3A_1011 = arith.addi %sub3A_393, %add3A_1010 : i32
        %jit3A_1012 = arith.constant 2 : i32
        %div3A_1013 = arith.divsi %add3A_1011, %jit3A_1012 : i32
        %sign3A_1014 = arith.constant 0 : i32
        %sign3A_1015 = arith.cmpi sgt, %add3A_1011, %sign3A_1014 : i32
        %sign3A_1016 = arith.extui %sign3A_1015 : i1 to i32
        %sign3A_1017 = arith.constant 0 : i32
        %sign3A_1018 = arith.cmpi slt, %add3A_1011, %sign3A_1017 : i32
        %sign3A_1019 = arith.extui %sign3A_1018 : i1 to i32
        %sign3A_1020 = arith.subi %sign3A_1016, %sign3A_1019 : i32
        %sign3A_1021 = arith.constant 0 : i32
        %sign3A_1022 = arith.cmpi sgt, %jit3A_1012, %sign3A_1021 : i32
        %sign3A_1023 = arith.extui %sign3A_1022 : i1 to i32
        %sign3A_1024 = arith.constant 0 : i32
        %sign3A_1025 = arith.cmpi slt, %jit3A_1012, %sign3A_1024 : i32
        %sign3A_1026 = arith.extui %sign3A_1025 : i1 to i32
        %sign3A_1027 = arith.subi %sign3A_1023, %sign3A_1026 : i32
        %ne3A_1028 = arith.cmpi ne, %sign3A_1020, %sign3A_1027 : i32
        %rem3A_1029 = arith.remsi %add3A_1011, %jit3A_1012 : i32
        %ne3A_1030 = arith.constant 0 : i32
        %ne3A_1031 = arith.cmpi ne, %rem3A_1029, %ne3A_1030 : i32
        %and3A_1032 = arith.andi %ne3A_1028, %ne3A_1031 : i1
        %sub3A_1033 = arith.constant 1 : i32
        %sub3A_1034 = arith.subi %div3A_1013, %sub3A_1033 : i32
        %select_n3A_1035 = arith.select %and3A_1032, %sub3A_1034, %div3A_1013 : i32
        %dma_start3A_1036 = arith.constant 64 : i32
        %dma_start3A_1037 = tpu.memref_slice %arg5[%select_n3A_1035, %dma_start3A_1036] : memref<50x128xi32, #tpu.memory_space<vmem>> -> memref<1x64xi32, #tpu.memory_space<vmem>>
        %dma_start3A_1038 = tpu.memref_squeeze %dma_start3A_1037 : memref<1x64xi32, #tpu.memory_space<vmem>> -> memref<64xi32, #tpu.memory_space<vmem>>
        %dma_start3A_1039 = arith.constant 0 : i32
        %dma_start3A_1040 = arith.constant 0 : i32
        %dma_start3A_1041 = tpu.memref_slice %arg3[%dma_start3A_1039, %dma_start3A_1040] : memref<100000x128xf32, #tpu.memory_space<hbm>> -> memref<100000x128xf32, #tpu.memory_space<hbm>>
        tpu.enqueue_indirect_dma source(%dma_start3A_1041 : memref<100000x128xf32, #tpu.memory_space<hbm>>) target(%arg15 : memref<64x128xf32, #tpu.memory_space<vmem>>) offsets(%dma_start3A_1038 : memref<64xi32, #tpu.memory_space<vmem>>) semaphore(%arg25 : memref<!tpu.dma_semaphore, #tpu.memory_space<semaphore_mem>>)
      } else {
      }
      %add3A_404 = arith.constant 3 : i32
      %add3A_405 = arith.addi %add3A_169, %add3A_404 : i32
      %jit3A_406 = arith.constant 2 : i32
      %div3A_407 = arith.divsi %add3A_405, %jit3A_406 : i32
      %sign3A_408 = arith.constant 0 : i32
      %sign3A_409 = arith.cmpi sgt, %add3A_405, %sign3A_408 : i32
      %sign3A_410 = arith.extui %sign3A_409 : i1 to i32
      %sign3A_411 = arith.constant 0 : i32
      %sign3A_412 = arith.cmpi slt, %add3A_405, %sign3A_411 : i32
      %sign3A_413 = arith.extui %sign3A_412 : i1 to i32
      %sign3A_414 = arith.subi %sign3A_410, %sign3A_413 : i32
      %sign3A_415 = arith.constant 0 : i32
      %sign3A_416 = arith.cmpi sgt, %jit3A_406, %sign3A_415 : i32
      %sign3A_417 = arith.extui %sign3A_416 : i1 to i32
      %sign3A_418 = arith.constant 0 : i32
      %sign3A_419 = arith.cmpi slt, %jit3A_406, %sign3A_418 : i32
      %sign3A_420 = arith.extui %sign3A_419 : i1 to i32
      %sign3A_421 = arith.subi %sign3A_417, %sign3A_420 : i32
      %ne3A_422 = arith.cmpi ne, %sign3A_414, %sign3A_421 : i32
      %rem3A_423 = arith.remsi %add3A_405, %jit3A_406 : i32
      %ne3A_424 = arith.constant 0 : i32
      %ne3A_425 = arith.cmpi ne, %rem3A_423, %ne3A_424 : i32
      %and3A_426 = arith.andi %ne3A_422, %ne3A_425 : i1
      %sub3A_427 = arith.constant 1 : i32
      %sub3A_428 = arith.subi %div3A_407, %sub3A_427 : i32
      %select_n3A_429 = arith.select %and3A_426, %sub3A_428, %div3A_407 : i32
      %dma_wait3A_430 = arith.constant 64 : i32
      %dma_wait3A_431 = tpu.memref_slice %arg5[%select_n3A_429, %dma_wait3A_430] : memref<50x128xi32, #tpu.memory_space<vmem>> -> memref<1x64xi32, #tpu.memory_space<vmem>>
      %dma_wait3A_432 = tpu.memref_squeeze %dma_wait3A_431 : memref<1x64xi32, #tpu.memory_space<vmem>> -> memref<64xi32, #tpu.memory_space<vmem>>
      %dma_wait3A_433 = arith.constant 0 : i32
      %dma_wait3A_434 = arith.constant 0 : i32
      %dma_wait3A_435 = tpu.memref_slice %arg3[%dma_wait3A_433, %dma_wait3A_434] : memref<100000x128xf32, #tpu.memory_space<hbm>> -> memref<100000x128xf32, #tpu.memory_space<hbm>>
      tpu.wait_indirect_dma semaphore(%arg19 : memref<!tpu.dma_semaphore, #tpu.memory_space<semaphore_mem>>) src(%dma_wait3A_435 : memref<100000x128xf32, #tpu.memory_space<hbm>>) dst(%arg9 : memref<64x128xf32, #tpu.memory_space<vmem>>)
      %scan3A_436 = arith.constant 0 : i32
      %scan3A_437 = arith.constant 0 : i32
      %scan3A_438 = arith.constant 64 : i32
      %scan3A_439 = arith.addi %scan3A_437, %scan3A_438 : i32
      %scan3A_440 = arith.constant 1 : i32
      scf.for %scan3A_978 = %scan3A_437 to %scan3A_439 step %scan3A_440  : i32 {
        %get3A = arith.index_cast %scan3A_978 : i32 to index
        %get3A_979 = arith.constant 0 : index
        %get3A_980 = tpu.vector_load %arg9[%get3A, %get3A_979] {strides = array<i32>} : memref<64x128xf32, #tpu.memory_space<vmem>>, vector<1x16xf32>,
        %get3A_981 = vector.shape_cast %get3A_980 : vector<1x16xf32> to vector<16xf32>
        %mul3A_982 = arith.constant 11.3137083 : f32
        %mul3A_983 = vector.broadcast %mul3A_982 : f32 to vector<16xf32>
        %mul3A_984 = arith.mulf %get3A_981, %mul3A_983 : vector<16xf32>
        %swap3A = arith.index_cast %scan3A_978 : i32 to index
        %swap3A_985 = arith.constant 0 : index
        %swap3A_986 = tpu.vector_load %arg9[%swap3A, %swap3A_985] {strides = array<i32>} : memref<64x128xf32, #tpu.memory_space<vmem>>, vector<1x16xf32>,
        %swap3A_987 = vector.shape_cast %swap3A_986 : vector<1x16xf32> to vector<16xf32>
        %swap3A_988 = vector.shape_cast %mul3A_984 : vector<16xf32> to vector<1x16xf32>
        tpu.vector_store %arg9[%swap3A, %swap3A_985], %swap3A_988 {strides = array<i32>} : memref<64x128xf32, #tpu.memory_space<vmem>>, vector<1x16xf32>,
        %get3A_989 = arith.index_cast %scan3A_978 : i32 to index
        %get3A_990 = arith.constant 16 : index
        %get3A_991 = tpu.vector_load %arg9[%get3A_989, %get3A_990] {strides = array<i32>} : memref<64x128xf32, #tpu.memory_space<vmem>>, vector<1x16xf32>,
        %get3A_992 = vector.shape_cast %get3A_991 : vector<1x16xf32> to vector<16xf32>
        %mul3A_993 = arith.constant 11.3137083 : f32
        %mul3A_994 = vector.broadcast %mul3A_993 : f32 to vector<16xf32>
        %mul3A_995 = arith.mulf %get3A_992, %mul3A_994 : vector<16xf32>
        %swap3A_996 = arith.index_cast %scan3A_978 : i32 to index
        %swap3A_997 = arith.constant 16 : index
        %swap3A_998 = tpu.vector_load %arg9[%swap3A_996, %swap3A_997] {strides = array<i32>} : memref<64x128xf32, #tpu.memory_space<vmem>>, vector<1x16xf32>,
        %swap3A_999 = vector.shape_cast %swap3A_998 : vector<1x16xf32> to vector<16xf32>
        %swap3A_1000 = vector.shape_cast %mul3A_995 : vector<16xf32> to vector<1x16xf32>
        tpu.vector_store %arg9[%swap3A_996, %swap3A_997], %swap3A_1000 {strides = array<i32>} : memref<64x128xf32, #tpu.memory_space<vmem>>, vector<1x16xf32>,
        %get3A_1001 = arith.index_cast %scan3A_978 : i32 to index
        %get3A_1002 = arith.constant 32 : index
        %get3A_1003 = tpu.vector_load %arg9[%get3A_1001, %get3A_1002] {strides = array<i32>} : memref<64x128xf32, #tpu.memory_space<vmem>>, vector<1x16xf32>,
        %get3A_1004 = vector.shape_cast %get3A_1003 : vector<1x16xf32> to vector<16xf32>
        %mul3A_1005 = arith.constant 11.3137083 : f32
        %mul3A_1006 = vector.broadcast %mul3A_1005 : f32 to vector<16xf32>
        %mul3A_1007 = arith.mulf %get3A_1004, %mul3A_1006 : vector<16xf32>
        %swap3A_1008 = arith.index_cast %scan3A_978 : i32 to index
        %swap3A_1009 = arith.constant 32 : index
        %swap3A_1010 = tpu.vector_load %arg9[%swap3A_1008, %swap3A_1009] {strides = array<i32>} : memref<64x128xf32, #tpu.memory_space<vmem>>, vector<1x16xf32>,
        %swap3A_1011 = vector.shape_cast %swap3A_1010 : vector<1x16xf32> to vector<16xf32>
        %swap3A_1012 = vector.shape_cast %mul3A_1007 : vector<16xf32> to vector<1x16xf32>
        tpu.vector_store %arg9[%swap3A_1008, %swap3A_1009], %swap3A_1012 {strides = array<i32>} : memref<64x128xf32, #tpu.memory_space<vmem>>, vector<1x16xf32>,
        %get3A_1013 = arith.index_cast %scan3A_978 : i32 to index
        %get3A_1014 = arith.constant 48 : index
        %get3A_1015 = tpu.vector_load %arg9[%get3A_1013, %get3A_1014] {strides = array<i32>} : memref<64x128xf32, #tpu.memory_space<vmem>>, vector<1x16xf32>,
        %get3A_1016 = vector.shape_cast %get3A_1015 : vector<1x16xf32> to vector<16xf32>
        %mul3A_1017 = arith.constant 11.3137083 : f32
        %mul3A_1018 = vector.broadcast %mul3A_1017 : f32 to vector<16xf32>
        %mul3A_1019 = arith.mulf %get3A_1016, %mul3A_1018 : vector<16xf32>
        %swap3A_1020 = arith.index_cast %scan3A_978 : i32 to index
        %swap3A_1021 = arith.constant 48 : index
        %swap3A_1022 = tpu.vector_load %arg9[%swap3A_1020, %swap3A_1021] {strides = array<i32>} : memref<64x128xf32, #tpu.memory_space<vmem>>, vector<1x16xf32>,
        %swap3A_1023 = vector.shape_cast %swap3A_1022 : vector<1x16xf32> to vector<16xf32>
        %swap3A_1024 = vector.shape_cast %mul3A_1019 : vector<16xf32> to vector<1x16xf32>
        tpu.vector_store %arg9[%swap3A_1020, %swap3A_1021], %swap3A_1024 {strides = array<i32>} : memref<64x128xf32, #tpu.memory_space<vmem>>, vector<1x16xf32>,
        %get3A_1025 = arith.index_cast %scan3A_978 : i32 to index
        %get3A_1026 = arith.constant 64 : index
        %get3A_1027 = tpu.vector_load %arg9[%get3A_1025, %get3A_1026] {strides = array<i32>} : memref<64x128xf32, #tpu.memory_space<vmem>>, vector<1x16xf32>,
        %get3A_1028 = vector.shape_cast %get3A_1027 : vector<1x16xf32> to vector<16xf32>
        %mul3A_1029 = arith.constant 11.3137083 : f32
        %mul3A_1030 = vector.broadcast %mul3A_1029 : f32 to vector<16xf32>
        %mul3A_1031 = arith.mulf %get3A_1028, %mul3A_1030 : vector<16xf32>
        %swap3A_1032 = arith.index_cast %scan3A_978 : i32 to index
        %swap3A_1033 = arith.constant 64 : index
        %swap3A_1034 = tpu.vector_load %arg9[%swap3A_1032, %swap3A_1033] {strides = array<i32>} : memref<64x128xf32, #tpu.memory_space<vmem>>, vector<1x16xf32>,
        %swap3A_1035 = vector.shape_cast %swap3A_1034 : vector<1x16xf32> to vector<16xf32>
        %swap3A_1036 = vector.shape_cast %mul3A_1031 : vector<16xf32> to vector<1x16xf32>
        tpu.vector_store %arg9[%swap3A_1032, %swap3A_1033], %swap3A_1036 {strides = array<i32>} : memref<64x128xf32, #tpu.memory_space<vmem>>, vector<1x16xf32>,
        %get3A_1037 = arith.index_cast %scan3A_978 : i32 to index
        %get3A_1038 = arith.constant 80 : index
        %get3A_1039 = tpu.vector_load %arg9[%get3A_1037, %get3A_1038] {strides = array<i32>} : memref<64x128xf32, #tpu.memory_space<vmem>>, vector<1x16xf32>,
        %get3A_1040 = vector.shape_cast %get3A_1039 : vector<1x16xf32> to vector<16xf32>
        %mul3A_1041 = arith.constant 11.3137083 : f32
        %mul3A_1042 = vector.broadcast %mul3A_1041 : f32 to vector<16xf32>
        %mul3A_1043 = arith.mulf %get3A_1040, %mul3A_1042 : vector<16xf32>
        %swap3A_1044 = arith.index_cast %scan3A_978 : i32 to index
        %swap3A_1045 = arith.constant 80 : index
        %swap3A_1046 = tpu.vector_load %arg9[%swap3A_1044, %swap3A_1045] {strides = array<i32>} : memref<64x128xf32, #tpu.memory_space<vmem>>, vector<1x16xf32>,
        %swap3A_1047 = vector.shape_cast %swap3A_1046 : vector<1x16xf32> to vector<16xf32>
        %swap3A_1048 = vector.shape_cast %mul3A_1043 : vector<16xf32> to vector<1x16xf32>
        tpu.vector_store %arg9[%swap3A_1044, %swap3A_1045], %swap3A_1048 {strides = array<i32>} : memref<64x128xf32, #tpu.memory_space<vmem>>, vector<1x16xf32>,
        %get3A_1049 = arith.index_cast %scan3A_978 : i32 to index
        %get3A_1050 = arith.constant 96 : index
        %get3A_1051 = tpu.vector_load %arg9[%get3A_1049, %get3A_1050] {strides = array<i32>} : memref<64x128xf32, #tpu.memory_space<vmem>>, vector<1x16xf32>,
        %get3A_1052 = vector.shape_cast %get3A_1051 : vector<1x16xf32> to vector<16xf32>
        %mul3A_1053 = arith.constant 11.3137083 : f32
        %mul3A_1054 = vector.broadcast %mul3A_1053 : f32 to vector<16xf32>
        %mul3A_1055 = arith.mulf %get3A_1052, %mul3A_1054 : vector<16xf32>
        %swap3A_1056 = arith.index_cast %scan3A_978 : i32 to index
        %swap3A_1057 = arith.constant 96 : index
        %swap3A_1058 = tpu.vector_load %arg9[%swap3A_1056, %swap3A_1057] {strides = array<i32>} : memref<64x128xf32, #tpu.memory_space<vmem>>, vector<1x16xf32>,
        %swap3A_1059 = vector.shape_cast %swap3A_1058 : vector<1x16xf32> to vector<16xf32>
        %swap3A_1060 = vector.shape_cast %mul3A_1055 : vector<16xf32> to vector<1x16xf32>
        tpu.vector_store %arg9[%swap3A_1056, %swap3A_1057], %swap3A_1060 {strides = array<i32>} : memref<64x128xf32, #tpu.memory_space<vmem>>, vector<1x16xf32>,
        %get3A_1061 = arith.index_cast %scan3A_978 : i32 to index
        %get3A_1062 = arith.constant 112 : index
        %get3A_1063 = tpu.vector_load %arg9[%get3A_1061, %get3A_1062] {strides = array<i32>} : memref<64x128xf32, #tpu.memory_space<vmem>>, vector<1x16xf32>,
        %get3A_1064 = vector.shape_cast %get3A_1063 : vector<1x16xf32> to vector<16xf32>
        %mul3A_1065 = arith.constant 11.3137083 : f32
        %mul3A_1066 = vector.broadcast %mul3A_1065 : f32 to vector<16xf32>
        %mul3A_1067 = arith.mulf %get3A_1064, %mul3A_1066 : vector<16xf32>
        %swap3A_1068 = arith.index_cast %scan3A_978 : i32 to index
        %swap3A_1069 = arith.constant 112 : index
        %swap3A_1070 = tpu.vector_load %arg9[%swap3A_1068, %swap3A_1069] {strides = array<i32>} : memref<64x128xf32, #tpu.memory_space<vmem>>, vector<1x16xf32>,
        %swap3A_1071 = vector.shape_cast %swap3A_1070 : vector<1x16xf32> to vector<16xf32>
        %swap3A_1072 = vector.shape_cast %mul3A_1067 : vector<16xf32> to vector<1x16xf32>
        tpu.vector_store %arg9[%swap3A_1068, %swap3A_1069], %swap3A_1072 {strides = array<i32>} : memref<64x128xf32, #tpu.memory_space<vmem>>, vector<1x16xf32>,
      }
      %scan3A_441 = arith.constant 64 : i32
      %jit3A_442 = arith.constant 2 : i32
      %div3A_443 = arith.divsi %add3A_405, %jit3A_442 : i32
      %sign3A_444 = arith.constant 0 : i32
      %sign3A_445 = arith.cmpi sgt, %add3A_405, %sign3A_444 : i32
      %sign3A_446 = arith.extui %sign3A_445 : i1 to i32
      %sign3A_447 = arith.constant 0 : i32
      %sign3A_448 = arith.cmpi slt, %add3A_405, %sign3A_447 : i32
      %sign3A_449 = arith.extui %sign3A_448 : i1 to i32
      %sign3A_450 = arith.subi %sign3A_446, %sign3A_449 : i32
      %sign3A_451 = arith.constant 0 : i32
      %sign3A_452 = arith.cmpi sgt, %jit3A_442, %sign3A_451 : i32
      %sign3A_453 = arith.extui %sign3A_452 : i1 to i32
      %sign3A_454 = arith.constant 0 : i32
      %sign3A_455 = arith.cmpi slt, %jit3A_442, %sign3A_454 : i32
      %sign3A_456 = arith.extui %sign3A_455 : i1 to i32
      %sign3A_457 = arith.subi %sign3A_453, %sign3A_456 : i32
      %ne3A_458 = arith.cmpi ne, %sign3A_450, %sign3A_457 : i32
      %rem3A_459 = arith.remsi %add3A_405, %jit3A_442 : i32
      %ne3A_460 = arith.constant 0 : i32
      %ne3A_461 = arith.cmpi ne, %rem3A_459, %ne3A_460 : i32
      %and3A_462 = arith.andi %ne3A_458, %ne3A_461 : i1
      %sub3A_463 = arith.constant 1 : i32
      %sub3A_464 = arith.subi %div3A_443, %sub3A_463 : i32
      %select_n3A_465 = arith.select %and3A_462, %sub3A_464, %div3A_443 : i32
      %add3A_466 = arith.constant 64 : i32
      %add3A_467 = arith.addi %mul3A_2, %add3A_466 : i32
      %dma_start3A_468 = arith.constant 0 : i32
      %dma_start3A_469 = tpu.memref_slice %arg4[%select_n3A_465, %add3A_467, %dma_start3A_468] : memref<50x4096x128xf32, #tpu.memory_space<hbm>> -> memref<1x64x128xf32, #tpu.memory_space<hbm>>
      %dma_start3A_470 = tpu.memref_squeeze %dma_start3A_469 : memref<1x64x128xf32, #tpu.memory_space<hbm>> -> memref<64x128xf32, #tpu.memory_space<hbm>>
      %dma_start3A_471 = arith.constant 0 : i32
      %dma_start3A_472 = tpu.memref_slice %arg4[%select_n3A_465, %add3A_467, %dma_start3A_471] : memref<50x4096x128xf32, #tpu.memory_space<hbm>> -> memref<1x64x128xf32, #tpu.memory_space<hbm>>
      %dma_start3A_473 = tpu.memref_squeeze %dma_start3A_472 : memref<1x64x128xf32, #tpu.memory_space<hbm>> -> memref<64x128xf32, #tpu.memory_space<hbm>>
      tpu.enqueue_dma source(%arg9 : memref<64x128xf32, #tpu.memory_space<vmem>>) target(%dma_start3A_473 : memref<64x128xf32, #tpu.memory_space<hbm>>) target_semaphore(%arg29 : memref<!tpu.dma_semaphore, #tpu.memory_space<semaphore_mem>>)
      %sub3A_474 = arith.constant 3 : i32
      %sub3A_475 = arith.subi %add3A_405, %sub3A_474 : i32
      %ge3A_476 = arith.constant 0 : i32
      %ge3A_477 = arith.cmpi sge, %sub3A_475, %ge3A_476 : i32
      %add3A_478 = arith.constant 10 : i32
      %add3A_479 = arith.addi %sub3A_475, %add3A_478 : i32
      %lt3A_480 = arith.constant 100 : i32
      %lt3A_481 = arith.cmpi slt, %add3A_479, %lt3A_480 : i32
      %and3A_482 = arith.andi %ge3A_477, %lt3A_481 : i1
      %convert_element_type3A_483 = arith.extui %and3A_482 : i1 to i32
      %cond3A_484 = arith.constant 0 : i32
      %cond3A_485 = arith.cmpi ne, %convert_element_type3A_483, %cond3A_484 : i32
      scf.if %cond3A_485 {
        %jit3A_978 = arith.constant 2 : i32
        %div3A_979 = arith.divsi %sub3A_475, %jit3A_978 : i32
        %sign3A_980 = arith.constant 0 : i32
        %sign3A_981 = arith.cmpi sgt, %sub3A_475, %sign3A_980 : i32
        %sign3A_982 = arith.extui %sign3A_981 : i1 to i32
        %sign3A_983 = arith.constant 0 : i32
        %sign3A_984 = arith.cmpi slt, %sub3A_475, %sign3A_983 : i32
        %sign3A_985 = arith.extui %sign3A_984 : i1 to i32
        %sign3A_986 = arith.subi %sign3A_982, %sign3A_985 : i32
        %sign3A_987 = arith.constant 0 : i32
        %sign3A_988 = arith.cmpi sgt, %jit3A_978, %sign3A_987 : i32
        %sign3A_989 = arith.extui %sign3A_988 : i1 to i32
        %sign3A_990 = arith.constant 0 : i32
        %sign3A_991 = arith.cmpi slt, %jit3A_978, %sign3A_990 : i32
        %sign3A_992 = arith.extui %sign3A_991 : i1 to i32
        %sign3A_993 = arith.subi %sign3A_989, %sign3A_992 : i32
        %ne3A_994 = arith.cmpi ne, %sign3A_986, %sign3A_993 : i32
        %rem3A_995 = arith.remsi %sub3A_475, %jit3A_978 : i32
        %ne3A_996 = arith.constant 0 : i32
        %ne3A_997 = arith.cmpi ne, %rem3A_995, %ne3A_996 : i32
        %and3A_998 = arith.andi %ne3A_994, %ne3A_997 : i1
        %sub3A_999 = arith.constant 1 : i32
        %sub3A_1000 = arith.subi %div3A_979, %sub3A_999 : i32
        %select_n3A_1001 = arith.select %and3A_998, %sub3A_1000, %div3A_979 : i32
        %add3A_1002 = arith.constant 0 : i32
        %add3A_1003 = arith.addi %mul3A_2, %add3A_1002 : i32
        %dma_wait3A_1004 = arith.constant 0 : i32
        %dma_wait3A_1005 = tpu.memref_slice %arg4[%select_n3A_1001, %add3A_1003, %dma_wait3A_1004] : memref<50x4096x128xf32, #tpu.memory_space<hbm>> -> memref<1x64x128xf32, #tpu.memory_space<hbm>>
        %dma_wait3A_1006 = tpu.memref_squeeze %dma_wait3A_1005 : memref<1x64x128xf32, #tpu.memory_space<hbm>> -> memref<64x128xf32, #tpu.memory_space<hbm>>
        %dma_wait3A_1007 = arith.constant 0 : i32
        %dma_wait3A_1008 = tpu.memref_slice %arg4[%select_n3A_1001, %add3A_1003, %dma_wait3A_1007] : memref<50x4096x128xf32, #tpu.memory_space<hbm>> -> memref<1x64x128xf32, #tpu.memory_space<hbm>>
        %dma_wait3A_1009 = tpu.memref_squeeze %dma_wait3A_1008 : memref<1x64x128xf32, #tpu.memory_space<hbm>> -> memref<64x128xf32, #tpu.memory_space<hbm>>
        tpu.wait_dma2 semaphore(%arg26 : memref<!tpu.dma_semaphore, #tpu.memory_space<semaphore_mem>>) src(%arg6 : memref<64x128xf32, #tpu.memory_space<vmem>>) dst(%dma_wait3A_1009 : memref<64x128xf32, #tpu.memory_space<hbm>>)
        %add3A_1010 = arith.constant 10 : i32
        %add3A_1011 = arith.addi %sub3A_475, %add3A_1010 : i32
        %jit3A_1012 = arith.constant 2 : i32
        %div3A_1013 = arith.divsi %add3A_1011, %jit3A_1012 : i32
        %sign3A_1014 = arith.constant 0 : i32
        %sign3A_1015 = arith.cmpi sgt, %add3A_1011, %sign3A_1014 : i32
        %sign3A_1016 = arith.extui %sign3A_1015 : i1 to i32
        %sign3A_1017 = arith.constant 0 : i32
        %sign3A_1018 = arith.cmpi slt, %add3A_1011, %sign3A_1017 : i32
        %sign3A_1019 = arith.extui %sign3A_1018 : i1 to i32
        %sign3A_1020 = arith.subi %sign3A_1016, %sign3A_1019 : i32
        %sign3A_1021 = arith.constant 0 : i32
        %sign3A_1022 = arith.cmpi sgt, %jit3A_1012, %sign3A_1021 : i32
        %sign3A_1023 = arith.extui %sign3A_1022 : i1 to i32
        %sign3A_1024 = arith.constant 0 : i32
        %sign3A_1025 = arith.cmpi slt, %jit3A_1012, %sign3A_1024 : i32
        %sign3A_1026 = arith.extui %sign3A_1025 : i1 to i32
        %sign3A_1027 = arith.subi %sign3A_1023, %sign3A_1026 : i32
        %ne3A_1028 = arith.cmpi ne, %sign3A_1020, %sign3A_1027 : i32
        %rem3A_1029 = arith.remsi %add3A_1011, %jit3A_1012 : i32
        %ne3A_1030 = arith.constant 0 : i32
        %ne3A_1031 = arith.cmpi ne, %rem3A_1029, %ne3A_1030 : i32
        %and3A_1032 = arith.andi %ne3A_1028, %ne3A_1031 : i1
        %sub3A_1033 = arith.constant 1 : i32
        %sub3A_1034 = arith.subi %div3A_1013, %sub3A_1033 : i32
        %select_n3A_1035 = arith.select %and3A_1032, %sub3A_1034, %div3A_1013 : i32
        %dma_start3A_1036 = arith.constant 0 : i32
        %dma_start3A_1037 = tpu.memref_slice %arg5[%select_n3A_1035, %dma_start3A_1036] : memref<50x128xi32, #tpu.memory_space<vmem>> -> memref<1x64xi32, #tpu.memory_space<vmem>>
        %dma_start3A_1038 = tpu.memref_squeeze %dma_start3A_1037 : memref<1x64xi32, #tpu.memory_space<vmem>> -> memref<64xi32, #tpu.memory_space<vmem>>
        %dma_start3A_1039 = arith.constant 0 : i32
        %dma_start3A_1040 = arith.constant 0 : i32
        %dma_start3A_1041 = tpu.memref_slice %arg3[%dma_start3A_1039, %dma_start3A_1040] : memref<100000x128xf32, #tpu.memory_space<hbm>> -> memref<100000x128xf32, #tpu.memory_space<hbm>>
        tpu.enqueue_indirect_dma source(%dma_start3A_1041 : memref<100000x128xf32, #tpu.memory_space<hbm>>) target(%arg6 : memref<64x128xf32, #tpu.memory_space<vmem>>) offsets(%dma_start3A_1038 : memref<64xi32, #tpu.memory_space<vmem>>) semaphore(%arg16 : memref<!tpu.dma_semaphore, #tpu.memory_space<semaphore_mem>>)
      } else {
      }
      %add3A_486 = arith.constant 4 : i32
      %add3A_487 = arith.addi %add3A_169, %add3A_486 : i32
      %jit3A_488 = arith.constant 2 : i32
      %div3A_489 = arith.divsi %add3A_487, %jit3A_488 : i32
      %sign3A_490 = arith.constant 0 : i32
      %sign3A_491 = arith.cmpi sgt, %add3A_487, %sign3A_490 : i32
      %sign3A_492 = arith.extui %sign3A_491 : i1 to i32
      %sign3A_493 = arith.constant 0 : i32
      %sign3A_494 = arith.cmpi slt, %add3A_487, %sign3A_493 : i32
      %sign3A_495 = arith.extui %sign3A_494 : i1 to i32
      %sign3A_496 = arith.subi %sign3A_492, %sign3A_495 : i32
      %sign3A_497 = arith.constant 0 : i32
      %sign3A_498 = arith.cmpi sgt, %jit3A_488, %sign3A_497 : i32
      %sign3A_499 = arith.extui %sign3A_498 : i1 to i32
      %sign3A_500 = arith.constant 0 : i32
      %sign3A_501 = arith.cmpi slt, %jit3A_488, %sign3A_500 : i32
      %sign3A_502 = arith.extui %sign3A_501 : i1 to i32
      %sign3A_503 = arith.subi %sign3A_499, %sign3A_502 : i32
      %ne3A_504 = arith.cmpi ne, %sign3A_496, %sign3A_503 : i32
      %rem3A_505 = arith.remsi %add3A_487, %jit3A_488 : i32
      %ne3A_506 = arith.constant 0 : i32
      %ne3A_507 = arith.cmpi ne, %rem3A_505, %ne3A_506 : i32
      %and3A_508 = arith.andi %ne3A_504, %ne3A_507 : i1
      %sub3A_509 = arith.constant 1 : i32
      %sub3A_510 = arith.subi %div3A_489, %sub3A_509 : i32
      %select_n3A_511 = arith.select %and3A_508, %sub3A_510, %div3A_489 : i32
      %dma_wait3A_512 = arith.constant 0 : i32
      %dma_wait3A_513 = tpu.memref_slice %arg5[%select_n3A_511, %dma_wait3A_512] : memref<50x128xi32, #tpu.memory_space<vmem>> -> memref<1x64xi32, #tpu.memory_space<vmem>>
      %dma_wait3A_514 = tpu.memref_squeeze %dma_wait3A_513 : memref<1x64xi32, #tpu.memory_space<vmem>> -> memref<64xi32, #tpu.memory_space<vmem>>
      %dma_wait3A_515 = arith.constant 0 : i32
      %dma_wait3A_516 = arith.constant 0 : i32
      %dma_wait3A_517 = tpu.memref_slice %arg3[%dma_wait3A_515, %dma_wait3A_516] : memref<100000x128xf32, #tpu.memory_space<hbm>> -> memref<100000x128xf32, #tpu.memory_space<hbm>>
      tpu.wait_indirect_dma semaphore(%arg20 : memref<!tpu.dma_semaphore, #tpu.memory_space<semaphore_mem>>) src(%dma_wait3A_517 : memref<100000x128xf32, #tpu.memory_space<hbm>>) dst(%arg10 : memref<64x128xf32, #tpu.memory_space<vmem>>)
      %scan3A_518 = arith.constant 0 : i32
      %scan3A_519 = arith.constant 0 : i32
      %scan3A_520 = arith.constant 64 : i32
      %scan3A_521 = arith.addi %scan3A_519, %scan3A_520 : i32
      %scan3A_522 = arith.constant 1 : i32
      scf.for %scan3A_978 = %scan3A_519 to %scan3A_521 step %scan3A_522  : i32 {
        %get3A = arith.index_cast %scan3A_978 : i32 to index
        %get3A_979 = arith.constant 0 : index
        %get3A_980 = tpu.vector_load %arg10[%get3A, %get3A_979] {strides = array<i32>} : memref<64x128xf32, #tpu.memory_space<vmem>>, vector<1x16xf32>,
        %get3A_981 = vector.shape_cast %get3A_980 : vector<1x16xf32> to vector<16xf32>
        %mul3A_982 = arith.constant 11.3137083 : f32
        %mul3A_983 = vector.broadcast %mul3A_982 : f32 to vector<16xf32>
        %mul3A_984 = arith.mulf %get3A_981, %mul3A_983 : vector<16xf32>
        %swap3A = arith.index_cast %scan3A_978 : i32 to index
        %swap3A_985 = arith.constant 0 : index
        %swap3A_986 = tpu.vector_load %arg10[%swap3A, %swap3A_985] {strides = array<i32>} : memref<64x128xf32, #tpu.memory_space<vmem>>, vector<1x16xf32>,
        %swap3A_987 = vector.shape_cast %swap3A_986 : vector<1x16xf32> to vector<16xf32>
        %swap3A_988 = vector.shape_cast %mul3A_984 : vector<16xf32> to vector<1x16xf32>
        tpu.vector_store %arg10[%swap3A, %swap3A_985], %swap3A_988 {strides = array<i32>} : memref<64x128xf32, #tpu.memory_space<vmem>>, vector<1x16xf32>,
        %get3A_989 = arith.index_cast %scan3A_978 : i32 to index
        %get3A_990 = arith.constant 16 : index
        %get3A_991 = tpu.vector_load %arg10[%get3A_989, %get3A_990] {strides = array<i32>} : memref<64x128xf32, #tpu.memory_space<vmem>>, vector<1x16xf32>,
        %get3A_992 = vector.shape_cast %get3A_991 : vector<1x16xf32> to vector<16xf32>
        %mul3A_993 = arith.constant 11.3137083 : f32
        %mul3A_994 = vector.broadcast %mul3A_993 : f32 to vector<16xf32>
        %mul3A_995 = arith.mulf %get3A_992, %mul3A_994 : vector<16xf32>
        %swap3A_996 = arith.index_cast %scan3A_978 : i32 to index
        %swap3A_997 = arith.constant 16 : index
        %swap3A_998 = tpu.vector_load %arg10[%swap3A_996, %swap3A_997] {strides = array<i32>} : memref<64x128xf32, #tpu.memory_space<vmem>>, vector<1x16xf32>,
        %swap3A_999 = vector.shape_cast %swap3A_998 : vector<1x16xf32> to vector<16xf32>
        %swap3A_1000 = vector.shape_cast %mul3A_995 : vector<16xf32> to vector<1x16xf32>
        tpu.vector_store %arg10[%swap3A_996, %swap3A_997], %swap3A_1000 {strides = array<i32>} : memref<64x128xf32, #tpu.memory_space<vmem>>, vector<1x16xf32>,
        %get3A_1001 = arith.index_cast %scan3A_978 : i32 to index
        %get3A_1002 = arith.constant 32 : index
        %get3A_1003 = tpu.vector_load %arg10[%get3A_1001, %get3A_1002] {strides = array<i32>} : memref<64x128xf32, #tpu.memory_space<vmem>>, vector<1x16xf32>,
        %get3A_1004 = vector.shape_cast %get3A_1003 : vector<1x16xf32> to vector<16xf32>
        %mul3A_1005 = arith.constant 11.3137083 : f32
        %mul3A_1006 = vector.broadcast %mul3A_1005 : f32 to vector<16xf32>
        %mul3A_1007 = arith.mulf %get3A_1004, %mul3A_1006 : vector<16xf32>
        %swap3A_1008 = arith.index_cast %scan3A_978 : i32 to index
        %swap3A_1009 = arith.constant 32 : index
        %swap3A_1010 = tpu.vector_load %arg10[%swap3A_1008, %swap3A_1009] {strides = array<i32>} : memref<64x128xf32, #tpu.memory_space<vmem>>, vector<1x16xf32>,
        %swap3A_1011 = vector.shape_cast %swap3A_1010 : vector<1x16xf32> to vector<16xf32>
        %swap3A_1012 = vector.shape_cast %mul3A_1007 : vector<16xf32> to vector<1x16xf32>
        tpu.vector_store %arg10[%swap3A_1008, %swap3A_1009], %swap3A_1012 {strides = array<i32>} : memref<64x128xf32, #tpu.memory_space<vmem>>, vector<1x16xf32>,
        %get3A_1013 = arith.index_cast %scan3A_978 : i32 to index
        %get3A_1014 = arith.constant 48 : index
        %get3A_1015 = tpu.vector_load %arg10[%get3A_1013, %get3A_1014] {strides = array<i32>} : memref<64x128xf32, #tpu.memory_space<vmem>>, vector<1x16xf32>,
        %get3A_1016 = vector.shape_cast %get3A_1015 : vector<1x16xf32> to vector<16xf32>
        %mul3A_1017 = arith.constant 11.3137083 : f32
        %mul3A_1018 = vector.broadcast %mul3A_1017 : f32 to vector<16xf32>
        %mul3A_1019 = arith.mulf %get3A_1016, %mul3A_1018 : vector<16xf32>
        %swap3A_1020 = arith.index_cast %scan3A_978 : i32 to index
        %swap3A_1021 = arith.constant 48 : index
        %swap3A_1022 = tpu.vector_load %arg10[%swap3A_1020, %swap3A_1021] {strides = array<i32>} : memref<64x128xf32, #tpu.memory_space<vmem>>, vector<1x16xf32>,
        %swap3A_1023 = vector.shape_cast %swap3A_1022 : vector<1x16xf32> to vector<16xf32>
        %swap3A_1024 = vector.shape_cast %mul3A_1019 : vector<16xf32> to vector<1x16xf32>
        tpu.vector_store %arg10[%swap3A_1020, %swap3A_1021], %swap3A_1024 {strides = array<i32>} : memref<64x128xf32, #tpu.memory_space<vmem>>, vector<1x16xf32>,
        %get3A_1025 = arith.index_cast %scan3A_978 : i32 to index
        %get3A_1026 = arith.constant 64 : index
        %get3A_1027 = tpu.vector_load %arg10[%get3A_1025, %get3A_1026] {strides = array<i32>} : memref<64x128xf32, #tpu.memory_space<vmem>>, vector<1x16xf32>,
        %get3A_1028 = vector.shape_cast %get3A_1027 : vector<1x16xf32> to vector<16xf32>
        %mul3A_1029 = arith.constant 11.3137083 : f32
        %mul3A_1030 = vector.broadcast %mul3A_1029 : f32 to vector<16xf32>
        %mul3A_1031 = arith.mulf %get3A_1028, %mul3A_1030 : vector<16xf32>
        %swap3A_1032 = arith.index_cast %scan3A_978 : i32 to index
        %swap3A_1033 = arith.constant 64 : index
        %swap3A_1034 = tpu.vector_load %arg10[%swap3A_1032, %swap3A_1033] {strides = array<i32>} : memref<64x128xf32, #tpu.memory_space<vmem>>, vector<1x16xf32>,
        %swap3A_1035 = vector.shape_cast %swap3A_1034 : vector<1x16xf32> to vector<16xf32>
        %swap3A_1036 = vector.shape_cast %mul3A_1031 : vector<16xf32> to vector<1x16xf32>
        tpu.vector_store %arg10[%swap3A_1032, %swap3A_1033], %swap3A_1036 {strides = array<i32>} : memref<64x128xf32, #tpu.memory_space<vmem>>, vector<1x16xf32>,
        %get3A_1037 = arith.index_cast %scan3A_978 : i32 to index
        %get3A_1038 = arith.constant 80 : index
        %get3A_1039 = tpu.vector_load %arg10[%get3A_1037, %get3A_1038] {strides = array<i32>} : memref<64x128xf32, #tpu.memory_space<vmem>>, vector<1x16xf32>,
        %get3A_1040 = vector.shape_cast %get3A_1039 : vector<1x16xf32> to vector<16xf32>
        %mul3A_1041 = arith.constant 11.3137083 : f32
        %mul3A_1042 = vector.broadcast %mul3A_1041 : f32 to vector<16xf32>
        %mul3A_1043 = arith.mulf %get3A_1040, %mul3A_1042 : vector<16xf32>
        %swap3A_1044 = arith.index_cast %scan3A_978 : i32 to index
        %swap3A_1045 = arith.constant 80 : index
        %swap3A_1046 = tpu.vector_load %arg10[%swap3A_1044, %swap3A_1045] {strides = array<i32>} : memref<64x128xf32, #tpu.memory_space<vmem>>, vector<1x16xf32>,
        %swap3A_1047 = vector.shape_cast %swap3A_1046 : vector<1x16xf32> to vector<16xf32>
        %swap3A_1048 = vector.shape_cast %mul3A_1043 : vector<16xf32> to vector<1x16xf32>
        tpu.vector_store %arg10[%swap3A_1044, %swap3A_1045], %swap3A_1048 {strides = array<i32>} : memref<64x128xf32, #tpu.memory_space<vmem>>, vector<1x16xf32>,
        %get3A_1049 = arith.index_cast %scan3A_978 : i32 to index
        %get3A_1050 = arith.constant 96 : index
        %get3A_1051 = tpu.vector_load %arg10[%get3A_1049, %get3A_1050] {strides = array<i32>} : memref<64x128xf32, #tpu.memory_space<vmem>>, vector<1x16xf32>,
        %get3A_1052 = vector.shape_cast %get3A_1051 : vector<1x16xf32> to vector<16xf32>
        %mul3A_1053 = arith.constant 11.3137083 : f32
        %mul3A_1054 = vector.broadcast %mul3A_1053 : f32 to vector<16xf32>
        %mul3A_1055 = arith.mulf %get3A_1052, %mul3A_1054 : vector<16xf32>
        %swap3A_1056 = arith.index_cast %scan3A_978 : i32 to index
        %swap3A_1057 = arith.constant 96 : index
        %swap3A_1058 = tpu.vector_load %arg10[%swap3A_1056, %swap3A_1057] {strides = array<i32>} : memref<64x128xf32, #tpu.memory_space<vmem>>, vector<1x16xf32>,
        %swap3A_1059 = vector.shape_cast %swap3A_1058 : vector<1x16xf32> to vector<16xf32>
        %swap3A_1060 = vector.shape_cast %mul3A_1055 : vector<16xf32> to vector<1x16xf32>
        tpu.vector_store %arg10[%swap3A_1056, %swap3A_1057], %swap3A_1060 {strides = array<i32>} : memref<64x128xf32, #tpu.memory_space<vmem>>, vector<1x16xf32>,
        %get3A_1061 = arith.index_cast %scan3A_978 : i32 to index
        %get3A_1062 = arith.constant 112 : index
        %get3A_1063 = tpu.vector_load %arg10[%get3A_1061, %get3A_1062] {strides = array<i32>} : memref<64x128xf32, #tpu.memory_space<vmem>>, vector<1x16xf32>,
        %get3A_1064 = vector.shape_cast %get3A_1063 : vector<1x16xf32> to vector<16xf32>
        %mul3A_1065 = arith.constant 11.3137083 : f32
        %mul3A_1066 = vector.broadcast %mul3A_1065 : f32 to vector<16xf32>
        %mul3A_1067 = arith.mulf %get3A_1064, %mul3A_1066 : vector<16xf32>
        %swap3A_1068 = arith.index_cast %scan3A_978 : i32 to index
        %swap3A_1069 = arith.constant 112 : index
        %swap3A_1070 = tpu.vector_load %arg10[%swap3A_1068, %swap3A_1069] {strides = array<i32>} : memref<64x128xf32, #tpu.memory_space<vmem>>, vector<1x16xf32>,
        %swap3A_1071 = vector.shape_cast %swap3A_1070 : vector<1x16xf32> to vector<16xf32>
        %swap3A_1072 = vector.shape_cast %mul3A_1067 : vector<16xf32> to vector<1x16xf32>
        tpu.vector_store %arg10[%swap3A_1068, %swap3A_1069], %swap3A_1072 {strides = array<i32>} : memref<64x128xf32, #tpu.memory_space<vmem>>, vector<1x16xf32>,
      }
      %scan3A_523 = arith.constant 64 : i32
      %jit3A_524 = arith.constant 2 : i32
      %div3A_525 = arith.divsi %add3A_487, %jit3A_524 : i32
      %sign3A_526 = arith.constant 0 : i32
      %sign3A_527 = arith.cmpi sgt, %add3A_487, %sign3A_526 : i32
      %sign3A_528 = arith.extui %sign3A_527 : i1 to i32
      %sign3A_529 = arith.constant 0 : i32
      %sign3A_530 = arith.cmpi slt, %add3A_487, %sign3A_529 : i32
      %sign3A_531 = arith.extui %sign3A_530 : i1 to i32
      %sign3A_532 = arith.subi %sign3A_528, %sign3A_531 : i32
      %sign3A_533 = arith.constant 0 : i32
      %sign3A_534 = arith.cmpi sgt, %jit3A_524, %sign3A_533 : i32
      %sign3A_535 = arith.extui %sign3A_534 : i1 to i32
      %sign3A_536 = arith.constant 0 : i32
      %sign3A_537 = arith.cmpi slt, %jit3A_524, %sign3A_536 : i32
      %sign3A_538 = arith.extui %sign3A_537 : i1 to i32
      %sign3A_539 = arith.subi %sign3A_535, %sign3A_538 : i32
      %ne3A_540 = arith.cmpi ne, %sign3A_532, %sign3A_539 : i32
      %rem3A_541 = arith.remsi %add3A_487, %jit3A_524 : i32
      %ne3A_542 = arith.constant 0 : i32
      %ne3A_543 = arith.cmpi ne, %rem3A_541, %ne3A_542 : i32
      %and3A_544 = arith.andi %ne3A_540, %ne3A_543 : i1
      %sub3A_545 = arith.constant 1 : i32
      %sub3A_546 = arith.subi %div3A_525, %sub3A_545 : i32
      %select_n3A_547 = arith.select %and3A_544, %sub3A_546, %div3A_525 : i32
      %add3A_548 = arith.constant 0 : i32
      %add3A_549 = arith.addi %mul3A_2, %add3A_548 : i32
      %dma_start3A_550 = arith.constant 0 : i32
      %dma_start3A_551 = tpu.memref_slice %arg4[%select_n3A_547, %add3A_549, %dma_start3A_550] : memref<50x4096x128xf32, #tpu.memory_space<hbm>> -> memref<1x64x128xf32, #tpu.memory_space<hbm>>
      %dma_start3A_552 = tpu.memref_squeeze %dma_start3A_551 : memref<1x64x128xf32, #tpu.memory_space<hbm>> -> memref<64x128xf32, #tpu.memory_space<hbm>>
      %dma_start3A_553 = arith.constant 0 : i32
      %dma_start3A_554 = tpu.memref_slice %arg4[%select_n3A_547, %add3A_549, %dma_start3A_553] : memref<50x4096x128xf32, #tpu.memory_space<hbm>> -> memref<1x64x128xf32, #tpu.memory_space<hbm>>
      %dma_start3A_555 = tpu.memref_squeeze %dma_start3A_554 : memref<1x64x128xf32, #tpu.memory_space<hbm>> -> memref<64x128xf32, #tpu.memory_space<hbm>>
      tpu.enqueue_dma source(%arg10 : memref<64x128xf32, #tpu.memory_space<vmem>>) target(%dma_start3A_555 : memref<64x128xf32, #tpu.memory_space<hbm>>) target_semaphore(%arg30 : memref<!tpu.dma_semaphore, #tpu.memory_space<semaphore_mem>>)
      %sub3A_556 = arith.constant 3 : i32
      %sub3A_557 = arith.subi %add3A_487, %sub3A_556 : i32
      %ge3A_558 = arith.constant 0 : i32
      %ge3A_559 = arith.cmpi sge, %sub3A_557, %ge3A_558 : i32
      %add3A_560 = arith.constant 10 : i32
      %add3A_561 = arith.addi %sub3A_557, %add3A_560 : i32
      %lt3A_562 = arith.constant 100 : i32
      %lt3A_563 = arith.cmpi slt, %add3A_561, %lt3A_562 : i32
      %and3A_564 = arith.andi %ge3A_559, %lt3A_563 : i1
      %convert_element_type3A_565 = arith.extui %and3A_564 : i1 to i32
      %cond3A_566 = arith.constant 0 : i32
      %cond3A_567 = arith.cmpi ne, %convert_element_type3A_565, %cond3A_566 : i32
      scf.if %cond3A_567 {
        %jit3A_978 = arith.constant 2 : i32
        %div3A_979 = arith.divsi %sub3A_557, %jit3A_978 : i32
        %sign3A_980 = arith.constant 0 : i32
        %sign3A_981 = arith.cmpi sgt, %sub3A_557, %sign3A_980 : i32
        %sign3A_982 = arith.extui %sign3A_981 : i1 to i32
        %sign3A_983 = arith.constant 0 : i32
        %sign3A_984 = arith.cmpi slt, %sub3A_557, %sign3A_983 : i32
        %sign3A_985 = arith.extui %sign3A_984 : i1 to i32
        %sign3A_986 = arith.subi %sign3A_982, %sign3A_985 : i32
        %sign3A_987 = arith.constant 0 : i32
        %sign3A_988 = arith.cmpi sgt, %jit3A_978, %sign3A_987 : i32
        %sign3A_989 = arith.extui %sign3A_988 : i1 to i32
        %sign3A_990 = arith.constant 0 : i32
        %sign3A_991 = arith.cmpi slt, %jit3A_978, %sign3A_990 : i32
        %sign3A_992 = arith.extui %sign3A_991 : i1 to i32
        %sign3A_993 = arith.subi %sign3A_989, %sign3A_992 : i32
        %ne3A_994 = arith.cmpi ne, %sign3A_986, %sign3A_993 : i32
        %rem3A_995 = arith.remsi %sub3A_557, %jit3A_978 : i32
        %ne3A_996 = arith.constant 0 : i32
        %ne3A_997 = arith.cmpi ne, %rem3A_995, %ne3A_996 : i32
        %and3A_998 = arith.andi %ne3A_994, %ne3A_997 : i1
        %sub3A_999 = arith.constant 1 : i32
        %sub3A_1000 = arith.subi %div3A_979, %sub3A_999 : i32
        %select_n3A_1001 = arith.select %and3A_998, %sub3A_1000, %div3A_979 : i32
        %add3A_1002 = arith.constant 64 : i32
        %add3A_1003 = arith.addi %mul3A_2, %add3A_1002 : i32
        %dma_wait3A_1004 = arith.constant 0 : i32
        %dma_wait3A_1005 = tpu.memref_slice %arg4[%select_n3A_1001, %add3A_1003, %dma_wait3A_1004] : memref<50x4096x128xf32, #tpu.memory_space<hbm>> -> memref<1x64x128xf32, #tpu.memory_space<hbm>>
        %dma_wait3A_1006 = tpu.memref_squeeze %dma_wait3A_1005 : memref<1x64x128xf32, #tpu.memory_space<hbm>> -> memref<64x128xf32, #tpu.memory_space<hbm>>
        %dma_wait3A_1007 = arith.constant 0 : i32
        %dma_wait3A_1008 = tpu.memref_slice %arg4[%select_n3A_1001, %add3A_1003, %dma_wait3A_1007] : memref<50x4096x128xf32, #tpu.memory_space<hbm>> -> memref<1x64x128xf32, #tpu.memory_space<hbm>>
        %dma_wait3A_1009 = tpu.memref_squeeze %dma_wait3A_1008 : memref<1x64x128xf32, #tpu.memory_space<hbm>> -> memref<64x128xf32, #tpu.memory_space<hbm>>
        tpu.wait_dma2 semaphore(%arg27 : memref<!tpu.dma_semaphore, #tpu.memory_space<semaphore_mem>>) src(%arg7 : memref<64x128xf32, #tpu.memory_space<vmem>>) dst(%dma_wait3A_1009 : memref<64x128xf32, #tpu.memory_space<hbm>>)
        %add3A_1010 = arith.constant 10 : i32
        %add3A_1011 = arith.addi %sub3A_557, %add3A_1010 : i32
        %jit3A_1012 = arith.constant 2 : i32
        %div3A_1013 = arith.divsi %add3A_1011, %jit3A_1012 : i32
        %sign3A_1014 = arith.constant 0 : i32
        %sign3A_1015 = arith.cmpi sgt, %add3A_1011, %sign3A_1014 : i32
        %sign3A_1016 = arith.extui %sign3A_1015 : i1 to i32
        %sign3A_1017 = arith.constant 0 : i32
        %sign3A_1018 = arith.cmpi slt, %add3A_1011, %sign3A_1017 : i32
        %sign3A_1019 = arith.extui %sign3A_1018 : i1 to i32
        %sign3A_1020 = arith.subi %sign3A_1016, %sign3A_1019 : i32
        %sign3A_1021 = arith.constant 0 : i32
        %sign3A_1022 = arith.cmpi sgt, %jit3A_1012, %sign3A_1021 : i32
        %sign3A_1023 = arith.extui %sign3A_1022 : i1 to i32
        %sign3A_1024 = arith.constant 0 : i32
        %sign3A_1025 = arith.cmpi slt, %jit3A_1012, %sign3A_1024 : i32
        %sign3A_1026 = arith.extui %sign3A_1025 : i1 to i32
        %sign3A_1027 = arith.subi %sign3A_1023, %sign3A_1026 : i32
        %ne3A_1028 = arith.cmpi ne, %sign3A_1020, %sign3A_1027 : i32
        %rem3A_1029 = arith.remsi %add3A_1011, %jit3A_1012 : i32
        %ne3A_1030 = arith.constant 0 : i32
        %ne3A_1031 = arith.cmpi ne, %rem3A_1029, %ne3A_1030 : i32
        %and3A_1032 = arith.andi %ne3A_1028, %ne3A_1031 : i1
        %sub3A_1033 = arith.constant 1 : i32
        %sub3A_1034 = arith.subi %div3A_1013, %sub3A_1033 : i32
        %select_n3A_1035 = arith.select %and3A_1032, %sub3A_1034, %div3A_1013 : i32
        %dma_start3A_1036 = arith.constant 64 : i32
        %dma_start3A_1037 = tpu.memref_slice %arg5[%select_n3A_1035, %dma_start3A_1036] : memref<50x128xi32, #tpu.memory_space<vmem>> -> memref<1x64xi32, #tpu.memory_space<vmem>>
        %dma_start3A_1038 = tpu.memref_squeeze %dma_start3A_1037 : memref<1x64xi32, #tpu.memory_space<vmem>> -> memref<64xi32, #tpu.memory_space<vmem>>
        %dma_start3A_1039 = arith.constant 0 : i32
        %dma_start3A_1040 = arith.constant 0 : i32
        %dma_start3A_1041 = tpu.memref_slice %arg3[%dma_start3A_1039, %dma_start3A_1040] : memref<100000x128xf32, #tpu.memory_space<hbm>> -> memref<100000x128xf32, #tpu.memory_space<hbm>>
        tpu.enqueue_indirect_dma source(%dma_start3A_1041 : memref<100000x128xf32, #tpu.memory_space<hbm>>) target(%arg7 : memref<64x128xf32, #tpu.memory_space<vmem>>) offsets(%dma_start3A_1038 : memref<64xi32, #tpu.memory_space<vmem>>) semaphore(%arg17 : memref<!tpu.dma_semaphore, #tpu.memory_space<semaphore_mem>>)
      } else {
      }
      %add3A_568 = arith.constant 5 : i32
      %add3A_569 = arith.addi %add3A_169, %add3A_568 : i32
      %jit3A_570 = arith.constant 2 : i32
      %div3A_571 = arith.divsi %add3A_569, %jit3A_570 : i32
      %sign3A_572 = arith.constant 0 : i32
      %sign3A_573 = arith.cmpi sgt, %add3A_569, %sign3A_572 : i32
      %sign3A_574 = arith.extui %sign3A_573 : i1 to i32
      %sign3A_575 = arith.constant 0 : i32
      %sign3A_576 = arith.cmpi slt, %add3A_569, %sign3A_575 : i32
      %sign3A_577 = arith.extui %sign3A_576 : i1 to i32
      %sign3A_578 = arith.subi %sign3A_574, %sign3A_577 : i32
      %sign3A_579 = arith.constant 0 : i32
      %sign3A_580 = arith.cmpi sgt, %jit3A_570, %sign3A_579 : i32
      %sign3A_581 = arith.extui %sign3A_580 : i1 to i32
      %sign3A_582 = arith.constant 0 : i32
      %sign3A_583 = arith.cmpi slt, %jit3A_570, %sign3A_582 : i32
      %sign3A_584 = arith.extui %sign3A_583 : i1 to i32
      %sign3A_585 = arith.subi %sign3A_581, %sign3A_584 : i32
      %ne3A_586 = arith.cmpi ne, %sign3A_578, %sign3A_585 : i32
      %rem3A_587 = arith.remsi %add3A_569, %jit3A_570 : i32
      %ne3A_588 = arith.constant 0 : i32
      %ne3A_589 = arith.cmpi ne, %rem3A_587, %ne3A_588 : i32
      %and3A_590 = arith.andi %ne3A_586, %ne3A_589 : i1
      %sub3A_591 = arith.constant 1 : i32
      %sub3A_592 = arith.subi %div3A_571, %sub3A_591 : i32
      %select_n3A_593 = arith.select %and3A_590, %sub3A_592, %div3A_571 : i32
      %dma_wait3A_594 = arith.constant 64 : i32
      %dma_wait3A_595 = tpu.memref_slice %arg5[%select_n3A_593, %dma_wait3A_594] : memref<50x128xi32, #tpu.memory_space<vmem>> -> memref<1x64xi32, #tpu.memory_space<vmem>>
      %dma_wait3A_596 = tpu.memref_squeeze %dma_wait3A_595 : memref<1x64xi32, #tpu.memory_space<vmem>> -> memref<64xi32, #tpu.memory_space<vmem>>
      %dma_wait3A_597 = arith.constant 0 : i32
      %dma_wait3A_598 = arith.constant 0 : i32
      %dma_wait3A_599 = tpu.memref_slice %arg3[%dma_wait3A_597, %dma_wait3A_598] : memref<100000x128xf32, #tpu.memory_space<hbm>> -> memref<100000x128xf32, #tpu.memory_space<hbm>>
      tpu.wait_indirect_dma semaphore(%arg21 : memref<!tpu.dma_semaphore, #tpu.memory_space<semaphore_mem>>) src(%dma_wait3A_599 : memref<100000x128xf32, #tpu.memory_space<hbm>>) dst(%arg11 : memref<64x128xf32, #tpu.memory_space<vmem>>)
      %scan3A_600 = arith.constant 0 : i32
      %scan3A_601 = arith.constant 0 : i32
      %scan3A_602 = arith.constant 64 : i32
      %scan3A_603 = arith.addi %scan3A_601, %scan3A_602 : i32
      %scan3A_604 = arith.constant 1 : i32
      scf.for %scan3A_978 = %scan3A_601 to %scan3A_603 step %scan3A_604  : i32 {
        %get3A = arith.index_cast %scan3A_978 : i32 to index
        %get3A_979 = arith.constant 0 : index
        %get3A_980 = tpu.vector_load %arg11[%get3A, %get3A_979] {strides = array<i32>} : memref<64x128xf32, #tpu.memory_space<vmem>>, vector<1x16xf32>,
        %get3A_981 = vector.shape_cast %get3A_980 : vector<1x16xf32> to vector<16xf32>
        %mul3A_982 = arith.constant 11.3137083 : f32
        %mul3A_983 = vector.broadcast %mul3A_982 : f32 to vector<16xf32>
        %mul3A_984 = arith.mulf %get3A_981, %mul3A_983 : vector<16xf32>
        %swap3A = arith.index_cast %scan3A_978 : i32 to index
        %swap3A_985 = arith.constant 0 : index
        %swap3A_986 = tpu.vector_load %arg11[%swap3A, %swap3A_985] {strides = array<i32>} : memref<64x128xf32, #tpu.memory_space<vmem>>, vector<1x16xf32>,
        %swap3A_987 = vector.shape_cast %swap3A_986 : vector<1x16xf32> to vector<16xf32>
        %swap3A_988 = vector.shape_cast %mul3A_984 : vector<16xf32> to vector<1x16xf32>
        tpu.vector_store %arg11[%swap3A, %swap3A_985], %swap3A_988 {strides = array<i32>} : memref<64x128xf32, #tpu.memory_space<vmem>>, vector<1x16xf32>,
        %get3A_989 = arith.index_cast %scan3A_978 : i32 to index
        %get3A_990 = arith.constant 16 : index
        %get3A_991 = tpu.vector_load %arg11[%get3A_989, %get3A_990] {strides = array<i32>} : memref<64x128xf32, #tpu.memory_space<vmem>>, vector<1x16xf32>,
        %get3A_992 = vector.shape_cast %get3A_991 : vector<1x16xf32> to vector<16xf32>
        %mul3A_993 = arith.constant 11.3137083 : f32
        %mul3A_994 = vector.broadcast %mul3A_993 : f32 to vector<16xf32>
        %mul3A_995 = arith.mulf %get3A_992, %mul3A_994 : vector<16xf32>
        %swap3A_996 = arith.index_cast %scan3A_978 : i32 to index
        %swap3A_997 = arith.constant 16 : index
        %swap3A_998 = tpu.vector_load %arg11[%swap3A_996, %swap3A_997] {strides = array<i32>} : memref<64x128xf32, #tpu.memory_space<vmem>>, vector<1x16xf32>,
        %swap3A_999 = vector.shape_cast %swap3A_998 : vector<1x16xf32> to vector<16xf32>
        %swap3A_1000 = vector.shape_cast %mul3A_995 : vector<16xf32> to vector<1x16xf32>
        tpu.vector_store %arg11[%swap3A_996, %swap3A_997], %swap3A_1000 {strides = array<i32>} : memref<64x128xf32, #tpu.memory_space<vmem>>, vector<1x16xf32>,
        %get3A_1001 = arith.index_cast %scan3A_978 : i32 to index
        %get3A_1002 = arith.constant 32 : index
        %get3A_1003 = tpu.vector_load %arg11[%get3A_1001, %get3A_1002] {strides = array<i32>} : memref<64x128xf32, #tpu.memory_space<vmem>>, vector<1x16xf32>,
        %get3A_1004 = vector.shape_cast %get3A_1003 : vector<1x16xf32> to vector<16xf32>
        %mul3A_1005 = arith.constant 11.3137083 : f32
        %mul3A_1006 = vector.broadcast %mul3A_1005 : f32 to vector<16xf32>
        %mul3A_1007 = arith.mulf %get3A_1004, %mul3A_1006 : vector<16xf32>
        %swap3A_1008 = arith.index_cast %scan3A_978 : i32 to index
        %swap3A_1009 = arith.constant 32 : index
        %swap3A_1010 = tpu.vector_load %arg11[%swap3A_1008, %swap3A_1009] {strides = array<i32>} : memref<64x128xf32, #tpu.memory_space<vmem>>, vector<1x16xf32>,
        %swap3A_1011 = vector.shape_cast %swap3A_1010 : vector<1x16xf32> to vector<16xf32>
        %swap3A_1012 = vector.shape_cast %mul3A_1007 : vector<16xf32> to vector<1x16xf32>
        tpu.vector_store %arg11[%swap3A_1008, %swap3A_1009], %swap3A_1012 {strides = array<i32>} : memref<64x128xf32, #tpu.memory_space<vmem>>, vector<1x16xf32>,
        %get3A_1013 = arith.index_cast %scan3A_978 : i32 to index
        %get3A_1014 = arith.constant 48 : index
        %get3A_1015 = tpu.vector_load %arg11[%get3A_1013, %get3A_1014] {strides = array<i32>} : memref<64x128xf32, #tpu.memory_space<vmem>>, vector<1x16xf32>,
        %get3A_1016 = vector.shape_cast %get3A_1015 : vector<1x16xf32> to vector<16xf32>
        %mul3A_1017 = arith.constant 11.3137083 : f32
        %mul3A_1018 = vector.broadcast %mul3A_1017 : f32 to vector<16xf32>
        %mul3A_1019 = arith.mulf %get3A_1016, %mul3A_1018 : vector<16xf32>
        %swap3A_1020 = arith.index_cast %scan3A_978 : i32 to index
        %swap3A_1021 = arith.constant 48 : index
        %swap3A_1022 = tpu.vector_load %arg11[%swap3A_1020, %swap3A_1021] {strides = array<i32>} : memref<64x128xf32, #tpu.memory_space<vmem>>, vector<1x16xf32>,
        %swap3A_1023 = vector.shape_cast %swap3A_1022 : vector<1x16xf32> to vector<16xf32>
        %swap3A_1024 = vector.shape_cast %mul3A_1019 : vector<16xf32> to vector<1x16xf32>
        tpu.vector_store %arg11[%swap3A_1020, %swap3A_1021], %swap3A_1024 {strides = array<i32>} : memref<64x128xf32, #tpu.memory_space<vmem>>, vector<1x16xf32>,
        %get3A_1025 = arith.index_cast %scan3A_978 : i32 to index
        %get3A_1026 = arith.constant 64 : index
        %get3A_1027 = tpu.vector_load %arg11[%get3A_1025, %get3A_1026] {strides = array<i32>} : memref<64x128xf32, #tpu.memory_space<vmem>>, vector<1x16xf32>,
        %get3A_1028 = vector.shape_cast %get3A_1027 : vector<1x16xf32> to vector<16xf32>
        %mul3A_1029 = arith.constant 11.3137083 : f32
        %mul3A_1030 = vector.broadcast %mul3A_1029 : f32 to vector<16xf32>
        %mul3A_1031 = arith.mulf %get3A_1028, %mul3A_1030 : vector<16xf32>
        %swap3A_1032 = arith.index_cast %scan3A_978 : i32 to index
        %swap3A_1033 = arith.constant 64 : index
        %swap3A_1034 = tpu.vector_load %arg11[%swap3A_1032, %swap3A_1033] {strides = array<i32>} : memref<64x128xf32, #tpu.memory_space<vmem>>, vector<1x16xf32>,
        %swap3A_1035 = vector.shape_cast %swap3A_1034 : vector<1x16xf32> to vector<16xf32>
        %swap3A_1036 = vector.shape_cast %mul3A_1031 : vector<16xf32> to vector<1x16xf32>
        tpu.vector_store %arg11[%swap3A_1032, %swap3A_1033], %swap3A_1036 {strides = array<i32>} : memref<64x128xf32, #tpu.memory_space<vmem>>, vector<1x16xf32>,
        %get3A_1037 = arith.index_cast %scan3A_978 : i32 to index
        %get3A_1038 = arith.constant 80 : index
        %get3A_1039 = tpu.vector_load %arg11[%get3A_1037, %get3A_1038] {strides = array<i32>} : memref<64x128xf32, #tpu.memory_space<vmem>>, vector<1x16xf32>,
        %get3A_1040 = vector.shape_cast %get3A_1039 : vector<1x16xf32> to vector<16xf32>
        %mul3A_1041 = arith.constant 11.3137083 : f32
        %mul3A_1042 = vector.broadcast %mul3A_1041 : f32 to vector<16xf32>
        %mul3A_1043 = arith.mulf %get3A_1040, %mul3A_1042 : vector<16xf32>
        %swap3A_1044 = arith.index_cast %scan3A_978 : i32 to index
        %swap3A_1045 = arith.constant 80 : index
        %swap3A_1046 = tpu.vector_load %arg11[%swap3A_1044, %swap3A_1045] {strides = array<i32>} : memref<64x128xf32, #tpu.memory_space<vmem>>, vector<1x16xf32>,
        %swap3A_1047 = vector.shape_cast %swap3A_1046 : vector<1x16xf32> to vector<16xf32>
        %swap3A_1048 = vector.shape_cast %mul3A_1043 : vector<16xf32> to vector<1x16xf32>
        tpu.vector_store %arg11[%swap3A_1044, %swap3A_1045], %swap3A_1048 {strides = array<i32>} : memref<64x128xf32, #tpu.memory_space<vmem>>, vector<1x16xf32>,
        %get3A_1049 = arith.index_cast %scan3A_978 : i32 to index
        %get3A_1050 = arith.constant 96 : index
        %get3A_1051 = tpu.vector_load %arg11[%get3A_1049, %get3A_1050] {strides = array<i32>} : memref<64x128xf32, #tpu.memory_space<vmem>>, vector<1x16xf32>,
        %get3A_1052 = vector.shape_cast %get3A_1051 : vector<1x16xf32> to vector<16xf32>
        %mul3A_1053 = arith.constant 11.3137083 : f32
        %mul3A_1054 = vector.broadcast %mul3A_1053 : f32 to vector<16xf32>
        %mul3A_1055 = arith.mulf %get3A_1052, %mul3A_1054 : vector<16xf32>
        %swap3A_1056 = arith.index_cast %scan3A_978 : i32 to index
        %swap3A_1057 = arith.constant 96 : index
        %swap3A_1058 = tpu.vector_load %arg11[%swap3A_1056, %swap3A_1057] {strides = array<i32>} : memref<64x128xf32, #tpu.memory_space<vmem>>, vector<1x16xf32>,
        %swap3A_1059 = vector.shape_cast %swap3A_1058 : vector<1x16xf32> to vector<16xf32>
        %swap3A_1060 = vector.shape_cast %mul3A_1055 : vector<16xf32> to vector<1x16xf32>
        tpu.vector_store %arg11[%swap3A_1056, %swap3A_1057], %swap3A_1060 {strides = array<i32>} : memref<64x128xf32, #tpu.memory_space<vmem>>, vector<1x16xf32>,
        %get3A_1061 = arith.index_cast %scan3A_978 : i32 to index
        %get3A_1062 = arith.constant 112 : index
        %get3A_1063 = tpu.vector_load %arg11[%get3A_1061, %get3A_1062] {strides = array<i32>} : memref<64x128xf32, #tpu.memory_space<vmem>>, vector<1x16xf32>,
        %get3A_1064 = vector.shape_cast %get3A_1063 : vector<1x16xf32> to vector<16xf32>
        %mul3A_1065 = arith.constant 11.3137083 : f32
        %mul3A_1066 = vector.broadcast %mul3A_1065 : f32 to vector<16xf32>
        %mul3A_1067 = arith.mulf %get3A_1064, %mul3A_1066 : vector<16xf32>
        %swap3A_1068 = arith.index_cast %scan3A_978 : i32 to index
        %swap3A_1069 = arith.constant 112 : index
        %swap3A_1070 = tpu.vector_load %arg11[%swap3A_1068, %swap3A_1069] {strides = array<i32>} : memref<64x128xf32, #tpu.memory_space<vmem>>, vector<1x16xf32>,
        %swap3A_1071 = vector.shape_cast %swap3A_1070 : vector<1x16xf32> to vector<16xf32>
        %swap3A_1072 = vector.shape_cast %mul3A_1067 : vector<16xf32> to vector<1x16xf32>
        tpu.vector_store %arg11[%swap3A_1068, %swap3A_1069], %swap3A_1072 {strides = array<i32>} : memref<64x128xf32, #tpu.memory_space<vmem>>, vector<1x16xf32>,
      }
      %scan3A_605 = arith.constant 64 : i32
      %jit3A_606 = arith.constant 2 : i32
      %div3A_607 = arith.divsi %add3A_569, %jit3A_606 : i32
      %sign3A_608 = arith.constant 0 : i32
      %sign3A_609 = arith.cmpi sgt, %add3A_569, %sign3A_608 : i32
      %sign3A_610 = arith.extui %sign3A_609 : i1 to i32
      %sign3A_611 = arith.constant 0 : i32
      %sign3A_612 = arith.cmpi slt, %add3A_569, %sign3A_611 : i32
      %sign3A_613 = arith.extui %sign3A_612 : i1 to i32
      %sign3A_614 = arith.subi %sign3A_610, %sign3A_613 : i32
      %sign3A_615 = arith.constant 0 : i32
      %sign3A_616 = arith.cmpi sgt, %jit3A_606, %sign3A_615 : i32
      %sign3A_617 = arith.extui %sign3A_616 : i1 to i32
      %sign3A_618 = arith.constant 0 : i32
      %sign3A_619 = arith.cmpi slt, %jit3A_606, %sign3A_618 : i32
      %sign3A_620 = arith.extui %sign3A_619 : i1 to i32
      %sign3A_621 = arith.subi %sign3A_617, %sign3A_620 : i32
      %ne3A_622 = arith.cmpi ne, %sign3A_614, %sign3A_621 : i32
      %rem3A_623 = arith.remsi %add3A_569, %jit3A_606 : i32
      %ne3A_624 = arith.constant 0 : i32
      %ne3A_625 = arith.cmpi ne, %rem3A_623, %ne3A_624 : i32
      %and3A_626 = arith.andi %ne3A_622, %ne3A_625 : i1
      %sub3A_627 = arith.constant 1 : i32
      %sub3A_628 = arith.subi %div3A_607, %sub3A_627 : i32
      %select_n3A_629 = arith.select %and3A_626, %sub3A_628, %div3A_607 : i32
      %add3A_630 = arith.constant 64 : i32
      %add3A_631 = arith.addi %mul3A_2, %add3A_630 : i32
      %dma_start3A_632 = arith.constant 0 : i32
      %dma_start3A_633 = tpu.memref_slice %arg4[%select_n3A_629, %add3A_631, %dma_start3A_632] : memref<50x4096x128xf32, #tpu.memory_space<hbm>> -> memref<1x64x128xf32, #tpu.memory_space<hbm>>
      %dma_start3A_634 = tpu.memref_squeeze %dma_start3A_633 : memref<1x64x128xf32, #tpu.memory_space<hbm>> -> memref<64x128xf32, #tpu.memory_space<hbm>>
      %dma_start3A_635 = arith.constant 0 : i32
      %dma_start3A_636 = tpu.memref_slice %arg4[%select_n3A_629, %add3A_631, %dma_start3A_635] : memref<50x4096x128xf32, #tpu.memory_space<hbm>> -> memref<1x64x128xf32, #tpu.memory_space<hbm>>
      %dma_start3A_637 = tpu.memref_squeeze %dma_start3A_636 : memref<1x64x128xf32, #tpu.memory_space<hbm>> -> memref<64x128xf32, #tpu.memory_space<hbm>>
      tpu.enqueue_dma source(%arg11 : memref<64x128xf32, #tpu.memory_space<vmem>>) target(%dma_start3A_637 : memref<64x128xf32, #tpu.memory_space<hbm>>) target_semaphore(%arg31 : memref<!tpu.dma_semaphore, #tpu.memory_space<semaphore_mem>>)
      %sub3A_638 = arith.constant 3 : i32
      %sub3A_639 = arith.subi %add3A_569, %sub3A_638 : i32
      %ge3A_640 = arith.constant 0 : i32
      %ge3A_641 = arith.cmpi sge, %sub3A_639, %ge3A_640 : i32
      %add3A_642 = arith.constant 10 : i32
      %add3A_643 = arith.addi %sub3A_639, %add3A_642 : i32
      %lt3A_644 = arith.constant 100 : i32
      %lt3A_645 = arith.cmpi slt, %add3A_643, %lt3A_644 : i32
      %and3A_646 = arith.andi %ge3A_641, %lt3A_645 : i1
      %convert_element_type3A_647 = arith.extui %and3A_646 : i1 to i32
      %cond3A_648 = arith.constant 0 : i32
      %cond3A_649 = arith.cmpi ne, %convert_element_type3A_647, %cond3A_648 : i32
      scf.if %cond3A_649 {
        %jit3A_978 = arith.constant 2 : i32
        %div3A_979 = arith.divsi %sub3A_639, %jit3A_978 : i32
        %sign3A_980 = arith.constant 0 : i32
        %sign3A_981 = arith.cmpi sgt, %sub3A_639, %sign3A_980 : i32
        %sign3A_982 = arith.extui %sign3A_981 : i1 to i32
        %sign3A_983 = arith.constant 0 : i32
        %sign3A_984 = arith.cmpi slt, %sub3A_639, %sign3A_983 : i32
        %sign3A_985 = arith.extui %sign3A_984 : i1 to i32
        %sign3A_986 = arith.subi %sign3A_982, %sign3A_985 : i32
        %sign3A_987 = arith.constant 0 : i32
        %sign3A_988 = arith.cmpi sgt, %jit3A_978, %sign3A_987 : i32
        %sign3A_989 = arith.extui %sign3A_988 : i1 to i32
        %sign3A_990 = arith.constant 0 : i32
        %sign3A_991 = arith.cmpi slt, %jit3A_978, %sign3A_990 : i32
        %sign3A_992 = arith.extui %sign3A_991 : i1 to i32
        %sign3A_993 = arith.subi %sign3A_989, %sign3A_992 : i32
        %ne3A_994 = arith.cmpi ne, %sign3A_986, %sign3A_993 : i32
        %rem3A_995 = arith.remsi %sub3A_639, %jit3A_978 : i32
        %ne3A_996 = arith.constant 0 : i32
        %ne3A_997 = arith.cmpi ne, %rem3A_995, %ne3A_996 : i32
        %and3A_998 = arith.andi %ne3A_994, %ne3A_997 : i1
        %sub3A_999 = arith.constant 1 : i32
        %sub3A_1000 = arith.subi %div3A_979, %sub3A_999 : i32
        %select_n3A_1001 = arith.select %and3A_998, %sub3A_1000, %div3A_979 : i32
        %add3A_1002 = arith.constant 0 : i32
        %add3A_1003 = arith.addi %mul3A_2, %add3A_1002 : i32
        %dma_wait3A_1004 = arith.constant 0 : i32
        %dma_wait3A_1005 = tpu.memref_slice %arg4[%select_n3A_1001, %add3A_1003, %dma_wait3A_1004] : memref<50x4096x128xf32, #tpu.memory_space<hbm>> -> memref<1x64x128xf32, #tpu.memory_space<hbm>>
        %dma_wait3A_1006 = tpu.memref_squeeze %dma_wait3A_1005 : memref<1x64x128xf32, #tpu.memory_space<hbm>> -> memref<64x128xf32, #tpu.memory_space<hbm>>
        %dma_wait3A_1007 = arith.constant 0 : i32
        %dma_wait3A_1008 = tpu.memref_slice %arg4[%select_n3A_1001, %add3A_1003, %dma_wait3A_1007] : memref<50x4096x128xf32, #tpu.memory_space<hbm>> -> memref<1x64x128xf32, #tpu.memory_space<hbm>>
        %dma_wait3A_1009 = tpu.memref_squeeze %dma_wait3A_1008 : memref<1x64x128xf32, #tpu.memory_space<hbm>> -> memref<64x128xf32, #tpu.memory_space<hbm>>
        tpu.wait_dma2 semaphore(%arg28 : memref<!tpu.dma_semaphore, #tpu.memory_space<semaphore_mem>>) src(%arg8 : memref<64x128xf32, #tpu.memory_space<vmem>>) dst(%dma_wait3A_1009 : memref<64x128xf32, #tpu.memory_space<hbm>>)
        %add3A_1010 = arith.constant 10 : i32
        %add3A_1011 = arith.addi %sub3A_639, %add3A_1010 : i32
        %jit3A_1012 = arith.constant 2 : i32
        %div3A_1013 = arith.divsi %add3A_1011, %jit3A_1012 : i32
        %sign3A_1014 = arith.constant 0 : i32
        %sign3A_1015 = arith.cmpi sgt, %add3A_1011, %sign3A_1014 : i32
        %sign3A_1016 = arith.extui %sign3A_1015 : i1 to i32
        %sign3A_1017 = arith.constant 0 : i32
        %sign3A_1018 = arith.cmpi slt, %add3A_1011, %sign3A_1017 : i32
        %sign3A_1019 = arith.extui %sign3A_1018 : i1 to i32
        %sign3A_1020 = arith.subi %sign3A_1016, %sign3A_1019 : i32
        %sign3A_1021 = arith.constant 0 : i32
        %sign3A_1022 = arith.cmpi sgt, %jit3A_1012, %sign3A_1021 : i32
        %sign3A_1023 = arith.extui %sign3A_1022 : i1 to i32
        %sign3A_1024 = arith.constant 0 : i32
        %sign3A_1025 = arith.cmpi slt, %jit3A_1012, %sign3A_1024 : i32
        %sign3A_1026 = arith.extui %sign3A_1025 : i1 to i32
        %sign3A_1027 = arith.subi %sign3A_1023, %sign3A_1026 : i32
        %ne3A_1028 = arith.cmpi ne, %sign3A_1020, %sign3A_1027 : i32
        %rem3A_1029 = arith.remsi %add3A_1011, %jit3A_1012 : i32
        %ne3A_1030 = arith.constant 0 : i32
        %ne3A_1031 = arith.cmpi ne, %rem3A_1029, %ne3A_1030 : i32
        %and3A_1032 = arith.andi %ne3A_1028, %ne3A_1031 : i1
        %sub3A_1033 = arith.constant 1 : i32
        %sub3A_1034 = arith.subi %div3A_1013, %sub3A_1033 : i32
        %select_n3A_1035 = arith.select %and3A_1032, %sub3A_1034, %div3A_1013 : i32
        %dma_start3A_1036 = arith.constant 0 : i32
        %dma_start3A_1037 = tpu.memref_slice %arg5[%select_n3A_1035, %dma_start3A_1036] : memref<50x128xi32, #tpu.memory_space<vmem>> -> memref<1x64xi32, #tpu.memory_space<vmem>>
        %dma_start3A_1038 = tpu.memref_squeeze %dma_start3A_1037 : memref<1x64xi32, #tpu.memory_space<vmem>> -> memref<64xi32, #tpu.memory_space<vmem>>
        %dma_start3A_1039 = arith.constant 0 : i32
        %dma_start3A_1040 = arith.constant 0 : i32
        %dma_start3A_1041 = tpu.memref_slice %arg3[%dma_start3A_1039, %dma_start3A_1040] : memref<100000x128xf32, #tpu.memory_space<hbm>> -> memref<100000x128xf32, #tpu.memory_space<hbm>>
        tpu.enqueue_indirect_dma source(%dma_start3A_1041 : memref<100000x128xf32, #tpu.memory_space<hbm>>) target(%arg8 : memref<64x128xf32, #tpu.memory_space<vmem>>) offsets(%dma_start3A_1038 : memref<64xi32, #tpu.memory_space<vmem>>) semaphore(%arg18 : memref<!tpu.dma_semaphore, #tpu.memory_space<semaphore_mem>>)
      } else {
      }
      %add3A_650 = arith.constant 6 : i32
      %add3A_651 = arith.addi %add3A_169, %add3A_650 : i32
      %jit3A_652 = arith.constant 2 : i32
      %div3A_653 = arith.divsi %add3A_651, %jit3A_652 : i32
      %sign3A_654 = arith.constant 0 : i32
      %sign3A_655 = arith.cmpi sgt, %add3A_651, %sign3A_654 : i32
      %sign3A_656 = arith.extui %sign3A_655 : i1 to i32
      %sign3A_657 = arith.constant 0 : i32
      %sign3A_658 = arith.cmpi slt, %add3A_651, %sign3A_657 : i32
      %sign3A_659 = arith.extui %sign3A_658 : i1 to i32
      %sign3A_660 = arith.subi %sign3A_656, %sign3A_659 : i32
      %sign3A_661 = arith.constant 0 : i32
      %sign3A_662 = arith.cmpi sgt, %jit3A_652, %sign3A_661 : i32
      %sign3A_663 = arith.extui %sign3A_662 : i1 to i32
      %sign3A_664 = arith.constant 0 : i32
      %sign3A_665 = arith.cmpi slt, %jit3A_652, %sign3A_664 : i32
      %sign3A_666 = arith.extui %sign3A_665 : i1 to i32
      %sign3A_667 = arith.subi %sign3A_663, %sign3A_666 : i32
      %ne3A_668 = arith.cmpi ne, %sign3A_660, %sign3A_667 : i32
      %rem3A_669 = arith.remsi %add3A_651, %jit3A_652 : i32
      %ne3A_670 = arith.constant 0 : i32
      %ne3A_671 = arith.cmpi ne, %rem3A_669, %ne3A_670 : i32
      %and3A_672 = arith.andi %ne3A_668, %ne3A_671 : i1
      %sub3A_673 = arith.constant 1 : i32
      %sub3A_674 = arith.subi %div3A_653, %sub3A_673 : i32
      %select_n3A_675 = arith.select %and3A_672, %sub3A_674, %div3A_653 : i32
      %dma_wait3A_676 = arith.constant 0 : i32
      %dma_wait3A_677 = tpu.memref_slice %arg5[%select_n3A_675, %dma_wait3A_676] : memref<50x128xi32, #tpu.memory_space<vmem>> -> memref<1x64xi32, #tpu.memory_space<vmem>>
      %dma_wait3A_678 = tpu.memref_squeeze %dma_wait3A_677 : memref<1x64xi32, #tpu.memory_space<vmem>> -> memref<64xi32, #tpu.memory_space<vmem>>
      %dma_wait3A_679 = arith.constant 0 : i32
      %dma_wait3A_680 = arith.constant 0 : i32
      %dma_wait3A_681 = tpu.memref_slice %arg3[%dma_wait3A_679, %dma_wait3A_680] : memref<100000x128xf32, #tpu.memory_space<hbm>> -> memref<100000x128xf32, #tpu.memory_space<hbm>>
      tpu.wait_indirect_dma semaphore(%arg22 : memref<!tpu.dma_semaphore, #tpu.memory_space<semaphore_mem>>) src(%dma_wait3A_681 : memref<100000x128xf32, #tpu.memory_space<hbm>>) dst(%arg12 : memref<64x128xf32, #tpu.memory_space<vmem>>)
      %scan3A_682 = arith.constant 0 : i32
      %scan3A_683 = arith.constant 0 : i32
      %scan3A_684 = arith.constant 64 : i32
      %scan3A_685 = arith.addi %scan3A_683, %scan3A_684 : i32
      %scan3A_686 = arith.constant 1 : i32
      scf.for %scan3A_978 = %scan3A_683 to %scan3A_685 step %scan3A_686  : i32 {
        %get3A = arith.index_cast %scan3A_978 : i32 to index
        %get3A_979 = arith.constant 0 : index
        %get3A_980 = tpu.vector_load %arg12[%get3A, %get3A_979] {strides = array<i32>} : memref<64x128xf32, #tpu.memory_space<vmem>>, vector<1x16xf32>,
        %get3A_981 = vector.shape_cast %get3A_980 : vector<1x16xf32> to vector<16xf32>
        %mul3A_982 = arith.constant 11.3137083 : f32
        %mul3A_983 = vector.broadcast %mul3A_982 : f32 to vector<16xf32>
        %mul3A_984 = arith.mulf %get3A_981, %mul3A_983 : vector<16xf32>
        %swap3A = arith.index_cast %scan3A_978 : i32 to index
        %swap3A_985 = arith.constant 0 : index
        %swap3A_986 = tpu.vector_load %arg12[%swap3A, %swap3A_985] {strides = array<i32>} : memref<64x128xf32, #tpu.memory_space<vmem>>, vector<1x16xf32>,
        %swap3A_987 = vector.shape_cast %swap3A_986 : vector<1x16xf32> to vector<16xf32>
        %swap3A_988 = vector.shape_cast %mul3A_984 : vector<16xf32> to vector<1x16xf32>
        tpu.vector_store %arg12[%swap3A, %swap3A_985], %swap3A_988 {strides = array<i32>} : memref<64x128xf32, #tpu.memory_space<vmem>>, vector<1x16xf32>,
        %get3A_989 = arith.index_cast %scan3A_978 : i32 to index
        %get3A_990 = arith.constant 16 : index
        %get3A_991 = tpu.vector_load %arg12[%get3A_989, %get3A_990] {strides = array<i32>} : memref<64x128xf32, #tpu.memory_space<vmem>>, vector<1x16xf32>,
        %get3A_992 = vector.shape_cast %get3A_991 : vector<1x16xf32> to vector<16xf32>
        %mul3A_993 = arith.constant 11.3137083 : f32
        %mul3A_994 = vector.broadcast %mul3A_993 : f32 to vector<16xf32>
        %mul3A_995 = arith.mulf %get3A_992, %mul3A_994 : vector<16xf32>
        %swap3A_996 = arith.index_cast %scan3A_978 : i32 to index
        %swap3A_997 = arith.constant 16 : index
        %swap3A_998 = tpu.vector_load %arg12[%swap3A_996, %swap3A_997] {strides = array<i32>} : memref<64x128xf32, #tpu.memory_space<vmem>>, vector<1x16xf32>,
        %swap3A_999 = vector.shape_cast %swap3A_998 : vector<1x16xf32> to vector<16xf32>
        %swap3A_1000 = vector.shape_cast %mul3A_995 : vector<16xf32> to vector<1x16xf32>
        tpu.vector_store %arg12[%swap3A_996, %swap3A_997], %swap3A_1000 {strides = array<i32>} : memref<64x128xf32, #tpu.memory_space<vmem>>, vector<1x16xf32>,
        %get3A_1001 = arith.index_cast %scan3A_978 : i32 to index
        %get3A_1002 = arith.constant 32 : index
        %get3A_1003 = tpu.vector_load %arg12[%get3A_1001, %get3A_1002] {strides = array<i32>} : memref<64x128xf32, #tpu.memory_space<vmem>>, vector<1x16xf32>,
        %get3A_1004 = vector.shape_cast %get3A_1003 : vector<1x16xf32> to vector<16xf32>
        %mul3A_1005 = arith.constant 11.3137083 : f32
        %mul3A_1006 = vector.broadcast %mul3A_1005 : f32 to vector<16xf32>
        %mul3A_1007 = arith.mulf %get3A_1004, %mul3A_1006 : vector<16xf32>
        %swap3A_1008 = arith.index_cast %scan3A_978 : i32 to index
        %swap3A_1009 = arith.constant 32 : index
        %swap3A_1010 = tpu.vector_load %arg12[%swap3A_1008, %swap3A_1009] {strides = array<i32>} : memref<64x128xf32, #tpu.memory_space<vmem>>, vector<1x16xf32>,
        %swap3A_1011 = vector.shape_cast %swap3A_1010 : vector<1x16xf32> to vector<16xf32>
        %swap3A_1012 = vector.shape_cast %mul3A_1007 : vector<16xf32> to vector<1x16xf32>
        tpu.vector_store %arg12[%swap3A_1008, %swap3A_1009], %swap3A_1012 {strides = array<i32>} : memref<64x128xf32, #tpu.memory_space<vmem>>, vector<1x16xf32>,
        %get3A_1013 = arith.index_cast %scan3A_978 : i32 to index
        %get3A_1014 = arith.constant 48 : index
        %get3A_1015 = tpu.vector_load %arg12[%get3A_1013, %get3A_1014] {strides = array<i32>} : memref<64x128xf32, #tpu.memory_space<vmem>>, vector<1x16xf32>,
        %get3A_1016 = vector.shape_cast %get3A_1015 : vector<1x16xf32> to vector<16xf32>
        %mul3A_1017 = arith.constant 11.3137083 : f32
        %mul3A_1018 = vector.broadcast %mul3A_1017 : f32 to vector<16xf32>
        %mul3A_1019 = arith.mulf %get3A_1016, %mul3A_1018 : vector<16xf32>
        %swap3A_1020 = arith.index_cast %scan3A_978 : i32 to index
        %swap3A_1021 = arith.constant 48 : index
        %swap3A_1022 = tpu.vector_load %arg12[%swap3A_1020, %swap3A_1021] {strides = array<i32>} : memref<64x128xf32, #tpu.memory_space<vmem>>, vector<1x16xf32>,
        %swap3A_1023 = vector.shape_cast %swap3A_1022 : vector<1x16xf32> to vector<16xf32>
        %swap3A_1024 = vector.shape_cast %mul3A_1019 : vector<16xf32> to vector<1x16xf32>
        tpu.vector_store %arg12[%swap3A_1020, %swap3A_1021], %swap3A_1024 {strides = array<i32>} : memref<64x128xf32, #tpu.memory_space<vmem>>, vector<1x16xf32>,
        %get3A_1025 = arith.index_cast %scan3A_978 : i32 to index
        %get3A_1026 = arith.constant 64 : index
        %get3A_1027 = tpu.vector_load %arg12[%get3A_1025, %get3A_1026] {strides = array<i32>} : memref<64x128xf32, #tpu.memory_space<vmem>>, vector<1x16xf32>,
        %get3A_1028 = vector.shape_cast %get3A_1027 : vector<1x16xf32> to vector<16xf32>
        %mul3A_1029 = arith.constant 11.3137083 : f32
        %mul3A_1030 = vector.broadcast %mul3A_1029 : f32 to vector<16xf32>
        %mul3A_1031 = arith.mulf %get3A_1028, %mul3A_1030 : vector<16xf32>
        %swap3A_1032 = arith.index_cast %scan3A_978 : i32 to index
        %swap3A_1033 = arith.constant 64 : index
        %swap3A_1034 = tpu.vector_load %arg12[%swap3A_1032, %swap3A_1033] {strides = array<i32>} : memref<64x128xf32, #tpu.memory_space<vmem>>, vector<1x16xf32>,
        %swap3A_1035 = vector.shape_cast %swap3A_1034 : vector<1x16xf32> to vector<16xf32>
        %swap3A_1036 = vector.shape_cast %mul3A_1031 : vector<16xf32> to vector<1x16xf32>
        tpu.vector_store %arg12[%swap3A_1032, %swap3A_1033], %swap3A_1036 {strides = array<i32>} : memref<64x128xf32, #tpu.memory_space<vmem>>, vector<1x16xf32>,
        %get3A_1037 = arith.index_cast %scan3A_978 : i32 to index
        %get3A_1038 = arith.constant 80 : index
        %get3A_1039 = tpu.vector_load %arg12[%get3A_1037, %get3A_1038] {strides = array<i32>} : memref<64x128xf32, #tpu.memory_space<vmem>>, vector<1x16xf32>,
        %get3A_1040 = vector.shape_cast %get3A_1039 : vector<1x16xf32> to vector<16xf32>
        %mul3A_1041 = arith.constant 11.3137083 : f32
        %mul3A_1042 = vector.broadcast %mul3A_1041 : f32 to vector<16xf32>
        %mul3A_1043 = arith.mulf %get3A_1040, %mul3A_1042 : vector<16xf32>
        %swap3A_1044 = arith.index_cast %scan3A_978 : i32 to index
        %swap3A_1045 = arith.constant 80 : index
        %swap3A_1046 = tpu.vector_load %arg12[%swap3A_1044, %swap3A_1045] {strides = array<i32>} : memref<64x128xf32, #tpu.memory_space<vmem>>, vector<1x16xf32>,
        %swap3A_1047 = vector.shape_cast %swap3A_1046 : vector<1x16xf32> to vector<16xf32>
        %swap3A_1048 = vector.shape_cast %mul3A_1043 : vector<16xf32> to vector<1x16xf32>
        tpu.vector_store %arg12[%swap3A_1044, %swap3A_1045], %swap3A_1048 {strides = array<i32>} : memref<64x128xf32, #tpu.memory_space<vmem>>, vector<1x16xf32>,
        %get3A_1049 = arith.index_cast %scan3A_978 : i32 to index
        %get3A_1050 = arith.constant 96 : index
        %get3A_1051 = tpu.vector_load %arg12[%get3A_1049, %get3A_1050] {strides = array<i32>} : memref<64x128xf32, #tpu.memory_space<vmem>>, vector<1x16xf32>,
        %get3A_1052 = vector.shape_cast %get3A_1051 : vector<1x16xf32> to vector<16xf32>
        %mul3A_1053 = arith.constant 11.3137083 : f32
        %mul3A_1054 = vector.broadcast %mul3A_1053 : f32 to vector<16xf32>
        %mul3A_1055 = arith.mulf %get3A_1052, %mul3A_1054 : vector<16xf32>
        %swap3A_1056 = arith.index_cast %scan3A_978 : i32 to index
        %swap3A_1057 = arith.constant 96 : index
        %swap3A_1058 = tpu.vector_load %arg12[%swap3A_1056, %swap3A_1057] {strides = array<i32>} : memref<64x128xf32, #tpu.memory_space<vmem>>, vector<1x16xf32>,
        %swap3A_1059 = vector.shape_cast %swap3A_1058 : vector<1x16xf32> to vector<16xf32>
        %swap3A_1060 = vector.shape_cast %mul3A_1055 : vector<16xf32> to vector<1x16xf32>
        tpu.vector_store %arg12[%swap3A_1056, %swap3A_1057], %swap3A_1060 {strides = array<i32>} : memref<64x128xf32, #tpu.memory_space<vmem>>, vector<1x16xf32>,
        %get3A_1061 = arith.index_cast %scan3A_978 : i32 to index
        %get3A_1062 = arith.constant 112 : index
        %get3A_1063 = tpu.vector_load %arg12[%get3A_1061, %get3A_1062] {strides = array<i32>} : memref<64x128xf32, #tpu.memory_space<vmem>>, vector<1x16xf32>,
        %get3A_1064 = vector.shape_cast %get3A_1063 : vector<1x16xf32> to vector<16xf32>
        %mul3A_1065 = arith.constant 11.3137083 : f32
        %mul3A_1066 = vector.broadcast %mul3A_1065 : f32 to vector<16xf32>
        %mul3A_1067 = arith.mulf %get3A_1064, %mul3A_1066 : vector<16xf32>
        %swap3A_1068 = arith.index_cast %scan3A_978 : i32 to index
        %swap3A_1069 = arith.constant 112 : index
        %swap3A_1070 = tpu.vector_load %arg12[%swap3A_1068, %swap3A_1069] {strides = array<i32>} : memref<64x128xf32, #tpu.memory_space<vmem>>, vector<1x16xf32>,
        %swap3A_1071 = vector.shape_cast %swap3A_1070 : vector<1x16xf32> to vector<16xf32>
        %swap3A_1072 = vector.shape_cast %mul3A_1067 : vector<16xf32> to vector<1x16xf32>
        tpu.vector_store %arg12[%swap3A_1068, %swap3A_1069], %swap3A_1072 {strides = array<i32>} : memref<64x128xf32, #tpu.memory_space<vmem>>, vector<1x16xf32>,
      }
      %scan3A_687 = arith.constant 64 : i32
      %jit3A_688 = arith.constant 2 : i32
      %div3A_689 = arith.divsi %add3A_651, %jit3A_688 : i32
      %sign3A_690 = arith.constant 0 : i32
      %sign3A_691 = arith.cmpi sgt, %add3A_651, %sign3A_690 : i32
      %sign3A_692 = arith.extui %sign3A_691 : i1 to i32
      %sign3A_693 = arith.constant 0 : i32
      %sign3A_694 = arith.cmpi slt, %add3A_651, %sign3A_693 : i32
      %sign3A_695 = arith.extui %sign3A_694 : i1 to i32
      %sign3A_696 = arith.subi %sign3A_692, %sign3A_695 : i32
      %sign3A_697 = arith.constant 0 : i32
      %sign3A_698 = arith.cmpi sgt, %jit3A_688, %sign3A_697 : i32
      %sign3A_699 = arith.extui %sign3A_698 : i1 to i32
      %sign3A_700 = arith.constant 0 : i32
      %sign3A_701 = arith.cmpi slt, %jit3A_688, %sign3A_700 : i32
      %sign3A_702 = arith.extui %sign3A_701 : i1 to i32
      %sign3A_703 = arith.subi %sign3A_699, %sign3A_702 : i32
      %ne3A_704 = arith.cmpi ne, %sign3A_696, %sign3A_703 : i32
      %rem3A_705 = arith.remsi %add3A_651, %jit3A_688 : i32
      %ne3A_706 = arith.constant 0 : i32
      %ne3A_707 = arith.cmpi ne, %rem3A_705, %ne3A_706 : i32
      %and3A_708 = arith.andi %ne3A_704, %ne3A_707 : i1
      %sub3A_709 = arith.constant 1 : i32
      %sub3A_710 = arith.subi %div3A_689, %sub3A_709 : i32
      %select_n3A_711 = arith.select %and3A_708, %sub3A_710, %div3A_689 : i32
      %add3A_712 = arith.constant 0 : i32
      %add3A_713 = arith.addi %mul3A_2, %add3A_712 : i32
      %dma_start3A_714 = arith.constant 0 : i32
      %dma_start3A_715 = tpu.memref_slice %arg4[%select_n3A_711, %add3A_713, %dma_start3A_714] : memref<50x4096x128xf32, #tpu.memory_space<hbm>> -> memref<1x64x128xf32, #tpu.memory_space<hbm>>
      %dma_start3A_716 = tpu.memref_squeeze %dma_start3A_715 : memref<1x64x128xf32, #tpu.memory_space<hbm>> -> memref<64x128xf32, #tpu.memory_space<hbm>>
      %dma_start3A_717 = arith.constant 0 : i32
      %dma_start3A_718 = tpu.memref_slice %arg4[%select_n3A_711, %add3A_713, %dma_start3A_717] : memref<50x4096x128xf32, #tpu.memory_space<hbm>> -> memref<1x64x128xf32, #tpu.memory_space<hbm>>
      %dma_start3A_719 = tpu.memref_squeeze %dma_start3A_718 : memref<1x64x128xf32, #tpu.memory_space<hbm>> -> memref<64x128xf32, #tpu.memory_space<hbm>>
      tpu.enqueue_dma source(%arg12 : memref<64x128xf32, #tpu.memory_space<vmem>>) target(%dma_start3A_719 : memref<64x128xf32, #tpu.memory_space<hbm>>) target_semaphore(%arg32 : memref<!tpu.dma_semaphore, #tpu.memory_space<semaphore_mem>>)
      %sub3A_720 = arith.constant 3 : i32
      %sub3A_721 = arith.subi %add3A_651, %sub3A_720 : i32
      %ge3A_722 = arith.constant 0 : i32
      %ge3A_723 = arith.cmpi sge, %sub3A_721, %ge3A_722 : i32
      %add3A_724 = arith.constant 10 : i32
      %add3A_725 = arith.addi %sub3A_721, %add3A_724 : i32
      %lt3A_726 = arith.constant 100 : i32
      %lt3A_727 = arith.cmpi slt, %add3A_725, %lt3A_726 : i32
      %and3A_728 = arith.andi %ge3A_723, %lt3A_727 : i1
      %convert_element_type3A_729 = arith.extui %and3A_728 : i1 to i32
      %cond3A_730 = arith.constant 0 : i32
      %cond3A_731 = arith.cmpi ne, %convert_element_type3A_729, %cond3A_730 : i32
      scf.if %cond3A_731 {
        %jit3A_978 = arith.constant 2 : i32
        %div3A_979 = arith.divsi %sub3A_721, %jit3A_978 : i32
        %sign3A_980 = arith.constant 0 : i32
        %sign3A_981 = arith.cmpi sgt, %sub3A_721, %sign3A_980 : i32
        %sign3A_982 = arith.extui %sign3A_981 : i1 to i32
        %sign3A_983 = arith.constant 0 : i32
        %sign3A_984 = arith.cmpi slt, %sub3A_721, %sign3A_983 : i32
        %sign3A_985 = arith.extui %sign3A_984 : i1 to i32
        %sign3A_986 = arith.subi %sign3A_982, %sign3A_985 : i32
        %sign3A_987 = arith.constant 0 : i32
        %sign3A_988 = arith.cmpi sgt, %jit3A_978, %sign3A_987 : i32
        %sign3A_989 = arith.extui %sign3A_988 : i1 to i32
        %sign3A_990 = arith.constant 0 : i32
        %sign3A_991 = arith.cmpi slt, %jit3A_978, %sign3A_990 : i32
        %sign3A_992 = arith.extui %sign3A_991 : i1 to i32
        %sign3A_993 = arith.subi %sign3A_989, %sign3A_992 : i32
        %ne3A_994 = arith.cmpi ne, %sign3A_986, %sign3A_993 : i32
        %rem3A_995 = arith.remsi %sub3A_721, %jit3A_978 : i32
        %ne3A_996 = arith.constant 0 : i32
        %ne3A_997 = arith.cmpi ne, %rem3A_995, %ne3A_996 : i32
        %and3A_998 = arith.andi %ne3A_994, %ne3A_997 : i1
        %sub3A_999 = arith.constant 1 : i32
        %sub3A_1000 = arith.subi %div3A_979, %sub3A_999 : i32
        %select_n3A_1001 = arith.select %and3A_998, %sub3A_1000, %div3A_979 : i32
        %add3A_1002 = arith.constant 64 : i32
        %add3A_1003 = arith.addi %mul3A_2, %add3A_1002 : i32
        %dma_wait3A_1004 = arith.constant 0 : i32
        %dma_wait3A_1005 = tpu.memref_slice %arg4[%select_n3A_1001, %add3A_1003, %dma_wait3A_1004] : memref<50x4096x128xf32, #tpu.memory_space<hbm>> -> memref<1x64x128xf32, #tpu.memory_space<hbm>>
        %dma_wait3A_1006 = tpu.memref_squeeze %dma_wait3A_1005 : memref<1x64x128xf32, #tpu.memory_space<hbm>> -> memref<64x128xf32, #tpu.memory_space<hbm>>
        %dma_wait3A_1007 = arith.constant 0 : i32
        %dma_wait3A_1008 = tpu.memref_slice %arg4[%select_n3A_1001, %add3A_1003, %dma_wait3A_1007] : memref<50x4096x128xf32, #tpu.memory_space<hbm>> -> memref<1x64x128xf32, #tpu.memory_space<hbm>>
        %dma_wait3A_1009 = tpu.memref_squeeze %dma_wait3A_1008 : memref<1x64x128xf32, #tpu.memory_space<hbm>> -> memref<64x128xf32, #tpu.memory_space<hbm>>
        tpu.wait_dma2 semaphore(%arg29 : memref<!tpu.dma_semaphore, #tpu.memory_space<semaphore_mem>>) src(%arg9 : memref<64x128xf32, #tpu.memory_space<vmem>>) dst(%dma_wait3A_1009 : memref<64x128xf32, #tpu.memory_space<hbm>>)
        %add3A_1010 = arith.constant 10 : i32
        %add3A_1011 = arith.addi %sub3A_721, %add3A_1010 : i32
        %jit3A_1012 = arith.constant 2 : i32
        %div3A_1013 = arith.divsi %add3A_1011, %jit3A_1012 : i32
        %sign3A_1014 = arith.constant 0 : i32
        %sign3A_1015 = arith.cmpi sgt, %add3A_1011, %sign3A_1014 : i32
        %sign3A_1016 = arith.extui %sign3A_1015 : i1 to i32
        %sign3A_1017 = arith.constant 0 : i32
        %sign3A_1018 = arith.cmpi slt, %add3A_1011, %sign3A_1017 : i32
        %sign3A_1019 = arith.extui %sign3A_1018 : i1 to i32
        %sign3A_1020 = arith.subi %sign3A_1016, %sign3A_1019 : i32
        %sign3A_1021 = arith.constant 0 : i32
        %sign3A_1022 = arith.cmpi sgt, %jit3A_1012, %sign3A_1021 : i32
        %sign3A_1023 = arith.extui %sign3A_1022 : i1 to i32
        %sign3A_1024 = arith.constant 0 : i32
        %sign3A_1025 = arith.cmpi slt, %jit3A_1012, %sign3A_1024 : i32
        %sign3A_1026 = arith.extui %sign3A_1025 : i1 to i32
        %sign3A_1027 = arith.subi %sign3A_1023, %sign3A_1026 : i32
        %ne3A_1028 = arith.cmpi ne, %sign3A_1020, %sign3A_1027 : i32
        %rem3A_1029 = arith.remsi %add3A_1011, %jit3A_1012 : i32
        %ne3A_1030 = arith.constant 0 : i32
        %ne3A_1031 = arith.cmpi ne, %rem3A_1029, %ne3A_1030 : i32
        %and3A_1032 = arith.andi %ne3A_1028, %ne3A_1031 : i1
        %sub3A_1033 = arith.constant 1 : i32
        %sub3A_1034 = arith.subi %div3A_1013, %sub3A_1033 : i32
        %select_n3A_1035 = arith.select %and3A_1032, %sub3A_1034, %div3A_1013 : i32
        %dma_start3A_1036 = arith.constant 64 : i32
        %dma_start3A_1037 = tpu.memref_slice %arg5[%select_n3A_1035, %dma_start3A_1036] : memref<50x128xi32, #tpu.memory_space<vmem>> -> memref<1x64xi32, #tpu.memory_space<vmem>>
        %dma_start3A_1038 = tpu.memref_squeeze %dma_start3A_1037 : memref<1x64xi32, #tpu.memory_space<vmem>> -> memref<64xi32, #tpu.memory_space<vmem>>
        %dma_start3A_1039 = arith.constant 0 : i32
        %dma_start3A_1040 = arith.constant 0 : i32
        %dma_start3A_1041 = tpu.memref_slice %arg3[%dma_start3A_1039, %dma_start3A_1040] : memref<100000x128xf32, #tpu.memory_space<hbm>> -> memref<100000x128xf32, #tpu.memory_space<hbm>>
        tpu.enqueue_indirect_dma source(%dma_start3A_1041 : memref<100000x128xf32, #tpu.memory_space<hbm>>) target(%arg9 : memref<64x128xf32, #tpu.memory_space<vmem>>) offsets(%dma_start3A_1038 : memref<64xi32, #tpu.memory_space<vmem>>) semaphore(%arg19 : memref<!tpu.dma_semaphore, #tpu.memory_space<semaphore_mem>>)
      } else {
      }
      %add3A_732 = arith.constant 7 : i32
      %add3A_733 = arith.addi %add3A_169, %add3A_732 : i32
      %jit3A_734 = arith.constant 2 : i32
      %div3A_735 = arith.divsi %add3A_733, %jit3A_734 : i32
      %sign3A_736 = arith.constant 0 : i32
      %sign3A_737 = arith.cmpi sgt, %add3A_733, %sign3A_736 : i32
      %sign3A_738 = arith.extui %sign3A_737 : i1 to i32
      %sign3A_739 = arith.constant 0 : i32
      %sign3A_740 = arith.cmpi slt, %add3A_733, %sign3A_739 : i32
      %sign3A_741 = arith.extui %sign3A_740 : i1 to i32
      %sign3A_742 = arith.subi %sign3A_738, %sign3A_741 : i32
      %sign3A_743 = arith.constant 0 : i32
      %sign3A_744 = arith.cmpi sgt, %jit3A_734, %sign3A_743 : i32
      %sign3A_745 = arith.extui %sign3A_744 : i1 to i32
      %sign3A_746 = arith.constant 0 : i32
      %sign3A_747 = arith.cmpi slt, %jit3A_734, %sign3A_746 : i32
      %sign3A_748 = arith.extui %sign3A_747 : i1 to i32
      %sign3A_749 = arith.subi %sign3A_745, %sign3A_748 : i32
      %ne3A_750 = arith.cmpi ne, %sign3A_742, %sign3A_749 : i32
      %rem3A_751 = arith.remsi %add3A_733, %jit3A_734 : i32
      %ne3A_752 = arith.constant 0 : i32
      %ne3A_753 = arith.cmpi ne, %rem3A_751, %ne3A_752 : i32
      %and3A_754 = arith.andi %ne3A_750, %ne3A_753 : i1
      %sub3A_755 = arith.constant 1 : i32
      %sub3A_756 = arith.subi %div3A_735, %sub3A_755 : i32
      %select_n3A_757 = arith.select %and3A_754, %sub3A_756, %div3A_735 : i32
      %dma_wait3A_758 = arith.constant 64 : i32
      %dma_wait3A_759 = tpu.memref_slice %arg5[%select_n3A_757, %dma_wait3A_758] : memref<50x128xi32, #tpu.memory_space<vmem>> -> memref<1x64xi32, #tpu.memory_space<vmem>>
      %dma_wait3A_760 = tpu.memref_squeeze %dma_wait3A_759 : memref<1x64xi32, #tpu.memory_space<vmem>> -> memref<64xi32, #tpu.memory_space<vmem>>
      %dma_wait3A_761 = arith.constant 0 : i32
      %dma_wait3A_762 = arith.constant 0 : i32
      %dma_wait3A_763 = tpu.memref_slice %arg3[%dma_wait3A_761, %dma_wait3A_762] : memref<100000x128xf32, #tpu.memory_space<hbm>> -> memref<100000x128xf32, #tpu.memory_space<hbm>>
      tpu.wait_indirect_dma semaphore(%arg23 : memref<!tpu.dma_semaphore, #tpu.memory_space<semaphore_mem>>) src(%dma_wait3A_763 : memref<100000x128xf32, #tpu.memory_space<hbm>>) dst(%arg13 : memref<64x128xf32, #tpu.memory_space<vmem>>)
      %scan3A_764 = arith.constant 0 : i32
      %scan3A_765 = arith.constant 0 : i32
      %scan3A_766 = arith.constant 64 : i32
      %scan3A_767 = arith.addi %scan3A_765, %scan3A_766 : i32
      %scan3A_768 = arith.constant 1 : i32
      scf.for %scan3A_978 = %scan3A_765 to %scan3A_767 step %scan3A_768  : i32 {
        %get3A = arith.index_cast %scan3A_978 : i32 to index
        %get3A_979 = arith.constant 0 : index
        %get3A_980 = tpu.vector_load %arg13[%get3A, %get3A_979] {strides = array<i32>} : memref<64x128xf32, #tpu.memory_space<vmem>>, vector<1x16xf32>,
        %get3A_981 = vector.shape_cast %get3A_980 : vector<1x16xf32> to vector<16xf32>
        %mul3A_982 = arith.constant 11.3137083 : f32
        %mul3A_983 = vector.broadcast %mul3A_982 : f32 to vector<16xf32>
        %mul3A_984 = arith.mulf %get3A_981, %mul3A_983 : vector<16xf32>
        %swap3A = arith.index_cast %scan3A_978 : i32 to index
        %swap3A_985 = arith.constant 0 : index
        %swap3A_986 = tpu.vector_load %arg13[%swap3A, %swap3A_985] {strides = array<i32>} : memref<64x128xf32, #tpu.memory_space<vmem>>, vector<1x16xf32>,
        %swap3A_987 = vector.shape_cast %swap3A_986 : vector<1x16xf32> to vector<16xf32>
        %swap3A_988 = vector.shape_cast %mul3A_984 : vector<16xf32> to vector<1x16xf32>
        tpu.vector_store %arg13[%swap3A, %swap3A_985], %swap3A_988 {strides = array<i32>} : memref<64x128xf32, #tpu.memory_space<vmem>>, vector<1x16xf32>,
        %get3A_989 = arith.index_cast %scan3A_978 : i32 to index
        %get3A_990 = arith.constant 16 : index
        %get3A_991 = tpu.vector_load %arg13[%get3A_989, %get3A_990] {strides = array<i32>} : memref<64x128xf32, #tpu.memory_space<vmem>>, vector<1x16xf32>,
        %get3A_992 = vector.shape_cast %get3A_991 : vector<1x16xf32> to vector<16xf32>
        %mul3A_993 = arith.constant 11.3137083 : f32
        %mul3A_994 = vector.broadcast %mul3A_993 : f32 to vector<16xf32>
        %mul3A_995 = arith.mulf %get3A_992, %mul3A_994 : vector<16xf32>
        %swap3A_996 = arith.index_cast %scan3A_978 : i32 to index
        %swap3A_997 = arith.constant 16 : index
        %swap3A_998 = tpu.vector_load %arg13[%swap3A_996, %swap3A_997] {strides = array<i32>} : memref<64x128xf32, #tpu.memory_space<vmem>>, vector<1x16xf32>,
        %swap3A_999 = vector.shape_cast %swap3A_998 : vector<1x16xf32> to vector<16xf32>
        %swap3A_1000 = vector.shape_cast %mul3A_995 : vector<16xf32> to vector<1x16xf32>
        tpu.vector_store %arg13[%swap3A_996, %swap3A_997], %swap3A_1000 {strides = array<i32>} : memref<64x128xf32, #tpu.memory_space<vmem>>, vector<1x16xf32>,
        %get3A_1001 = arith.index_cast %scan3A_978 : i32 to index
        %get3A_1002 = arith.constant 32 : index
        %get3A_1003 = tpu.vector_load %arg13[%get3A_1001, %get3A_1002] {strides = array<i32>} : memref<64x128xf32, #tpu.memory_space<vmem>>, vector<1x16xf32>,
        %get3A_1004 = vector.shape_cast %get3A_1003 : vector<1x16xf32> to vector<16xf32>
        %mul3A_1005 = arith.constant 11.3137083 : f32
        %mul3A_1006 = vector.broadcast %mul3A_1005 : f32 to vector<16xf32>
        %mul3A_1007 = arith.mulf %get3A_1004, %mul3A_1006 : vector<16xf32>
        %swap3A_1008 = arith.index_cast %scan3A_978 : i32 to index
        %swap3A_1009 = arith.constant 32 : index
        %swap3A_1010 = tpu.vector_load %arg13[%swap3A_1008, %swap3A_1009] {strides = array<i32>} : memref<64x128xf32, #tpu.memory_space<vmem>>, vector<1x16xf32>,
        %swap3A_1011 = vector.shape_cast %swap3A_1010 : vector<1x16xf32> to vector<16xf32>
        %swap3A_1012 = vector.shape_cast %mul3A_1007 : vector<16xf32> to vector<1x16xf32>
        tpu.vector_store %arg13[%swap3A_1008, %swap3A_1009], %swap3A_1012 {strides = array<i32>} : memref<64x128xf32, #tpu.memory_space<vmem>>, vector<1x16xf32>,
        %get3A_1013 = arith.index_cast %scan3A_978 : i32 to index
        %get3A_1014 = arith.constant 48 : index
        %get3A_1015 = tpu.vector_load %arg13[%get3A_1013, %get3A_1014] {strides = array<i32>} : memref<64x128xf32, #tpu.memory_space<vmem>>, vector<1x16xf32>,
        %get3A_1016 = vector.shape_cast %get3A_1015 : vector<1x16xf32> to vector<16xf32>
        %mul3A_1017 = arith.constant 11.3137083 : f32
        %mul3A_1018 = vector.broadcast %mul3A_1017 : f32 to vector<16xf32>
        %mul3A_1019 = arith.mulf %get3A_1016, %mul3A_1018 : vector<16xf32>
        %swap3A_1020 = arith.index_cast %scan3A_978 : i32 to index
        %swap3A_1021 = arith.constant 48 : index
        %swap3A_1022 = tpu.vector_load %arg13[%swap3A_1020, %swap3A_1021] {strides = array<i32>} : memref<64x128xf32, #tpu.memory_space<vmem>>, vector<1x16xf32>,
        %swap3A_1023 = vector.shape_cast %swap3A_1022 : vector<1x16xf32> to vector<16xf32>
        %swap3A_1024 = vector.shape_cast %mul3A_1019 : vector<16xf32> to vector<1x16xf32>
        tpu.vector_store %arg13[%swap3A_1020, %swap3A_1021], %swap3A_1024 {strides = array<i32>} : memref<64x128xf32, #tpu.memory_space<vmem>>, vector<1x16xf32>,
        %get3A_1025 = arith.index_cast %scan3A_978 : i32 to index
        %get3A_1026 = arith.constant 64 : index
        %get3A_1027 = tpu.vector_load %arg13[%get3A_1025, %get3A_1026] {strides = array<i32>} : memref<64x128xf32, #tpu.memory_space<vmem>>, vector<1x16xf32>,
        %get3A_1028 = vector.shape_cast %get3A_1027 : vector<1x16xf32> to vector<16xf32>
        %mul3A_1029 = arith.constant 11.3137083 : f32
        %mul3A_1030 = vector.broadcast %mul3A_1029 : f32 to vector<16xf32>
        %mul3A_1031 = arith.mulf %get3A_1028, %mul3A_1030 : vector<16xf32>
        %swap3A_1032 = arith.index_cast %scan3A_978 : i32 to index
        %swap3A_1033 = arith.constant 64 : index
        %swap3A_1034 = tpu.vector_load %arg13[%swap3A_1032, %swap3A_1033] {strides = array<i32>} : memref<64x128xf32, #tpu.memory_space<vmem>>, vector<1x16xf32>,
        %swap3A_1035 = vector.shape_cast %swap3A_1034 : vector<1x16xf32> to vector<16xf32>
        %swap3A_1036 = vector.shape_cast %mul3A_1031 : vector<16xf32> to vector<1x16xf32>
        tpu.vector_store %arg13[%swap3A_1032, %swap3A_1033], %swap3A_1036 {strides = array<i32>} : memref<64x128xf32, #tpu.memory_space<vmem>>, vector<1x16xf32>,
        %get3A_1037 = arith.index_cast %scan3A_978 : i32 to index
        %get3A_1038 = arith.constant 80 : index
        %get3A_1039 = tpu.vector_load %arg13[%get3A_1037, %get3A_1038] {strides = array<i32>} : memref<64x128xf32, #tpu.memory_space<vmem>>, vector<1x16xf32>,
        %get3A_1040 = vector.shape_cast %get3A_1039 : vector<1x16xf32> to vector<16xf32>
        %mul3A_1041 = arith.constant 11.3137083 : f32
        %mul3A_1042 = vector.broadcast %mul3A_1041 : f32 to vector<16xf32>
        %mul3A_1043 = arith.mulf %get3A_1040, %mul3A_1042 : vector<16xf32>
        %swap3A_1044 = arith.index_cast %scan3A_978 : i32 to index
        %swap3A_1045 = arith.constant 80 : index
        %swap3A_1046 = tpu.vector_load %arg13[%swap3A_1044, %swap3A_1045] {strides = array<i32>} : memref<64x128xf32, #tpu.memory_space<vmem>>, vector<1x16xf32>,
        %swap3A_1047 = vector.shape_cast %swap3A_1046 : vector<1x16xf32> to vector<16xf32>
        %swap3A_1048 = vector.shape_cast %mul3A_1043 : vector<16xf32> to vector<1x16xf32>
        tpu.vector_store %arg13[%swap3A_1044, %swap3A_1045], %swap3A_1048 {strides = array<i32>} : memref<64x128xf32, #tpu.memory_space<vmem>>, vector<1x16xf32>,
        %get3A_1049 = arith.index_cast %scan3A_978 : i32 to index
        %get3A_1050 = arith.constant 96 : index
        %get3A_1051 = tpu.vector_load %arg13[%get3A_1049, %get3A_1050] {strides = array<i32>} : memref<64x128xf32, #tpu.memory_space<vmem>>, vector<1x16xf32>,
        %get3A_1052 = vector.shape_cast %get3A_1051 : vector<1x16xf32> to vector<16xf32>
        %mul3A_1053 = arith.constant 11.3137083 : f32
        %mul3A_1054 = vector.broadcast %mul3A_1053 : f32 to vector<16xf32>
        %mul3A_1055 = arith.mulf %get3A_1052, %mul3A_1054 : vector<16xf32>
        %swap3A_1056 = arith.index_cast %scan3A_978 : i32 to index
        %swap3A_1057 = arith.constant 96 : index
        %swap3A_1058 = tpu.vector_load %arg13[%swap3A_1056, %swap3A_1057] {strides = array<i32>} : memref<64x128xf32, #tpu.memory_space<vmem>>, vector<1x16xf32>,
        %swap3A_1059 = vector.shape_cast %swap3A_1058 : vector<1x16xf32> to vector<16xf32>
        %swap3A_1060 = vector.shape_cast %mul3A_1055 : vector<16xf32> to vector<1x16xf32>
        tpu.vector_store %arg13[%swap3A_1056, %swap3A_1057], %swap3A_1060 {strides = array<i32>} : memref<64x128xf32, #tpu.memory_space<vmem>>, vector<1x16xf32>,
        %get3A_1061 = arith.index_cast %scan3A_978 : i32 to index
        %get3A_1062 = arith.constant 112 : index
        %get3A_1063 = tpu.vector_load %arg13[%get3A_1061, %get3A_1062] {strides = array<i32>} : memref<64x128xf32, #tpu.memory_space<vmem>>, vector<1x16xf32>,
        %get3A_1064 = vector.shape_cast %get3A_1063 : vector<1x16xf32> to vector<16xf32>
        %mul3A_1065 = arith.constant 11.3137083 : f32
        %mul3A_1066 = vector.broadcast %mul3A_1065 : f32 to vector<16xf32>
        %mul3A_1067 = arith.mulf %get3A_1064, %mul3A_1066 : vector<16xf32>
        %swap3A_1068 = arith.index_cast %scan3A_978 : i32 to index
        %swap3A_1069 = arith.constant 112 : index
        %swap3A_1070 = tpu.vector_load %arg13[%swap3A_1068, %swap3A_1069] {strides = array<i32>} : memref<64x128xf32, #tpu.memory_space<vmem>>, vector<1x16xf32>,
        %swap3A_1071 = vector.shape_cast %swap3A_1070 : vector<1x16xf32> to vector<16xf32>
        %swap3A_1072 = vector.shape_cast %mul3A_1067 : vector<16xf32> to vector<1x16xf32>
        tpu.vector_store %arg13[%swap3A_1068, %swap3A_1069], %swap3A_1072 {strides = array<i32>} : memref<64x128xf32, #tpu.memory_space<vmem>>, vector<1x16xf32>,
      }
      %scan3A_769 = arith.constant 64 : i32
      %jit3A_770 = arith.constant 2 : i32
      %div3A_771 = arith.divsi %add3A_733, %jit3A_770 : i32
      %sign3A_772 = arith.constant 0 : i32
      %sign3A_773 = arith.cmpi sgt, %add3A_733, %sign3A_772 : i32
      %sign3A_774 = arith.extui %sign3A_773 : i1 to i32
      %sign3A_775 = arith.constant 0 : i32
      %sign3A_776 = arith.cmpi slt, %add3A_733, %sign3A_775 : i32
      %sign3A_777 = arith.extui %sign3A_776 : i1 to i32
      %sign3A_778 = arith.subi %sign3A_774, %sign3A_777 : i32
      %sign3A_779 = arith.constant 0 : i32
      %sign3A_780 = arith.cmpi sgt, %jit3A_770, %sign3A_779 : i32
      %sign3A_781 = arith.extui %sign3A_780 : i1 to i32
      %sign3A_782 = arith.constant 0 : i32
      %sign3A_783 = arith.cmpi slt, %jit3A_770, %sign3A_782 : i32
      %sign3A_784 = arith.extui %sign3A_783 : i1 to i32
      %sign3A_785 = arith.subi %sign3A_781, %sign3A_784 : i32
      %ne3A_786 = arith.cmpi ne, %sign3A_778, %sign3A_785 : i32
      %rem3A_787 = arith.remsi %add3A_733, %jit3A_770 : i32
      %ne3A_788 = arith.constant 0 : i32
      %ne3A_789 = arith.cmpi ne, %rem3A_787, %ne3A_788 : i32
      %and3A_790 = arith.andi %ne3A_786, %ne3A_789 : i1
      %sub3A_791 = arith.constant 1 : i32
      %sub3A_792 = arith.subi %div3A_771, %sub3A_791 : i32
      %select_n3A_793 = arith.select %and3A_790, %sub3A_792, %div3A_771 : i32
      %add3A_794 = arith.constant 64 : i32
      %add3A_795 = arith.addi %mul3A_2, %add3A_794 : i32
      %dma_start3A_796 = arith.constant 0 : i32
      %dma_start3A_797 = tpu.memref_slice %arg4[%select_n3A_793, %add3A_795, %dma_start3A_796] : memref<50x4096x128xf32, #tpu.memory_space<hbm>> -> memref<1x64x128xf32, #tpu.memory_space<hbm>>
      %dma_start3A_798 = tpu.memref_squeeze %dma_start3A_797 : memref<1x64x128xf32, #tpu.memory_space<hbm>> -> memref<64x128xf32, #tpu.memory_space<hbm>>
      %dma_start3A_799 = arith.constant 0 : i32
      %dma_start3A_800 = tpu.memref_slice %arg4[%select_n3A_793, %add3A_795, %dma_start3A_799] : memref<50x4096x128xf32, #tpu.memory_space<hbm>> -> memref<1x64x128xf32, #tpu.memory_space<hbm>>
      %dma_start3A_801 = tpu.memref_squeeze %dma_start3A_800 : memref<1x64x128xf32, #tpu.memory_space<hbm>> -> memref<64x128xf32, #tpu.memory_space<hbm>>
      tpu.enqueue_dma source(%arg13 : memref<64x128xf32, #tpu.memory_space<vmem>>) target(%dma_start3A_801 : memref<64x128xf32, #tpu.memory_space<hbm>>) target_semaphore(%arg33 : memref<!tpu.dma_semaphore, #tpu.memory_space<semaphore_mem>>)
      %sub3A_802 = arith.constant 3 : i32
      %sub3A_803 = arith.subi %add3A_733, %sub3A_802 : i32
      %ge3A_804 = arith.constant 0 : i32
      %ge3A_805 = arith.cmpi sge, %sub3A_803, %ge3A_804 : i32
      %add3A_806 = arith.constant 10 : i32
      %add3A_807 = arith.addi %sub3A_803, %add3A_806 : i32
      %lt3A_808 = arith.constant 100 : i32
      %lt3A_809 = arith.cmpi slt, %add3A_807, %lt3A_808 : i32
      %and3A_810 = arith.andi %ge3A_805, %lt3A_809 : i1
      %convert_element_type3A_811 = arith.extui %and3A_810 : i1 to i32
      %cond3A_812 = arith.constant 0 : i32
      %cond3A_813 = arith.cmpi ne, %convert_element_type3A_811, %cond3A_812 : i32
      scf.if %cond3A_813 {
        %jit3A_978 = arith.constant 2 : i32
        %div3A_979 = arith.divsi %sub3A_803, %jit3A_978 : i32
        %sign3A_980 = arith.constant 0 : i32
        %sign3A_981 = arith.cmpi sgt, %sub3A_803, %sign3A_980 : i32
        %sign3A_982 = arith.extui %sign3A_981 : i1 to i32
        %sign3A_983 = arith.constant 0 : i32
        %sign3A_984 = arith.cmpi slt, %sub3A_803, %sign3A_983 : i32
        %sign3A_985 = arith.extui %sign3A_984 : i1 to i32
        %sign3A_986 = arith.subi %sign3A_982, %sign3A_985 : i32
        %sign3A_987 = arith.constant 0 : i32
        %sign3A_988 = arith.cmpi sgt, %jit3A_978, %sign3A_987 : i32
        %sign3A_989 = arith.extui %sign3A_988 : i1 to i32
        %sign3A_990 = arith.constant 0 : i32
        %sign3A_991 = arith.cmpi slt, %jit3A_978, %sign3A_990 : i32
        %sign3A_992 = arith.extui %sign3A_991 : i1 to i32
        %sign3A_993 = arith.subi %sign3A_989, %sign3A_992 : i32
        %ne3A_994 = arith.cmpi ne, %sign3A_986, %sign3A_993 : i32
        %rem3A_995 = arith.remsi %sub3A_803, %jit3A_978 : i32
        %ne3A_996 = arith.constant 0 : i32
        %ne3A_997 = arith.cmpi ne, %rem3A_995, %ne3A_996 : i32
        %and3A_998 = arith.andi %ne3A_994, %ne3A_997 : i1
        %sub3A_999 = arith.constant 1 : i32
        %sub3A_1000 = arith.subi %div3A_979, %sub3A_999 : i32
        %select_n3A_1001 = arith.select %and3A_998, %sub3A_1000, %div3A_979 : i32
        %add3A_1002 = arith.constant 0 : i32
        %add3A_1003 = arith.addi %mul3A_2, %add3A_1002 : i32
        %dma_wait3A_1004 = arith.constant 0 : i32
        %dma_wait3A_1005 = tpu.memref_slice %arg4[%select_n3A_1001, %add3A_1003, %dma_wait3A_1004] : memref<50x4096x128xf32, #tpu.memory_space<hbm>> -> memref<1x64x128xf32, #tpu.memory_space<hbm>>
        %dma_wait3A_1006 = tpu.memref_squeeze %dma_wait3A_1005 : memref<1x64x128xf32, #tpu.memory_space<hbm>> -> memref<64x128xf32, #tpu.memory_space<hbm>>
        %dma_wait3A_1007 = arith.constant 0 : i32
        %dma_wait3A_1008 = tpu.memref_slice %arg4[%select_n3A_1001, %add3A_1003, %dma_wait3A_1007] : memref<50x4096x128xf32, #tpu.memory_space<hbm>> -> memref<1x64x128xf32, #tpu.memory_space<hbm>>
        %dma_wait3A_1009 = tpu.memref_squeeze %dma_wait3A_1008 : memref<1x64x128xf32, #tpu.memory_space<hbm>> -> memref<64x128xf32, #tpu.memory_space<hbm>>
        tpu.wait_dma2 semaphore(%arg30 : memref<!tpu.dma_semaphore, #tpu.memory_space<semaphore_mem>>) src(%arg10 : memref<64x128xf32, #tpu.memory_space<vmem>>) dst(%dma_wait3A_1009 : memref<64x128xf32, #tpu.memory_space<hbm>>)
        %add3A_1010 = arith.constant 10 : i32
        %add3A_1011 = arith.addi %sub3A_803, %add3A_1010 : i32
        %jit3A_1012 = arith.constant 2 : i32
        %div3A_1013 = arith.divsi %add3A_1011, %jit3A_1012 : i32
        %sign3A_1014 = arith.constant 0 : i32
        %sign3A_1015 = arith.cmpi sgt, %add3A_1011, %sign3A_1014 : i32
        %sign3A_1016 = arith.extui %sign3A_1015 : i1 to i32
        %sign3A_1017 = arith.constant 0 : i32
        %sign3A_1018 = arith.cmpi slt, %add3A_1011, %sign3A_1017 : i32
        %sign3A_1019 = arith.extui %sign3A_1018 : i1 to i32
        %sign3A_1020 = arith.subi %sign3A_1016, %sign3A_1019 : i32
        %sign3A_1021 = arith.constant 0 : i32
        %sign3A_1022 = arith.cmpi sgt, %jit3A_1012, %sign3A_1021 : i32
        %sign3A_1023 = arith.extui %sign3A_1022 : i1 to i32
        %sign3A_1024 = arith.constant 0 : i32
        %sign3A_1025 = arith.cmpi slt, %jit3A_1012, %sign3A_1024 : i32
        %sign3A_1026 = arith.extui %sign3A_1025 : i1 to i32
        %sign3A_1027 = arith.subi %sign3A_1023, %sign3A_1026 : i32
        %ne3A_1028 = arith.cmpi ne, %sign3A_1020, %sign3A_1027 : i32
        %rem3A_1029 = arith.remsi %add3A_1011, %jit3A_1012 : i32
        %ne3A_1030 = arith.constant 0 : i32
        %ne3A_1031 = arith.cmpi ne, %rem3A_1029, %ne3A_1030 : i32
        %and3A_1032 = arith.andi %ne3A_1028, %ne3A_1031 : i1
        %sub3A_1033 = arith.constant 1 : i32
        %sub3A_1034 = arith.subi %div3A_1013, %sub3A_1033 : i32
        %select_n3A_1035 = arith.select %and3A_1032, %sub3A_1034, %div3A_1013 : i32
        %dma_start3A_1036 = arith.constant 0 : i32
        %dma_start3A_1037 = tpu.memref_slice %arg5[%select_n3A_1035, %dma_start3A_1036] : memref<50x128xi32, #tpu.memory_space<vmem>> -> memref<1x64xi32, #tpu.memory_space<vmem>>
        %dma_start3A_1038 = tpu.memref_squeeze %dma_start3A_1037 : memref<1x64xi32, #tpu.memory_space<vmem>> -> memref<64xi32, #tpu.memory_space<vmem>>
        %dma_start3A_1039 = arith.constant 0 : i32
        %dma_start3A_1040 = arith.constant 0 : i32
        %dma_start3A_1041 = tpu.memref_slice %arg3[%dma_start3A_1039, %dma_start3A_1040] : memref<100000x128xf32, #tpu.memory_space<hbm>> -> memref<100000x128xf32, #tpu.memory_space<hbm>>
        tpu.enqueue_indirect_dma source(%dma_start3A_1041 : memref<100000x128xf32, #tpu.memory_space<hbm>>) target(%arg10 : memref<64x128xf32, #tpu.memory_space<vmem>>) offsets(%dma_start3A_1038 : memref<64xi32, #tpu.memory_space<vmem>>) semaphore(%arg20 : memref<!tpu.dma_semaphore, #tpu.memory_space<semaphore_mem>>)
      } else {
      }
      %add3A_814 = arith.constant 8 : i32
      %add3A_815 = arith.addi %add3A_169, %add3A_814 : i32
      %jit3A_816 = arith.constant 2 : i32
      %div3A_817 = arith.divsi %add3A_815, %jit3A_816 : i32
      %sign3A_818 = arith.constant 0 : i32
      %sign3A_819 = arith.cmpi sgt, %add3A_815, %sign3A_818 : i32
      %sign3A_820 = arith.extui %sign3A_819 : i1 to i32
      %sign3A_821 = arith.constant 0 : i32
      %sign3A_822 = arith.cmpi slt, %add3A_815, %sign3A_821 : i32
      %sign3A_823 = arith.extui %sign3A_822 : i1 to i32
      %sign3A_824 = arith.subi %sign3A_820, %sign3A_823 : i32
      %sign3A_825 = arith.constant 0 : i32
      %sign3A_826 = arith.cmpi sgt, %jit3A_816, %sign3A_825 : i32
      %sign3A_827 = arith.extui %sign3A_826 : i1 to i32
      %sign3A_828 = arith.constant 0 : i32
      %sign3A_829 = arith.cmpi slt, %jit3A_816, %sign3A_828 : i32
      %sign3A_830 = arith.extui %sign3A_829 : i1 to i32
      %sign3A_831 = arith.subi %sign3A_827, %sign3A_830 : i32
      %ne3A_832 = arith.cmpi ne, %sign3A_824, %sign3A_831 : i32
      %rem3A_833 = arith.remsi %add3A_815, %jit3A_816 : i32
      %ne3A_834 = arith.constant 0 : i32
      %ne3A_835 = arith.cmpi ne, %rem3A_833, %ne3A_834 : i32
      %and3A_836 = arith.andi %ne3A_832, %ne3A_835 : i1
      %sub3A_837 = arith.constant 1 : i32
      %sub3A_838 = arith.subi %div3A_817, %sub3A_837 : i32
      %select_n3A_839 = arith.select %and3A_836, %sub3A_838, %div3A_817 : i32
      %dma_wait3A_840 = arith.constant 0 : i32
      %dma_wait3A_841 = tpu.memref_slice %arg5[%select_n3A_839, %dma_wait3A_840] : memref<50x128xi32, #tpu.memory_space<vmem>> -> memref<1x64xi32, #tpu.memory_space<vmem>>
      %dma_wait3A_842 = tpu.memref_squeeze %dma_wait3A_841 : memref<1x64xi32, #tpu.memory_space<vmem>> -> memref<64xi32, #tpu.memory_space<vmem>>
      %dma_wait3A_843 = arith.constant 0 : i32
      %dma_wait3A_844 = arith.constant 0 : i32
      %dma_wait3A_845 = tpu.memref_slice %arg3[%dma_wait3A_843, %dma_wait3A_844] : memref<100000x128xf32, #tpu.memory_space<hbm>> -> memref<100000x128xf32, #tpu.memory_space<hbm>>
      tpu.wait_indirect_dma semaphore(%arg24 : memref<!tpu.dma_semaphore, #tpu.memory_space<semaphore_mem>>) src(%dma_wait3A_845 : memref<100000x128xf32, #tpu.memory_space<hbm>>) dst(%arg14 : memref<64x128xf32, #tpu.memory_space<vmem>>)
      %scan3A_846 = arith.constant 0 : i32
      %scan3A_847 = arith.constant 0 : i32
      %scan3A_848 = arith.constant 64 : i32
      %scan3A_849 = arith.addi %scan3A_847, %scan3A_848 : i32
      %scan3A_850 = arith.constant 1 : i32
      scf.for %scan3A_978 = %scan3A_847 to %scan3A_849 step %scan3A_850  : i32 {
        %get3A = arith.index_cast %scan3A_978 : i32 to index
        %get3A_979 = arith.constant 0 : index
        %get3A_980 = tpu.vector_load %arg14[%get3A, %get3A_979] {strides = array<i32>} : memref<64x128xf32, #tpu.memory_space<vmem>>, vector<1x16xf32>,
        %get3A_981 = vector.shape_cast %get3A_980 : vector<1x16xf32> to vector<16xf32>
        %mul3A_982 = arith.constant 11.3137083 : f32
        %mul3A_983 = vector.broadcast %mul3A_982 : f32 to vector<16xf32>
        %mul3A_984 = arith.mulf %get3A_981, %mul3A_983 : vector<16xf32>
        %swap3A = arith.index_cast %scan3A_978 : i32 to index
        %swap3A_985 = arith.constant 0 : index
        %swap3A_986 = tpu.vector_load %arg14[%swap3A, %swap3A_985] {strides = array<i32>} : memref<64x128xf32, #tpu.memory_space<vmem>>, vector<1x16xf32>,
        %swap3A_987 = vector.shape_cast %swap3A_986 : vector<1x16xf32> to vector<16xf32>
        %swap3A_988 = vector.shape_cast %mul3A_984 : vector<16xf32> to vector<1x16xf32>
        tpu.vector_store %arg14[%swap3A, %swap3A_985], %swap3A_988 {strides = array<i32>} : memref<64x128xf32, #tpu.memory_space<vmem>>, vector<1x16xf32>,
        %get3A_989 = arith.index_cast %scan3A_978 : i32 to index
        %get3A_990 = arith.constant 16 : index
        %get3A_991 = tpu.vector_load %arg14[%get3A_989, %get3A_990] {strides = array<i32>} : memref<64x128xf32, #tpu.memory_space<vmem>>, vector<1x16xf32>,
        %get3A_992 = vector.shape_cast %get3A_991 : vector<1x16xf32> to vector<16xf32>
        %mul3A_993 = arith.constant 11.3137083 : f32
        %mul3A_994 = vector.broadcast %mul3A_993 : f32 to vector<16xf32>
        %mul3A_995 = arith.mulf %get3A_992, %mul3A_994 : vector<16xf32>
        %swap3A_996 = arith.index_cast %scan3A_978 : i32 to index
        %swap3A_997 = arith.constant 16 : index
        %swap3A_998 = tpu.vector_load %arg14[%swap3A_996, %swap3A_997] {strides = array<i32>} : memref<64x128xf32, #tpu.memory_space<vmem>>, vector<1x16xf32>,
        %swap3A_999 = vector.shape_cast %swap3A_998 : vector<1x16xf32> to vector<16xf32>
        %swap3A_1000 = vector.shape_cast %mul3A_995 : vector<16xf32> to vector<1x16xf32>
        tpu.vector_store %arg14[%swap3A_996, %swap3A_997], %swap3A_1000 {strides = array<i32>} : memref<64x128xf32, #tpu.memory_space<vmem>>, vector<1x16xf32>,
        %get3A_1001 = arith.index_cast %scan3A_978 : i32 to index
        %get3A_1002 = arith.constant 32 : index
        %get3A_1003 = tpu.vector_load %arg14[%get3A_1001, %get3A_1002] {strides = array<i32>} : memref<64x128xf32, #tpu.memory_space<vmem>>, vector<1x16xf32>,
        %get3A_1004 = vector.shape_cast %get3A_1003 : vector<1x16xf32> to vector<16xf32>
        %mul3A_1005 = arith.constant 11.3137083 : f32
        %mul3A_1006 = vector.broadcast %mul3A_1005 : f32 to vector<16xf32>
        %mul3A_1007 = arith.mulf %get3A_1004, %mul3A_1006 : vector<16xf32>
        %swap3A_1008 = arith.index_cast %scan3A_978 : i32 to index
        %swap3A_1009 = arith.constant 32 : index
        %swap3A_1010 = tpu.vector_load %arg14[%swap3A_1008, %swap3A_1009] {strides = array<i32>} : memref<64x128xf32, #tpu.memory_space<vmem>>, vector<1x16xf32>,
        %swap3A_1011 = vector.shape_cast %swap3A_1010 : vector<1x16xf32> to vector<16xf32>
        %swap3A_1012 = vector.shape_cast %mul3A_1007 : vector<16xf32> to vector<1x16xf32>
        tpu.vector_store %arg14[%swap3A_1008, %swap3A_1009], %swap3A_1012 {strides = array<i32>} : memref<64x128xf32, #tpu.memory_space<vmem>>, vector<1x16xf32>,
        %get3A_1013 = arith.index_cast %scan3A_978 : i32 to index
        %get3A_1014 = arith.constant 48 : index
        %get3A_1015 = tpu.vector_load %arg14[%get3A_1013, %get3A_1014] {strides = array<i32>} : memref<64x128xf32, #tpu.memory_space<vmem>>, vector<1x16xf32>,
        %get3A_1016 = vector.shape_cast %get3A_1015 : vector<1x16xf32> to vector<16xf32>
        %mul3A_1017 = arith.constant 11.3137083 : f32
        %mul3A_1018 = vector.broadcast %mul3A_1017 : f32 to vector<16xf32>
        %mul3A_1019 = arith.mulf %get3A_1016, %mul3A_1018 : vector<16xf32>
        %swap3A_1020 = arith.index_cast %scan3A_978 : i32 to index
        %swap3A_1021 = arith.constant 48 : index
        %swap3A_1022 = tpu.vector_load %arg14[%swap3A_1020, %swap3A_1021] {strides = array<i32>} : memref<64x128xf32, #tpu.memory_space<vmem>>, vector<1x16xf32>,
        %swap3A_1023 = vector.shape_cast %swap3A_1022 : vector<1x16xf32> to vector<16xf32>
        %swap3A_1024 = vector.shape_cast %mul3A_1019 : vector<16xf32> to vector<1x16xf32>
        tpu.vector_store %arg14[%swap3A_1020, %swap3A_1021], %swap3A_1024 {strides = array<i32>} : memref<64x128xf32, #tpu.memory_space<vmem>>, vector<1x16xf32>,
        %get3A_1025 = arith.index_cast %scan3A_978 : i32 to index
        %get3A_1026 = arith.constant 64 : index
        %get3A_1027 = tpu.vector_load %arg14[%get3A_1025, %get3A_1026] {strides = array<i32>} : memref<64x128xf32, #tpu.memory_space<vmem>>, vector<1x16xf32>,
        %get3A_1028 = vector.shape_cast %get3A_1027 : vector<1x16xf32> to vector<16xf32>
        %mul3A_1029 = arith.constant 11.3137083 : f32
        %mul3A_1030 = vector.broadcast %mul3A_1029 : f32 to vector<16xf32>
        %mul3A_1031 = arith.mulf %get3A_1028, %mul3A_1030 : vector<16xf32>
        %swap3A_1032 = arith.index_cast %scan3A_978 : i32 to index
        %swap3A_1033 = arith.constant 64 : index
        %swap3A_1034 = tpu.vector_load %arg14[%swap3A_1032, %swap3A_1033] {strides = array<i32>} : memref<64x128xf32, #tpu.memory_space<vmem>>, vector<1x16xf32>,
        %swap3A_1035 = vector.shape_cast %swap3A_1034 : vector<1x16xf32> to vector<16xf32>
        %swap3A_1036 = vector.shape_cast %mul3A_1031 : vector<16xf32> to vector<1x16xf32>
        tpu.vector_store %arg14[%swap3A_1032, %swap3A_1033], %swap3A_1036 {strides = array<i32>} : memref<64x128xf32, #tpu.memory_space<vmem>>, vector<1x16xf32>,
        %get3A_1037 = arith.index_cast %scan3A_978 : i32 to index
        %get3A_1038 = arith.constant 80 : index
        %get3A_1039 = tpu.vector_load %arg14[%get3A_1037, %get3A_1038] {strides = array<i32>} : memref<64x128xf32, #tpu.memory_space<vmem>>, vector<1x16xf32>,
        %get3A_1040 = vector.shape_cast %get3A_1039 : vector<1x16xf32> to vector<16xf32>
        %mul3A_1041 = arith.constant 11.3137083 : f32
        %mul3A_1042 = vector.broadcast %mul3A_1041 : f32 to vector<16xf32>
        %mul3A_1043 = arith.mulf %get3A_1040, %mul3A_1042 : vector<16xf32>
        %swap3A_1044 = arith.index_cast %scan3A_978 : i32 to index
        %swap3A_1045 = arith.constant 80 : index
        %swap3A_1046 = tpu.vector_load %arg14[%swap3A_1044, %swap3A_1045] {strides = array<i32>} : memref<64x128xf32, #tpu.memory_space<vmem>>, vector<1x16xf32>,
        %swap3A_1047 = vector.shape_cast %swap3A_1046 : vector<1x16xf32> to vector<16xf32>
        %swap3A_1048 = vector.shape_cast %mul3A_1043 : vector<16xf32> to vector<1x16xf32>
        tpu.vector_store %arg14[%swap3A_1044, %swap3A_1045], %swap3A_1048 {strides = array<i32>} : memref<64x128xf32, #tpu.memory_space<vmem>>, vector<1x16xf32>,
        %get3A_1049 = arith.index_cast %scan3A_978 : i32 to index
        %get3A_1050 = arith.constant 96 : index
        %get3A_1051 = tpu.vector_load %arg14[%get3A_1049, %get3A_1050] {strides = array<i32>} : memref<64x128xf32, #tpu.memory_space<vmem>>, vector<1x16xf32>,
        %get3A_1052 = vector.shape_cast %get3A_1051 : vector<1x16xf32> to vector<16xf32>
        %mul3A_1053 = arith.constant 11.3137083 : f32
        %mul3A_1054 = vector.broadcast %mul3A_1053 : f32 to vector<16xf32>
        %mul3A_1055 = arith.mulf %get3A_1052, %mul3A_1054 : vector<16xf32>
        %swap3A_1056 = arith.index_cast %scan3A_978 : i32 to index
        %swap3A_1057 = arith.constant 96 : index
        %swap3A_1058 = tpu.vector_load %arg14[%swap3A_1056, %swap3A_1057] {strides = array<i32>} : memref<64x128xf32, #tpu.memory_space<vmem>>, vector<1x16xf32>,
        %swap3A_1059 = vector.shape_cast %swap3A_1058 : vector<1x16xf32> to vector<16xf32>
        %swap3A_1060 = vector.shape_cast %mul3A_1055 : vector<16xf32> to vector<1x16xf32>
        tpu.vector_store %arg14[%swap3A_1056, %swap3A_1057], %swap3A_1060 {strides = array<i32>} : memref<64x128xf32, #tpu.memory_space<vmem>>, vector<1x16xf32>,
        %get3A_1061 = arith.index_cast %scan3A_978 : i32 to index
        %get3A_1062 = arith.constant 112 : index
        %get3A_1063 = tpu.vector_load %arg14[%get3A_1061, %get3A_1062] {strides = array<i32>} : memref<64x128xf32, #tpu.memory_space<vmem>>, vector<1x16xf32>,
        %get3A_1064 = vector.shape_cast %get3A_1063 : vector<1x16xf32> to vector<16xf32>
        %mul3A_1065 = arith.constant 11.3137083 : f32
        %mul3A_1066 = vector.broadcast %mul3A_1065 : f32 to vector<16xf32>
        %mul3A_1067 = arith.mulf %get3A_1064, %mul3A_1066 : vector<16xf32>
        %swap3A_1068 = arith.index_cast %scan3A_978 : i32 to index
        %swap3A_1069 = arith.constant 112 : index
        %swap3A_1070 = tpu.vector_load %arg14[%swap3A_1068, %swap3A_1069] {strides = array<i32>} : memref<64x128xf32, #tpu.memory_space<vmem>>, vector<1x16xf32>,
        %swap3A_1071 = vector.shape_cast %swap3A_1070 : vector<1x16xf32> to vector<16xf32>
        %swap3A_1072 = vector.shape_cast %mul3A_1067 : vector<16xf32> to vector<1x16xf32>
        tpu.vector_store %arg14[%swap3A_1068, %swap3A_1069], %swap3A_1072 {strides = array<i32>} : memref<64x128xf32, #tpu.memory_space<vmem>>, vector<1x16xf32>,
      }
      %scan3A_851 = arith.constant 64 : i32
      %jit3A_852 = arith.constant 2 : i32
      %div3A_853 = arith.divsi %add3A_815, %jit3A_852 : i32
      %sign3A_854 = arith.constant 0 : i32
      %sign3A_855 = arith.cmpi sgt, %add3A_815, %sign3A_854 : i32
      %sign3A_856 = arith.extui %sign3A_855 : i1 to i32
      %sign3A_857 = arith.constant 0 : i32
      %sign3A_858 = arith.cmpi slt, %add3A_815, %sign3A_857 : i32
      %sign3A_859 = arith.extui %sign3A_858 : i1 to i32
      %sign3A_860 = arith.subi %sign3A_856, %sign3A_859 : i32
      %sign3A_861 = arith.constant 0 : i32
      %sign3A_862 = arith.cmpi sgt, %jit3A_852, %sign3A_861 : i32
      %sign3A_863 = arith.extui %sign3A_862 : i1 to i32
      %sign3A_864 = arith.constant 0 : i32
      %sign3A_865 = arith.cmpi slt, %jit3A_852, %sign3A_864 : i32
      %sign3A_866 = arith.extui %sign3A_865 : i1 to i32
      %sign3A_867 = arith.subi %sign3A_863, %sign3A_866 : i32
      %ne3A_868 = arith.cmpi ne, %sign3A_860, %sign3A_867 : i32
      %rem3A_869 = arith.remsi %add3A_815, %jit3A_852 : i32
      %ne3A_870 = arith.constant 0 : i32
      %ne3A_871 = arith.cmpi ne, %rem3A_869, %ne3A_870 : i32
      %and3A_872 = arith.andi %ne3A_868, %ne3A_871 : i1
      %sub3A_873 = arith.constant 1 : i32
      %sub3A_874 = arith.subi %div3A_853, %sub3A_873 : i32
      %select_n3A_875 = arith.select %and3A_872, %sub3A_874, %div3A_853 : i32
      %add3A_876 = arith.constant 0 : i32
      %add3A_877 = arith.addi %mul3A_2, %add3A_876 : i32
      %dma_start3A_878 = arith.constant 0 : i32
      %dma_start3A_879 = tpu.memref_slice %arg4[%select_n3A_875, %add3A_877, %dma_start3A_878] : memref<50x4096x128xf32, #tpu.memory_space<hbm>> -> memref<1x64x128xf32, #tpu.memory_space<hbm>>
      %dma_start3A_880 = tpu.memref_squeeze %dma_start3A_879 : memref<1x64x128xf32, #tpu.memory_space<hbm>> -> memref<64x128xf32, #tpu.memory_space<hbm>>
      %dma_start3A_881 = arith.constant 0 : i32
      %dma_start3A_882 = tpu.memref_slice %arg4[%select_n3A_875, %add3A_877, %dma_start3A_881] : memref<50x4096x128xf32, #tpu.memory_space<hbm>> -> memref<1x64x128xf32, #tpu.memory_space<hbm>>
      %dma_start3A_883 = tpu.memref_squeeze %dma_start3A_882 : memref<1x64x128xf32, #tpu.memory_space<hbm>> -> memref<64x128xf32, #tpu.memory_space<hbm>>
      tpu.enqueue_dma source(%arg14 : memref<64x128xf32, #tpu.memory_space<vmem>>) target(%dma_start3A_883 : memref<64x128xf32, #tpu.memory_space<hbm>>) target_semaphore(%arg34 : memref<!tpu.dma_semaphore, #tpu.memory_space<semaphore_mem>>)
      %sub3A_884 = arith.constant 3 : i32
      %sub3A_885 = arith.subi %add3A_815, %sub3A_884 : i32
      %ge3A_886 = arith.constant 0 : i32
      %ge3A_887 = arith.cmpi sge, %sub3A_885, %ge3A_886 : i32
      %add3A_888 = arith.constant 10 : i32
      %add3A_889 = arith.addi %sub3A_885, %add3A_888 : i32
      %lt3A_890 = arith.constant 100 : i32
      %lt3A_891 = arith.cmpi slt, %add3A_889, %lt3A_890 : i32
      %and3A_892 = arith.andi %ge3A_887, %lt3A_891 : i1
      %convert_element_type3A_893 = arith.extui %and3A_892 : i1 to i32
      %cond3A_894 = arith.constant 0 : i32
      %cond3A_895 = arith.cmpi ne, %convert_element_type3A_893, %cond3A_894 : i32
      scf.if %cond3A_895 {
        %jit3A_978 = arith.constant 2 : i32
        %div3A_979 = arith.divsi %sub3A_885, %jit3A_978 : i32
        %sign3A_980 = arith.constant 0 : i32
        %sign3A_981 = arith.cmpi sgt, %sub3A_885, %sign3A_980 : i32
        %sign3A_982 = arith.extui %sign3A_981 : i1 to i32
        %sign3A_983 = arith.constant 0 : i32
        %sign3A_984 = arith.cmpi slt, %sub3A_885, %sign3A_983 : i32
        %sign3A_985 = arith.extui %sign3A_984 : i1 to i32
        %sign3A_986 = arith.subi %sign3A_982, %sign3A_985 : i32
        %sign3A_987 = arith.constant 0 : i32
        %sign3A_988 = arith.cmpi sgt, %jit3A_978, %sign3A_987 : i32
        %sign3A_989 = arith.extui %sign3A_988 : i1 to i32
        %sign3A_990 = arith.constant 0 : i32
        %sign3A_991 = arith.cmpi slt, %jit3A_978, %sign3A_990 : i32
        %sign3A_992 = arith.extui %sign3A_991 : i1 to i32
        %sign3A_993 = arith.subi %sign3A_989, %sign3A_992 : i32
        %ne3A_994 = arith.cmpi ne, %sign3A_986, %sign3A_993 : i32
        %rem3A_995 = arith.remsi %sub3A_885, %jit3A_978 : i32
        %ne3A_996 = arith.constant 0 : i32
        %ne3A_997 = arith.cmpi ne, %rem3A_995, %ne3A_996 : i32
        %and3A_998 = arith.andi %ne3A_994, %ne3A_997 : i1
        %sub3A_999 = arith.constant 1 : i32
        %sub3A_1000 = arith.subi %div3A_979, %sub3A_999 : i32
        %select_n3A_1001 = arith.select %and3A_998, %sub3A_1000, %div3A_979 : i32
        %add3A_1002 = arith.constant 64 : i32
        %add3A_1003 = arith.addi %mul3A_2, %add3A_1002 : i32
        %dma_wait3A_1004 = arith.constant 0 : i32
        %dma_wait3A_1005 = tpu.memref_slice %arg4[%select_n3A_1001, %add3A_1003, %dma_wait3A_1004] : memref<50x4096x128xf32, #tpu.memory_space<hbm>> -> memref<1x64x128xf32, #tpu.memory_space<hbm>>
        %dma_wait3A_1006 = tpu.memref_squeeze %dma_wait3A_1005 : memref<1x64x128xf32, #tpu.memory_space<hbm>> -> memref<64x128xf32, #tpu.memory_space<hbm>>
        %dma_wait3A_1007 = arith.constant 0 : i32
        %dma_wait3A_1008 = tpu.memref_slice %arg4[%select_n3A_1001, %add3A_1003, %dma_wait3A_1007] : memref<50x4096x128xf32, #tpu.memory_space<hbm>> -> memref<1x64x128xf32, #tpu.memory_space<hbm>>
        %dma_wait3A_1009 = tpu.memref_squeeze %dma_wait3A_1008 : memref<1x64x128xf32, #tpu.memory_space<hbm>> -> memref<64x128xf32, #tpu.memory_space<hbm>>
        tpu.wait_dma2 semaphore(%arg31 : memref<!tpu.dma_semaphore, #tpu.memory_space<semaphore_mem>>) src(%arg11 : memref<64x128xf32, #tpu.memory_space<vmem>>) dst(%dma_wait3A_1009 : memref<64x128xf32, #tpu.memory_space<hbm>>)
        %add3A_1010 = arith.constant 10 : i32
        %add3A_1011 = arith.addi %sub3A_885, %add3A_1010 : i32
        %jit3A_1012 = arith.constant 2 : i32
        %div3A_1013 = arith.divsi %add3A_1011, %jit3A_1012 : i32
        %sign3A_1014 = arith.constant 0 : i32
        %sign3A_1015 = arith.cmpi sgt, %add3A_1011, %sign3A_1014 : i32
        %sign3A_1016 = arith.extui %sign3A_1015 : i1 to i32
        %sign3A_1017 = arith.constant 0 : i32
        %sign3A_1018 = arith.cmpi slt, %add3A_1011, %sign3A_1017 : i32
        %sign3A_1019 = arith.extui %sign3A_1018 : i1 to i32
        %sign3A_1020 = arith.subi %sign3A_1016, %sign3A_1019 : i32
        %sign3A_1021 = arith.constant 0 : i32
        %sign3A_1022 = arith.cmpi sgt, %jit3A_1012, %sign3A_1021 : i32
        %sign3A_1023 = arith.extui %sign3A_1022 : i1 to i32
        %sign3A_1024 = arith.constant 0 : i32
        %sign3A_1025 = arith.cmpi slt, %jit3A_1012, %sign3A_1024 : i32
        %sign3A_1026 = arith.extui %sign3A_1025 : i1 to i32
        %sign3A_1027 = arith.subi %sign3A_1023, %sign3A_1026 : i32
        %ne3A_1028 = arith.cmpi ne, %sign3A_1020, %sign3A_1027 : i32
        %rem3A_1029 = arith.remsi %add3A_1011, %jit3A_1012 : i32
        %ne3A_1030 = arith.constant 0 : i32
        %ne3A_1031 = arith.cmpi ne, %rem3A_1029, %ne3A_1030 : i32
        %and3A_1032 = arith.andi %ne3A_1028, %ne3A_1031 : i1
        %sub3A_1033 = arith.constant 1 : i32
        %sub3A_1034 = arith.subi %div3A_1013, %sub3A_1033 : i32
        %select_n3A_1035 = arith.select %and3A_1032, %sub3A_1034, %div3A_1013 : i32
        %dma_start3A_1036 = arith.constant 64 : i32
        %dma_start3A_1037 = tpu.memref_slice %arg5[%select_n3A_1035, %dma_start3A_1036] : memref<50x128xi32, #tpu.memory_space<vmem>> -> memref<1x64xi32, #tpu.memory_space<vmem>>
        %dma_start3A_1038 = tpu.memref_squeeze %dma_start3A_1037 : memref<1x64xi32, #tpu.memory_space<vmem>> -> memref<64xi32, #tpu.memory_space<vmem>>
        %dma_start3A_1039 = arith.constant 0 : i32
        %dma_start3A_1040 = arith.constant 0 : i32
        %dma_start3A_1041 = tpu.memref_slice %arg3[%dma_start3A_1039, %dma_start3A_1040] : memref<100000x128xf32, #tpu.memory_space<hbm>> -> memref<100000x128xf32, #tpu.memory_space<hbm>>
        tpu.enqueue_indirect_dma source(%dma_start3A_1041 : memref<100000x128xf32, #tpu.memory_space<hbm>>) target(%arg11 : memref<64x128xf32, #tpu.memory_space<vmem>>) offsets(%dma_start3A_1038 : memref<64xi32, #tpu.memory_space<vmem>>) semaphore(%arg21 : memref<!tpu.dma_semaphore, #tpu.memory_space<semaphore_mem>>)
      } else {
      }
      %add3A_896 = arith.constant 9 : i32
      %add3A_897 = arith.addi %add3A_169, %add3A_896 : i32
      %jit3A_898 = arith.constant 2 : i32
      %div3A_899 = arith.divsi %add3A_897, %jit3A_898 : i32
      %sign3A_900 = arith.constant 0 : i32
      %sign3A_901 = arith.cmpi sgt, %add3A_897, %sign3A_900 : i32
      %sign3A_902 = arith.extui %sign3A_901 : i1 to i32
      %sign3A_903 = arith.constant 0 : i32
      %sign3A_904 = arith.cmpi slt, %add3A_897, %sign3A_903 : i32
      %sign3A_905 = arith.extui %sign3A_904 : i1 to i32
      %sign3A_906 = arith.subi %sign3A_902, %sign3A_905 : i32
      %sign3A_907 = arith.constant 0 : i32
      %sign3A_908 = arith.cmpi sgt, %jit3A_898, %sign3A_907 : i32
      %sign3A_909 = arith.extui %sign3A_908 : i1 to i32
      %sign3A_910 = arith.constant 0 : i32
      %sign3A_911 = arith.cmpi slt, %jit3A_898, %sign3A_910 : i32
      %sign3A_912 = arith.extui %sign3A_911 : i1 to i32
      %sign3A_913 = arith.subi %sign3A_909, %sign3A_912 : i32
      %ne3A_914 = arith.cmpi ne, %sign3A_906, %sign3A_913 : i32
      %rem3A_915 = arith.remsi %add3A_897, %jit3A_898 : i32
      %ne3A_916 = arith.constant 0 : i32
      %ne3A_917 = arith.cmpi ne, %rem3A_915, %ne3A_916 : i32
      %and3A_918 = arith.andi %ne3A_914, %ne3A_917 : i1
      %sub3A_919 = arith.constant 1 : i32
      %sub3A_920 = arith.subi %div3A_899, %sub3A_919 : i32
      %select_n3A_921 = arith.select %and3A_918, %sub3A_920, %div3A_899 : i32
      %dma_wait3A_922 = arith.constant 64 : i32
      %dma_wait3A_923 = tpu.memref_slice %arg5[%select_n3A_921, %dma_wait3A_922] : memref<50x128xi32, #tpu.memory_space<vmem>> -> memref<1x64xi32, #tpu.memory_space<vmem>>
      %dma_wait3A_924 = tpu.memref_squeeze %dma_wait3A_923 : memref<1x64xi32, #tpu.memory_space<vmem>> -> memref<64xi32, #tpu.memory_space<vmem>>
      %dma_wait3A_925 = arith.constant 0 : i32
      %dma_wait3A_926 = arith.constant 0 : i32
      %dma_wait3A_927 = tpu.memref_slice %arg3[%dma_wait3A_925, %dma_wait3A_926] : memref<100000x128xf32, #tpu.memory_space<hbm>> -> memref<100000x128xf32, #tpu.memory_space<hbm>>
      tpu.wait_indirect_dma semaphore(%arg25 : memref<!tpu.dma_semaphore, #tpu.memory_space<semaphore_mem>>) src(%dma_wait3A_927 : memref<100000x128xf32, #tpu.memory_space<hbm>>) dst(%arg15 : memref<64x128xf32, #tpu.memory_space<vmem>>)
      %scan3A_928 = arith.constant 0 : i32
      %scan3A_929 = arith.constant 0 : i32
      %scan3A_930 = arith.constant 64 : i32
      %scan3A_931 = arith.addi %scan3A_929, %scan3A_930 : i32
      %scan3A_932 = arith.constant 1 : i32
      scf.for %scan3A_978 = %scan3A_929 to %scan3A_931 step %scan3A_932  : i32 {
        %get3A = arith.index_cast %scan3A_978 : i32 to index
        %get3A_979 = arith.constant 0 : index
        %get3A_980 = tpu.vector_load %arg15[%get3A, %get3A_979] {strides = array<i32>} : memref<64x128xf32, #tpu.memory_space<vmem>>, vector<1x16xf32>,
        %get3A_981 = vector.shape_cast %get3A_980 : vector<1x16xf32> to vector<16xf32>
        %mul3A_982 = arith.constant 11.3137083 : f32
        %mul3A_983 = vector.broadcast %mul3A_982 : f32 to vector<16xf32>
        %mul3A_984 = arith.mulf %get3A_981, %mul3A_983 : vector<16xf32>
        %swap3A = arith.index_cast %scan3A_978 : i32 to index
        %swap3A_985 = arith.constant 0 : index
        %swap3A_986 = tpu.vector_load %arg15[%swap3A, %swap3A_985] {strides = array<i32>} : memref<64x128xf32, #tpu.memory_space<vmem>>, vector<1x16xf32>,
        %swap3A_987 = vector.shape_cast %swap3A_986 : vector<1x16xf32> to vector<16xf32>
        %swap3A_988 = vector.shape_cast %mul3A_984 : vector<16xf32> to vector<1x16xf32>
        tpu.vector_store %arg15[%swap3A, %swap3A_985], %swap3A_988 {strides = array<i32>} : memref<64x128xf32, #tpu.memory_space<vmem>>, vector<1x16xf32>,
        %get3A_989 = arith.index_cast %scan3A_978 : i32 to index
        %get3A_990 = arith.constant 16 : index
        %get3A_991 = tpu.vector_load %arg15[%get3A_989, %get3A_990] {strides = array<i32>} : memref<64x128xf32, #tpu.memory_space<vmem>>, vector<1x16xf32>,
        %get3A_992 = vector.shape_cast %get3A_991 : vector<1x16xf32> to vector<16xf32>
        %mul3A_993 = arith.constant 11.3137083 : f32
        %mul3A_994 = vector.broadcast %mul3A_993 : f32 to vector<16xf32>
        %mul3A_995 = arith.mulf %get3A_992, %mul3A_994 : vector<16xf32>
        %swap3A_996 = arith.index_cast %scan3A_978 : i32 to index
        %swap3A_997 = arith.constant 16 : index
        %swap3A_998 = tpu.vector_load %arg15[%swap3A_996, %swap3A_997] {strides = array<i32>} : memref<64x128xf32, #tpu.memory_space<vmem>>, vector<1x16xf32>,
        %swap3A_999 = vector.shape_cast %swap3A_998 : vector<1x16xf32> to vector<16xf32>
        %swap3A_1000 = vector.shape_cast %mul3A_995 : vector<16xf32> to vector<1x16xf32>
        tpu.vector_store %arg15[%swap3A_996, %swap3A_997], %swap3A_1000 {strides = array<i32>} : memref<64x128xf32, #tpu.memory_space<vmem>>, vector<1x16xf32>,
        %get3A_1001 = arith.index_cast %scan3A_978 : i32 to index
        %get3A_1002 = arith.constant 32 : index
        %get3A_1003 = tpu.vector_load %arg15[%get3A_1001, %get3A_1002] {strides = array<i32>} : memref<64x128xf32, #tpu.memory_space<vmem>>, vector<1x16xf32>,
        %get3A_1004 = vector.shape_cast %get3A_1003 : vector<1x16xf32> to vector<16xf32>
        %mul3A_1005 = arith.constant 11.3137083 : f32
        %mul3A_1006 = vector.broadcast %mul3A_1005 : f32 to vector<16xf32>
        %mul3A_1007 = arith.mulf %get3A_1004, %mul3A_1006 : vector<16xf32>
        %swap3A_1008 = arith.index_cast %scan3A_978 : i32 to index
        %swap3A_1009 = arith.constant 32 : index
        %swap3A_1010 = tpu.vector_load %arg15[%swap3A_1008, %swap3A_1009] {strides = array<i32>} : memref<64x128xf32, #tpu.memory_space<vmem>>, vector<1x16xf32>,
        %swap3A_1011 = vector.shape_cast %swap3A_1010 : vector<1x16xf32> to vector<16xf32>
        %swap3A_1012 = vector.shape_cast %mul3A_1007 : vector<16xf32> to vector<1x16xf32>
        tpu.vector_store %arg15[%swap3A_1008, %swap3A_1009], %swap3A_1012 {strides = array<i32>} : memref<64x128xf32, #tpu.memory_space<vmem>>, vector<1x16xf32>,
        %get3A_1013 = arith.index_cast %scan3A_978 : i32 to index
        %get3A_1014 = arith.constant 48 : index
        %get3A_1015 = tpu.vector_load %arg15[%get3A_1013, %get3A_1014] {strides = array<i32>} : memref<64x128xf32, #tpu.memory_space<vmem>>, vector<1x16xf32>,
        %get3A_1016 = vector.shape_cast %get3A_1015 : vector<1x16xf32> to vector<16xf32>
        %mul3A_1017 = arith.constant 11.3137083 : f32
        %mul3A_1018 = vector.broadcast %mul3A_1017 : f32 to vector<16xf32>
        %mul3A_1019 = arith.mulf %get3A_1016, %mul3A_1018 : vector<16xf32>
        %swap3A_1020 = arith.index_cast %scan3A_978 : i32 to index
        %swap3A_1021 = arith.constant 48 : index
        %swap3A_1022 = tpu.vector_load %arg15[%swap3A_1020, %swap3A_1021] {strides = array<i32>} : memref<64x128xf32, #tpu.memory_space<vmem>>, vector<1x16xf32>,
        %swap3A_1023 = vector.shape_cast %swap3A_1022 : vector<1x16xf32> to vector<16xf32>
        %swap3A_1024 = vector.shape_cast %mul3A_1019 : vector<16xf32> to vector<1x16xf32>
        tpu.vector_store %arg15[%swap3A_1020, %swap3A_1021], %swap3A_1024 {strides = array<i32>} : memref<64x128xf32, #tpu.memory_space<vmem>>, vector<1x16xf32>,
        %get3A_1025 = arith.index_cast %scan3A_978 : i32 to index
        %get3A_1026 = arith.constant 64 : index
        %get3A_1027 = tpu.vector_load %arg15[%get3A_1025, %get3A_1026] {strides = array<i32>} : memref<64x128xf32, #tpu.memory_space<vmem>>, vector<1x16xf32>,
        %get3A_1028 = vector.shape_cast %get3A_1027 : vector<1x16xf32> to vector<16xf32>
        %mul3A_1029 = arith.constant 11.3137083 : f32
        %mul3A_1030 = vector.broadcast %mul3A_1029 : f32 to vector<16xf32>
        %mul3A_1031 = arith.mulf %get3A_1028, %mul3A_1030 : vector<16xf32>
        %swap3A_1032 = arith.index_cast %scan3A_978 : i32 to index
        %swap3A_1033 = arith.constant 64 : index
        %swap3A_1034 = tpu.vector_load %arg15[%swap3A_1032, %swap3A_1033] {strides = array<i32>} : memref<64x128xf32, #tpu.memory_space<vmem>>, vector<1x16xf32>,
        %swap3A_1035 = vector.shape_cast %swap3A_1034 : vector<1x16xf32> to vector<16xf32>
        %swap3A_1036 = vector.shape_cast %mul3A_1031 : vector<16xf32> to vector<1x16xf32>
        tpu.vector_store %arg15[%swap3A_1032, %swap3A_1033], %swap3A_1036 {strides = array<i32>} : memref<64x128xf32, #tpu.memory_space<vmem>>, vector<1x16xf32>,
        %get3A_1037 = arith.index_cast %scan3A_978 : i32 to index
        %get3A_1038 = arith.constant 80 : index
        %get3A_1039 = tpu.vector_load %arg15[%get3A_1037, %get3A_1038] {strides = array<i32>} : memref<64x128xf32, #tpu.memory_space<vmem>>, vector<1x16xf32>,
        %get3A_1040 = vector.shape_cast %get3A_1039 : vector<1x16xf32> to vector<16xf32>
        %mul3A_1041 = arith.constant 11.3137083 : f32
        %mul3A_1042 = vector.broadcast %mul3A_1041 : f32 to vector<16xf32>
        %mul3A_1043 = arith.mulf %get3A_1040, %mul3A_1042 : vector<16xf32>
        %swap3A_1044 = arith.index_cast %scan3A_978 : i32 to index
        %swap3A_1045 = arith.constant 80 : index
        %swap3A_1046 = tpu.vector_load %arg15[%swap3A_1044, %swap3A_1045] {strides = array<i32>} : memref<64x128xf32, #tpu.memory_space<vmem>>, vector<1x16xf32>,
        %swap3A_1047 = vector.shape_cast %swap3A_1046 : vector<1x16xf32> to vector<16xf32>
        %swap3A_1048 = vector.shape_cast %mul3A_1043 : vector<16xf32> to vector<1x16xf32>
        tpu.vector_store %arg15[%swap3A_1044, %swap3A_1045], %swap3A_1048 {strides = array<i32>} : memref<64x128xf32, #tpu.memory_space<vmem>>, vector<1x16xf32>,
        %get3A_1049 = arith.index_cast %scan3A_978 : i32 to index
        %get3A_1050 = arith.constant 96 : index
        %get3A_1051 = tpu.vector_load %arg15[%get3A_1049, %get3A_1050] {strides = array<i32>} : memref<64x128xf32, #tpu.memory_space<vmem>>, vector<1x16xf32>,
        %get3A_1052 = vector.shape_cast %get3A_1051 : vector<1x16xf32> to vector<16xf32>
        %mul3A_1053 = arith.constant 11.3137083 : f32
        %mul3A_1054 = vector.broadcast %mul3A_1053 : f32 to vector<16xf32>
        %mul3A_1055 = arith.mulf %get3A_1052, %mul3A_1054 : vector<16xf32>
        %swap3A_1056 = arith.index_cast %scan3A_978 : i32 to index
        %swap3A_1057 = arith.constant 96 : index
        %swap3A_1058 = tpu.vector_load %arg15[%swap3A_1056, %swap3A_1057] {strides = array<i32>} : memref<64x128xf32, #tpu.memory_space<vmem>>, vector<1x16xf32>,
        %swap3A_1059 = vector.shape_cast %swap3A_1058 : vector<1x16xf32> to vector<16xf32>
        %swap3A_1060 = vector.shape_cast %mul3A_1055 : vector<16xf32> to vector<1x16xf32>
        tpu.vector_store %arg15[%swap3A_1056, %swap3A_1057], %swap3A_1060 {strides = array<i32>} : memref<64x128xf32, #tpu.memory_space<vmem>>, vector<1x16xf32>,
        %get3A_1061 = arith.index_cast %scan3A_978 : i32 to index
        %get3A_1062 = arith.constant 112 : index
        %get3A_1063 = tpu.vector_load %arg15[%get3A_1061, %get3A_1062] {strides = array<i32>} : memref<64x128xf32, #tpu.memory_space<vmem>>, vector<1x16xf32>,
        %get3A_1064 = vector.shape_cast %get3A_1063 : vector<1x16xf32> to vector<16xf32>
        %mul3A_1065 = arith.constant 11.3137083 : f32
        %mul3A_1066 = vector.broadcast %mul3A_1065 : f32 to vector<16xf32>
        %mul3A_1067 = arith.mulf %get3A_1064, %mul3A_1066 : vector<16xf32>
        %swap3A_1068 = arith.index_cast %scan3A_978 : i32 to index
        %swap3A_1069 = arith.constant 112 : index
        %swap3A_1070 = tpu.vector_load %arg15[%swap3A_1068, %swap3A_1069] {strides = array<i32>} : memref<64x128xf32, #tpu.memory_space<vmem>>, vector<1x16xf32>,
        %swap3A_1071 = vector.shape_cast %swap3A_1070 : vector<1x16xf32> to vector<16xf32>
        %swap3A_1072 = vector.shape_cast %mul3A_1067 : vector<16xf32> to vector<1x16xf32>
        tpu.vector_store %arg15[%swap3A_1068, %swap3A_1069], %swap3A_1072 {strides = array<i32>} : memref<64x128xf32, #tpu.memory_space<vmem>>, vector<1x16xf32>,
      }
      %scan3A_933 = arith.constant 64 : i32
      %jit3A_934 = arith.constant 2 : i32
      %div3A_935 = arith.divsi %add3A_897, %jit3A_934 : i32
      %sign3A_936 = arith.constant 0 : i32
      %sign3A_937 = arith.cmpi sgt, %add3A_897, %sign3A_936 : i32
      %sign3A_938 = arith.extui %sign3A_937 : i1 to i32
      %sign3A_939 = arith.constant 0 : i32
      %sign3A_940 = arith.cmpi slt, %add3A_897, %sign3A_939 : i32
      %sign3A_941 = arith.extui %sign3A_940 : i1 to i32
      %sign3A_942 = arith.subi %sign3A_938, %sign3A_941 : i32
      %sign3A_943 = arith.constant 0 : i32
      %sign3A_944 = arith.cmpi sgt, %jit3A_934, %sign3A_943 : i32
      %sign3A_945 = arith.extui %sign3A_944 : i1 to i32
      %sign3A_946 = arith.constant 0 : i32
      %sign3A_947 = arith.cmpi slt, %jit3A_934, %sign3A_946 : i32
      %sign3A_948 = arith.extui %sign3A_947 : i1 to i32
      %sign3A_949 = arith.subi %sign3A_945, %sign3A_948 : i32
      %ne3A_950 = arith.cmpi ne, %sign3A_942, %sign3A_949 : i32
      %rem3A_951 = arith.remsi %add3A_897, %jit3A_934 : i32
      %ne3A_952 = arith.constant 0 : i32
      %ne3A_953 = arith.cmpi ne, %rem3A_951, %ne3A_952 : i32
      %and3A_954 = arith.andi %ne3A_950, %ne3A_953 : i1
      %sub3A_955 = arith.constant 1 : i32
      %sub3A_956 = arith.subi %div3A_935, %sub3A_955 : i32
      %select_n3A_957 = arith.select %and3A_954, %sub3A_956, %div3A_935 : i32
      %add3A_958 = arith.constant 64 : i32
      %add3A_959 = arith.addi %mul3A_2, %add3A_958 : i32
      %dma_start3A_960 = arith.constant 0 : i32
      %dma_start3A_961 = tpu.memref_slice %arg4[%select_n3A_957, %add3A_959, %dma_start3A_960] : memref<50x4096x128xf32, #tpu.memory_space<hbm>> -> memref<1x64x128xf32, #tpu.memory_space<hbm>>
      %dma_start3A_962 = tpu.memref_squeeze %dma_start3A_961 : memref<1x64x128xf32, #tpu.memory_space<hbm>> -> memref<64x128xf32, #tpu.memory_space<hbm>>
      %dma_start3A_963 = arith.constant 0 : i32
      %dma_start3A_964 = tpu.memref_slice %arg4[%select_n3A_957, %add3A_959, %dma_start3A_963] : memref<50x4096x128xf32, #tpu.memory_space<hbm>> -> memref<1x64x128xf32, #tpu.memory_space<hbm>>
      %dma_start3A_965 = tpu.memref_squeeze %dma_start3A_964 : memref<1x64x128xf32, #tpu.memory_space<hbm>> -> memref<64x128xf32, #tpu.memory_space<hbm>>
      tpu.enqueue_dma source(%arg15 : memref<64x128xf32, #tpu.memory_space<vmem>>) target(%dma_start3A_965 : memref<64x128xf32, #tpu.memory_space<hbm>>) target_semaphore(%arg35 : memref<!tpu.dma_semaphore, #tpu.memory_space<semaphore_mem>>)
      %sub3A_966 = arith.constant 3 : i32
      %sub3A_967 = arith.subi %add3A_897, %sub3A_966 : i32
      %ge3A_968 = arith.constant 0 : i32
      %ge3A_969 = arith.cmpi sge, %sub3A_967, %ge3A_968 : i32
      %add3A_970 = arith.constant 10 : i32
      %add3A_971 = arith.addi %sub3A_967, %add3A_970 : i32
      %lt3A_972 = arith.constant 100 : i32
      %lt3A_973 = arith.cmpi slt, %add3A_971, %lt3A_972 : i32
      %and3A_974 = arith.andi %ge3A_969, %lt3A_973 : i1
      %convert_element_type3A_975 = arith.extui %and3A_974 : i1 to i32
      %cond3A_976 = arith.constant 0 : i32
      %cond3A_977 = arith.cmpi ne, %convert_element_type3A_975, %cond3A_976 : i32
      scf.if %cond3A_977 {
        %jit3A_978 = arith.constant 2 : i32
        %div3A_979 = arith.divsi %sub3A_967, %jit3A_978 : i32
        %sign3A_980 = arith.constant 0 : i32
        %sign3A_981 = arith.cmpi sgt, %sub3A_967, %sign3A_980 : i32
        %sign3A_982 = arith.extui %sign3A_981 : i1 to i32
        %sign3A_983 = arith.constant 0 : i32
        %sign3A_984 = arith.cmpi slt, %sub3A_967, %sign3A_983 : i32
        %sign3A_985 = arith.extui %sign3A_984 : i1 to i32
        %sign3A_986 = arith.subi %sign3A_982, %sign3A_985 : i32
        %sign3A_987 = arith.constant 0 : i32
        %sign3A_988 = arith.cmpi sgt, %jit3A_978, %sign3A_987 : i32
        %sign3A_989 = arith.extui %sign3A_988 : i1 to i32
        %sign3A_990 = arith.constant 0 : i32
        %sign3A_991 = arith.cmpi slt, %jit3A_978, %sign3A_990 : i32
        %sign3A_992 = arith.extui %sign3A_991 : i1 to i32
        %sign3A_993 = arith.subi %sign3A_989, %sign3A_992 : i32
        %ne3A_994 = arith.cmpi ne, %sign3A_986, %sign3A_993 : i32
        %rem3A_995 = arith.remsi %sub3A_967, %jit3A_978 : i32
        %ne3A_996 = arith.constant 0 : i32
        %ne3A_997 = arith.cmpi ne, %rem3A_995, %ne3A_996 : i32
        %and3A_998 = arith.andi %ne3A_994, %ne3A_997 : i1
        %sub3A_999 = arith.constant 1 : i32
        %sub3A_1000 = arith.subi %div3A_979, %sub3A_999 : i32
        %select_n3A_1001 = arith.select %and3A_998, %sub3A_1000, %div3A_979 : i32
        %add3A_1002 = arith.constant 0 : i32
        %add3A_1003 = arith.addi %mul3A_2, %add3A_1002 : i32
        %dma_wait3A_1004 = arith.constant 0 : i32
        %dma_wait3A_1005 = tpu.memref_slice %arg4[%select_n3A_1001, %add3A_1003, %dma_wait3A_1004] : memref<50x4096x128xf32, #tpu.memory_space<hbm>> -> memref<1x64x128xf32, #tpu.memory_space<hbm>>
        %dma_wait3A_1006 = tpu.memref_squeeze %dma_wait3A_1005 : memref<1x64x128xf32, #tpu.memory_space<hbm>> -> memref<64x128xf32, #tpu.memory_space<hbm>>
        %dma_wait3A_1007 = arith.constant 0 : i32
        %dma_wait3A_1008 = tpu.memref_slice %arg4[%select_n3A_1001, %add3A_1003, %dma_wait3A_1007] : memref<50x4096x128xf32, #tpu.memory_space<hbm>> -> memref<1x64x128xf32, #tpu.memory_space<hbm>>
        %dma_wait3A_1009 = tpu.memref_squeeze %dma_wait3A_1008 : memref<1x64x128xf32, #tpu.memory_space<hbm>> -> memref<64x128xf32, #tpu.memory_space<hbm>>
        tpu.wait_dma2 semaphore(%arg32 : memref<!tpu.dma_semaphore, #tpu.memory_space<semaphore_mem>>) src(%arg12 : memref<64x128xf32, #tpu.memory_space<vmem>>) dst(%dma_wait3A_1009 : memref<64x128xf32, #tpu.memory_space<hbm>>)
        %add3A_1010 = arith.constant 10 : i32
        %add3A_1011 = arith.addi %sub3A_967, %add3A_1010 : i32
        %jit3A_1012 = arith.constant 2 : i32
        %div3A_1013 = arith.divsi %add3A_1011, %jit3A_1012 : i32
        %sign3A_1014 = arith.constant 0 : i32
        %sign3A_1015 = arith.cmpi sgt, %add3A_1011, %sign3A_1014 : i32
        %sign3A_1016 = arith.extui %sign3A_1015 : i1 to i32
        %sign3A_1017 = arith.constant 0 : i32
        %sign3A_1018 = arith.cmpi slt, %add3A_1011, %sign3A_1017 : i32
        %sign3A_1019 = arith.extui %sign3A_1018 : i1 to i32
        %sign3A_1020 = arith.subi %sign3A_1016, %sign3A_1019 : i32
        %sign3A_1021 = arith.constant 0 : i32
        %sign3A_1022 = arith.cmpi sgt, %jit3A_1012, %sign3A_1021 : i32
        %sign3A_1023 = arith.extui %sign3A_1022 : i1 to i32
        %sign3A_1024 = arith.constant 0 : i32
        %sign3A_1025 = arith.cmpi slt, %jit3A_1012, %sign3A_1024 : i32
        %sign3A_1026 = arith.extui %sign3A_1025 : i1 to i32
        %sign3A_1027 = arith.subi %sign3A_1023, %sign3A_1026 : i32
        %ne3A_1028 = arith.cmpi ne, %sign3A_1020, %sign3A_1027 : i32
        %rem3A_1029 = arith.remsi %add3A_1011, %jit3A_1012 : i32
        %ne3A_1030 = arith.constant 0 : i32
        %ne3A_1031 = arith.cmpi ne, %rem3A_1029, %ne3A_1030 : i32
        %and3A_1032 = arith.andi %ne3A_1028, %ne3A_1031 : i1
        %sub3A_1033 = arith.constant 1 : i32
        %sub3A_1034 = arith.subi %div3A_1013, %sub3A_1033 : i32
        %select_n3A_1035 = arith.select %and3A_1032, %sub3A_1034, %div3A_1013 : i32
        %dma_start3A_1036 = arith.constant 0 : i32
        %dma_start3A_1037 = tpu.memref_slice %arg5[%select_n3A_1035, %dma_start3A_1036] : memref<50x128xi32, #tpu.memory_space<vmem>> -> memref<1x64xi32, #tpu.memory_space<vmem>>
        %dma_start3A_1038 = tpu.memref_squeeze %dma_start3A_1037 : memref<1x64xi32, #tpu.memory_space<vmem>> -> memref<64xi32, #tpu.memory_space<vmem>>
        %dma_start3A_1039 = arith.constant 0 : i32
        %dma_start3A_1040 = arith.constant 0 : i32
        %dma_start3A_1041 = tpu.memref_slice %arg3[%dma_start3A_1039, %dma_start3A_1040] : memref<100000x128xf32, #tpu.memory_space<hbm>> -> memref<100000x128xf32, #tpu.memory_space<hbm>>
        tpu.enqueue_indirect_dma source(%dma_start3A_1041 : memref<100000x128xf32, #tpu.memory_space<hbm>>) target(%arg12 : memref<64x128xf32, #tpu.memory_space<vmem>>) offsets(%dma_start3A_1038 : memref<64xi32, #tpu.memory_space<vmem>>) semaphore(%arg22 : memref<!tpu.dma_semaphore, #tpu.memory_space<semaphore_mem>>)
      } else {
      }
    }
    %scan3A_75 = arith.constant 10 : i32
    %add3A_76 = arith.constant 0 : i32
    %add3A_77 = arith.addi %mul3A_2, %add3A_76 : i32
    %dma_wait3A = arith.constant 45 : i32
    %dma_wait3A_78 = arith.constant 0 : i32
    %dma_wait3A_79 = tpu.memref_slice %arg4[%dma_wait3A, %add3A_77, %dma_wait3A_78] : memref<50x4096x128xf32, #tpu.memory_space<hbm>> -> memref<1x64x128xf32, #tpu.memory_space<hbm>>
    %dma_wait3A_80 = tpu.memref_squeeze %dma_wait3A_79 : memref<1x64x128xf32, #tpu.memory_space<hbm>> -> memref<64x128xf32, #tpu.memory_space<hbm>>
    %dma_wait3A_81 = arith.constant 0 : i32
    %dma_wait3A_82 = tpu.memref_slice %arg4[%dma_wait3A, %add3A_77, %dma_wait3A_81] : memref<50x4096x128xf32, #tpu.memory_space<hbm>> -> memref<1x64x128xf32, #tpu.memory_space<hbm>>
    %dma_wait3A_83 = tpu.memref_squeeze %dma_wait3A_82 : memref<1x64x128xf32, #tpu.memory_space<hbm>> -> memref<64x128xf32, #tpu.memory_space<hbm>>
    tpu.wait_dma2 semaphore(%arg26 : memref<!tpu.dma_semaphore, #tpu.memory_space<semaphore_mem>>) src(%arg6 : memref<64x128xf32, #tpu.memory_space<vmem>>) dst(%dma_wait3A_83 : memref<64x128xf32, #tpu.memory_space<hbm>>)
    %add3A_84 = arith.constant 64 : i32
    %add3A_85 = arith.addi %mul3A_2, %add3A_84 : i32
    %dma_wait3A_86 = arith.constant 45 : i32
    %dma_wait3A_87 = arith.constant 0 : i32
    %dma_wait3A_88 = tpu.memref_slice %arg4[%dma_wait3A_86, %add3A_85, %dma_wait3A_87] : memref<50x4096x128xf32, #tpu.memory_space<hbm>> -> memref<1x64x128xf32, #tpu.memory_space<hbm>>
    %dma_wait3A_89 = tpu.memref_squeeze %dma_wait3A_88 : memref<1x64x128xf32, #tpu.memory_space<hbm>> -> memref<64x128xf32, #tpu.memory_space<hbm>>
    %dma_wait3A_90 = arith.constant 0 : i32
    %dma_wait3A_91 = tpu.memref_slice %arg4[%dma_wait3A_86, %add3A_85, %dma_wait3A_90] : memref<50x4096x128xf32, #tpu.memory_space<hbm>> -> memref<1x64x128xf32, #tpu.memory_space<hbm>>
    %dma_wait3A_92 = tpu.memref_squeeze %dma_wait3A_91 : memref<1x64x128xf32, #tpu.memory_space<hbm>> -> memref<64x128xf32, #tpu.memory_space<hbm>>
    tpu.wait_dma2 semaphore(%arg27 : memref<!tpu.dma_semaphore, #tpu.memory_space<semaphore_mem>>) src(%arg7 : memref<64x128xf32, #tpu.memory_space<vmem>>) dst(%dma_wait3A_92 : memref<64x128xf32, #tpu.memory_space<hbm>>)
    %add3A_93 = arith.constant 0 : i32
    %add3A_94 = arith.addi %mul3A_2, %add3A_93 : i32
    %dma_wait3A_95 = arith.constant 46 : i32
    %dma_wait3A_96 = arith.constant 0 : i32
    %dma_wait3A_97 = tpu.memref_slice %arg4[%dma_wait3A_95, %add3A_94, %dma_wait3A_96] : memref<50x4096x128xf32, #tpu.memory_space<hbm>> -> memref<1x64x128xf32, #tpu.memory_space<hbm>>
    %dma_wait3A_98 = tpu.memref_squeeze %dma_wait3A_97 : memref<1x64x128xf32, #tpu.memory_space<hbm>> -> memref<64x128xf32, #tpu.memory_space<hbm>>
    %dma_wait3A_99 = arith.constant 0 : i32
    %dma_wait3A_100 = tpu.memref_slice %arg4[%dma_wait3A_95, %add3A_94, %dma_wait3A_99] : memref<50x4096x128xf32, #tpu.memory_space<hbm>> -> memref<1x64x128xf32, #tpu.memory_space<hbm>>
    %dma_wait3A_101 = tpu.memref_squeeze %dma_wait3A_100 : memref<1x64x128xf32, #tpu.memory_space<hbm>> -> memref<64x128xf32, #tpu.memory_space<hbm>>
    tpu.wait_dma2 semaphore(%arg28 : memref<!tpu.dma_semaphore, #tpu.memory_space<semaphore_mem>>) src(%arg8 : memref<64x128xf32, #tpu.memory_space<vmem>>) dst(%dma_wait3A_101 : memref<64x128xf32, #tpu.memory_space<hbm>>)
    %add3A_102 = arith.constant 64 : i32
    %add3A_103 = arith.addi %mul3A_2, %add3A_102 : i32
    %dma_wait3A_104 = arith.constant 46 : i32
    %dma_wait3A_105 = arith.constant 0 : i32
    %dma_wait3A_106 = tpu.memref_slice %arg4[%dma_wait3A_104, %add3A_103, %dma_wait3A_105] : memref<50x4096x128xf32, #tpu.memory_space<hbm>> -> memref<1x64x128xf32, #tpu.memory_space<hbm>>
    %dma_wait3A_107 = tpu.memref_squeeze %dma_wait3A_106 : memref<1x64x128xf32, #tpu.memory_space<hbm>> -> memref<64x128xf32, #tpu.memory_space<hbm>>
    %dma_wait3A_108 = arith.constant 0 : i32
    %dma_wait3A_109 = tpu.memref_slice %arg4[%dma_wait3A_104, %add3A_103, %dma_wait3A_108] : memref<50x4096x128xf32, #tpu.memory_space<hbm>> -> memref<1x64x128xf32, #tpu.memory_space<hbm>>
    %dma_wait3A_110 = tpu.memref_squeeze %dma_wait3A_109 : memref<1x64x128xf32, #tpu.memory_space<hbm>> -> memref<64x128xf32, #tpu.memory_space<hbm>>
    tpu.wait_dma2 semaphore(%arg29 : memref<!tpu.dma_semaphore, #tpu.memory_space<semaphore_mem>>) src(%arg9 : memref<64x128xf32, #tpu.memory_space<vmem>>) dst(%dma_wait3A_110 : memref<64x128xf32, #tpu.memory_space<hbm>>)
    %add3A_111 = arith.constant 0 : i32
    %add3A_112 = arith.addi %mul3A_2, %add3A_111 : i32
    %dma_wait3A_113 = arith.constant 47 : i32
    %dma_wait3A_114 = arith.constant 0 : i32
    %dma_wait3A_115 = tpu.memref_slice %arg4[%dma_wait3A_113, %add3A_112, %dma_wait3A_114] : memref<50x4096x128xf32, #tpu.memory_space<hbm>> -> memref<1x64x128xf32, #tpu.memory_space<hbm>>
    %dma_wait3A_116 = tpu.memref_squeeze %dma_wait3A_115 : memref<1x64x128xf32, #tpu.memory_space<hbm>> -> memref<64x128xf32, #tpu.memory_space<hbm>>
    %dma_wait3A_117 = arith.constant 0 : i32
    %dma_wait3A_118 = tpu.memref_slice %arg4[%dma_wait3A_113, %add3A_112, %dma_wait3A_117] : memref<50x4096x128xf32, #tpu.memory_space<hbm>> -> memref<1x64x128xf32, #tpu.memory_space<hbm>>
    %dma_wait3A_119 = tpu.memref_squeeze %dma_wait3A_118 : memref<1x64x128xf32, #tpu.memory_space<hbm>> -> memref<64x128xf32, #tpu.memory_space<hbm>>
    tpu.wait_dma2 semaphore(%arg30 : memref<!tpu.dma_semaphore, #tpu.memory_space<semaphore_mem>>) src(%arg10 : memref<64x128xf32, #tpu.memory_space<vmem>>) dst(%dma_wait3A_119 : memref<64x128xf32, #tpu.memory_space<hbm>>)
    %add3A_120 = arith.constant 64 : i32
    %add3A_121 = arith.addi %mul3A_2, %add3A_120 : i32
    %dma_wait3A_122 = arith.constant 47 : i32
    %dma_wait3A_123 = arith.constant 0 : i32
    %dma_wait3A_124 = tpu.memref_slice %arg4[%dma_wait3A_122, %add3A_121, %dma_wait3A_123] : memref<50x4096x128xf32, #tpu.memory_space<hbm>> -> memref<1x64x128xf32, #tpu.memory_space<hbm>>
    %dma_wait3A_125 = tpu.memref_squeeze %dma_wait3A_124 : memref<1x64x128xf32, #tpu.memory_space<hbm>> -> memref<64x128xf32, #tpu.memory_space<hbm>>
    %dma_wait3A_126 = arith.constant 0 : i32
    %dma_wait3A_127 = tpu.memref_slice %arg4[%dma_wait3A_122, %add3A_121, %dma_wait3A_126] : memref<50x4096x128xf32, #tpu.memory_space<hbm>> -> memref<1x64x128xf32, #tpu.memory_space<hbm>>
    %dma_wait3A_128 = tpu.memref_squeeze %dma_wait3A_127 : memref<1x64x128xf32, #tpu.memory_space<hbm>> -> memref<64x128xf32, #tpu.memory_space<hbm>>
    tpu.wait_dma2 semaphore(%arg31 : memref<!tpu.dma_semaphore, #tpu.memory_space<semaphore_mem>>) src(%arg11 : memref<64x128xf32, #tpu.memory_space<vmem>>) dst(%dma_wait3A_128 : memref<64x128xf32, #tpu.memory_space<hbm>>)
    %add3A_129 = arith.constant 0 : i32
    %add3A_130 = arith.addi %mul3A_2, %add3A_129 : i32
    %dma_wait3A_131 = arith.constant 48 : i32
    %dma_wait3A_132 = arith.constant 0 : i32
    %dma_wait3A_133 = tpu.memref_slice %arg4[%dma_wait3A_131, %add3A_130, %dma_wait3A_132] : memref<50x4096x128xf32, #tpu.memory_space<hbm>> -> memref<1x64x128xf32, #tpu.memory_space<hbm>>
    %dma_wait3A_134 = tpu.memref_squeeze %dma_wait3A_133 : memref<1x64x128xf32, #tpu.memory_space<hbm>> -> memref<64x128xf32, #tpu.memory_space<hbm>>
    %dma_wait3A_135 = arith.constant 0 : i32
    %dma_wait3A_136 = tpu.memref_slice %arg4[%dma_wait3A_131, %add3A_130, %dma_wait3A_135] : memref<50x4096x128xf32, #tpu.memory_space<hbm>> -> memref<1x64x128xf32, #tpu.memory_space<hbm>>
    %dma_wait3A_137 = tpu.memref_squeeze %dma_wait3A_136 : memref<1x64x128xf32, #tpu.memory_space<hbm>> -> memref<64x128xf32, #tpu.memory_space<hbm>>
    tpu.wait_dma2 semaphore(%arg32 : memref<!tpu.dma_semaphore, #tpu.memory_space<semaphore_mem>>) src(%arg12 : memref<64x128xf32, #tpu.memory_space<vmem>>) dst(%dma_wait3A_137 : memref<64x128xf32, #tpu.memory_space<hbm>>)
    %add3A_138 = arith.constant 64 : i32
    %add3A_139 = arith.addi %mul3A_2, %add3A_138 : i32
    %dma_wait3A_140 = arith.constant 48 : i32
    %dma_wait3A_141 = arith.constant 0 : i32
    %dma_wait3A_142 = tpu.memref_slice %arg4[%dma_wait3A_140, %add3A_139, %dma_wait3A_141] : memref<50x4096x128xf32, #tpu.memory_space<hbm>> -> memref<1x64x128xf32, #tpu.memory_space<hbm>>
    %dma_wait3A_143 = tpu.memref_squeeze %dma_wait3A_142 : memref<1x64x128xf32, #tpu.memory_space<hbm>> -> memref<64x128xf32, #tpu.memory_space<hbm>>
    %dma_wait3A_144 = arith.constant 0 : i32
    %dma_wait3A_145 = tpu.memref_slice %arg4[%dma_wait3A_140, %add3A_139, %dma_wait3A_144] : memref<50x4096x128xf32, #tpu.memory_space<hbm>> -> memref<1x64x128xf32, #tpu.memory_space<hbm>>
    %dma_wait3A_146 = tpu.memref_squeeze %dma_wait3A_145 : memref<1x64x128xf32, #tpu.memory_space<hbm>> -> memref<64x128xf32, #tpu.memory_space<hbm>>
    tpu.wait_dma2 semaphore(%arg33 : memref<!tpu.dma_semaphore, #tpu.memory_space<semaphore_mem>>) src(%arg13 : memref<64x128xf32, #tpu.memory_space<vmem>>) dst(%dma_wait3A_146 : memref<64x128xf32, #tpu.memory_space<hbm>>)
    %add3A_147 = arith.constant 0 : i32
    %add3A_148 = arith.addi %mul3A_2, %add3A_147 : i32
    %dma_wait3A_149 = arith.constant 49 : i32
    %dma_wait3A_150 = arith.constant 0 : i32
    %dma_wait3A_151 = tpu.memref_slice %arg4[%dma_wait3A_149, %add3A_148, %dma_wait3A_150] : memref<50x4096x128xf32, #tpu.memory_space<hbm>> -> memref<1x64x128xf32, #tpu.memory_space<hbm>>
    %dma_wait3A_152 = tpu.memref_squeeze %dma_wait3A_151 : memref<1x64x128xf32, #tpu.memory_space<hbm>> -> memref<64x128xf32, #tpu.memory_space<hbm>>
    %dma_wait3A_153 = arith.constant 0 : i32
    %dma_wait3A_154 = tpu.memref_slice %arg4[%dma_wait3A_149, %add3A_148, %dma_wait3A_153] : memref<50x4096x128xf32, #tpu.memory_space<hbm>> -> memref<1x64x128xf32, #tpu.memory_space<hbm>>
    %dma_wait3A_155 = tpu.memref_squeeze %dma_wait3A_154 : memref<1x64x128xf32, #tpu.memory_space<hbm>> -> memref<64x128xf32, #tpu.memory_space<hbm>>
    tpu.wait_dma2 semaphore(%arg34 : memref<!tpu.dma_semaphore, #tpu.memory_space<semaphore_mem>>) src(%arg14 : memref<64x128xf32, #tpu.memory_space<vmem>>) dst(%dma_wait3A_155 : memref<64x128xf32, #tpu.memory_space<hbm>>)
    %add3A_156 = arith.constant 64 : i32
    %add3A_157 = arith.addi %mul3A_2, %add3A_156 : i32
    %dma_wait3A_158 = arith.constant 49 : i32
    %dma_wait3A_159 = arith.constant 0 : i32
    %dma_wait3A_160 = tpu.memref_slice %arg4[%dma_wait3A_158, %add3A_157, %dma_wait3A_159] : memref<50x4096x128xf32, #tpu.memory_space<hbm>> -> memref<1x64x128xf32, #tpu.memory_space<hbm>>
    %dma_wait3A_161 = tpu.memref_squeeze %dma_wait3A_160 : memref<1x64x128xf32, #tpu.memory_space<hbm>> -> memref<64x128xf32, #tpu.memory_space<hbm>>
    %dma_wait3A_162 = arith.constant 0 : i32
    %dma_wait3A_163 = tpu.memref_slice %arg4[%dma_wait3A_158, %add3A_157, %dma_wait3A_162] : memref<50x4096x128xf32, #tpu.memory_space<hbm>> -> memref<1x64x128xf32, #tpu.memory_space<hbm>>
    %dma_wait3A_164 = tpu.memref_squeeze %dma_wait3A_163 : memref<1x64x128xf32, #tpu.memory_space<hbm>> -> memref<64x128xf32, #tpu.memory_space<hbm>>
    tpu.wait_dma2 semaphore(%arg35 : memref<!tpu.dma_semaphore, #tpu.memory_space<semaphore_mem>>) src(%arg15 : memref<64x128xf32, #tpu.memory_space<vmem>>) dst(%dma_wait3A_164 : memref<64x128xf32, #tpu.memory_space<hbm>>)
    return
  }
}

</mosaic_0001>

<sc_bundles>
// kernel: kernel.3.cloned.1.call-start
scs
__scs_entry_jumppad:
0x0: {  	(pc) =	sbr.rel $0x88, $3  }
0x1: {  	(tag) =	ssettag $0x0;
	lr =	simm.s32 $0x1  }
0x2: {  	[smem:$0x3F9F] =	sst lr;
	_ =	strace $0xD0000000  }
0x3: {  	_ = 	snop  }
0x4: {  	_ = 	snop  }
0x5: {  	_ = 	snop  }
0x6: {  	_ = 	snop  }
0x7: {  	_ = 	snop  }
__scs_overlays_trampoline_lowered:
0x8: {  	[smem:$0x3FAE] =	sst s0  }
0x9: {  	[smem:$0x3FAF] =	sst s1  }
0xa: {  	[smem:$0x3FB0] =	sst s2  }
0xb: {  	[smem:$0x3FB1] =	sst s3  }
0xc: {  	[smem:$0x3FB2] =	sst s4  }
0xd: {  	[smem:$0x3FB3] =	sst s5  }
0xe: {  	[smem:$0x3FB4] =	sst s6  }
0xf: {  	[smem:$0x3FB5] =	sst s7  }
0x10: {  	[smem:$0x3FB6] =	sst s8  }
0x11: {  	[smem:$0x3FB7] =	sst s9;
	s0 =	simm.s32 @!p0 $0x0  }
0x12: {  	s1 =	sld [smem:$0x3F9D];
	s0 =	simm.s32 @p0 $0x1  }
0x13: {  	[smem:$0x3FB8] =	sst s0;
	s0 =	simm.s32 @!p1 $0x0  }
0x14: {  	s2 =	sld [smem:$0x3F9C];
	s0 =	simm.s32 @p1 $0x1  }
0x15: {  	[smem:$0x3FB9] =	sst s0;
	s0 =	simm.s32 @!p2 $0x0  }
0x16: {  	s3 =	sld [smem:$0x3FDB];
	s0 =	simm.s32 @p2 $0x1  }
0x17: {  	s4 =	simm.s32 $0x1BF5;
	[smem:$0x3FBB] =	sst s0  }
0x18: {  	s0 =	sld [smem:$0x3F9E];
	_ =	swait.ge [sflag:s4], $0x0  }
0x19: {  	s7 =	sld [smem:$0x3F9F]  }
0x1a: {  	s8 =	sadd.s32 $0xFFFFE003, lr  }
0x1b: {  	s9 =	sadd.s32 $0xFFFFFEF7, lr;
	s5 =	simm.s32 $0xFFFFFFFF;
	p2 =	slt.u32 s8, $0xFFFFF086  }
0x1c: {  	p1 =	slt.u32 s9, $0xF7A;
	s5 =	simm.s32 @!p2 $0x0  }
0x1d: {  	s5 =	simm.s32 @p1 $0x1;
	p0 =	seq.s32 s7, s2  }
0x1e: {  	s7 =	smul.u32 @!p0 $0xF7A, s2;
	p2 =	seq.s32 @!p0 s5, $0x0  }
0x1f: {  	s9 =	smul.u32 $0xF7A, s1;
	s8 =	simm.s32 @!p0 $0x1BF5;
	p2 =	por !p2, p0  }
0x20: {  	[sflag:s8] =	ssyncset.s32 @!p0 $0xFFFFF086;
	s6 =	sadd.s32 @!p0 s3, s7;
	s7 =	simm.s32 @!p0 $0x108  }
0x21: {  	s3 =	sadd.s32 s3, s9;
	s6 =	sadd.s32 @!p0 $0x88, s6;
	s7 =	simm.s32 @p2 $0x1082  }
0x22: {  	[simem:s7], [sflag:s8] =	dma.local @!p0 [hbm:s6], $0xF7A  }
0x23: {  	s9 =	sor.u32 $0xD0000000, s2;
	s6 =	simm.s32 $0x108;
	_ =	swait.ge @!p0 [sflag:s8], $0x0  }
0x24: {  	s3 =	sadd.s32 $0x88, s3;
	s6 =	simm.s32 @!p1 $0x1082;
	[sflag:s4] =	ssyncset.s32 $0xFFFFF086  }
0x25: {  	[simem:s6], [sflag:s4] =	dma.local [hbm:s3], $0xF7A  }
0x26: {  	[smem:$0x3F9F] =	sst s1;
	(tag) =	ssettag s2;
	_ =	strace s9  }
0x27: {  	s1 =	sld [smem:$0x3FAF]  }
0x28: {  	s2 =	sld [smem:$0x3FB0]  }
0x29: {  	s4 =	sld [smem:$0x3FB2]  }
0x2a: {  	p0 =	seq.s32 s5, $0x0;
	s5 =	sld [smem:$0x3FB3]  }
0x2b: {  	s6 =	sld [smem:$0x3FB4]  }
0x2c: {  	s7 =	sld [smem:$0x3FB5]  }
0x2d: {  	s3 =	simm.s32 $0x108;
	s8 =	sld [smem:$0x3FB6]  }
0x2e: {  	s3 =	simm.s32 @!p0 $0x1082;
	s9 =	sld [smem:$0x3FB7]  }
0x2f: {  	lr =	sadd.s32 s0, s3;
	s0 =	sld [smem:$0x3FAE]  }
0x30: {  	s3 =	sld [smem:$0x3FB1]  }
0x31: {  	[smem:$0x3FBA] =	sst s10  }
0x32: {  	s10 =	sld [smem:$0x3FB8];
	_ =	sdelay $0x3  }
0x33: {  	p0 =	seq.s32 s10, $0x1;
	s10 =	sld [smem:$0x3FBA];
	_ =	sdelay $0x3  }
0x34: {  	[smem:$0x3FBA] =	sst s10  }
0x35: {  	s10 =	sld [smem:$0x3FB9];
	_ =	sdelay $0x3  }
0x36: {  	p1 =	seq.s32 s10, $0x1;
	s10 =	sld [smem:$0x3FBA];
	_ =	sdelay $0x3  }
0x37: {  	[smem:$0x3FBA] =	sst s10  }
0x38: {  	s10 =	sld [smem:$0x3FBB]  }
0x39: {  	_ = 	snop;
	(pc) =	sbr.ind lr, $3  }
0x3a: {  	_ = 	snop  }
0x3b: {  	_ = 	snop  }
0x3c: {  	p2 =	seq.s32 s10, $0x1;
	s10 =	sld [smem:$0x3FBA]  }
0x3d: {  	_ =	shalt  }
0x3e: {  	_ =	shalt  }
0x3f: {  	_ =	shalt  }
0x40: {  	_ =	shalt  }
0x41: {  	_ =	shalt  }
0x42: {  	_ =	shalt  }
0x43: {  	_ =	shalt  }
0x44: {  	_ =	shalt  }
0x45: {  	_ =	shalt  }
0x46: {  	_ =	shalt  }
0x47: {  	_ =	shalt  }
0x48: {  	_ =	shalt  }
0x49: {  	_ =	shalt  }
0x4a: {  	_ =	shalt  }
0x4b: {  	_ =	shalt  }
0x4c: {  	_ =	shalt  }
0x4d: {  	_ =	shalt  }
0x4e: {  	_ =	shalt  }
0x4f: {  	_ =	shalt  }
0x50: {  	_ =	shalt  }
0x51: {  	_ =	shalt  }
0x52: {  	_ =	shalt  }
0x53: {  	_ =	shalt  }
0x54: {  	_ =	shalt  }
0x55: {  	_ =	shalt  }
0x56: {  	_ =	shalt  }
0x57: {  	_ =	shalt  }
0x58: {  	_ =	shalt  }
0x59: {  	_ =	shalt  }
0x5a: {  	_ =	shalt  }
0x5b: {  	_ =	shalt  }
0x5c: {  	_ =	shalt  }
0x5d: {  	_ =	shalt  }
0x5e: {  	_ =	shalt  }
0x5f: {  	_ =	shalt  }
0x60: {  	_ =	shalt  }
0x61: {  	_ =	shalt  }
0x62: {  	_ =	shalt  }
0x63: {  	_ =	shalt  }
0x64: {  	_ =	shalt  }
0x65: {  	_ =	shalt  }
0x66: {  	_ =	shalt  }
0x67: {  	_ =	shalt  }
0x68: {  	_ =	shalt  }
0x69: {  	_ =	shalt  }
0x6a: {  	_ =	shalt  }
0x6b: {  	_ =	shalt  }
0x6c: {  	_ =	shalt  }
0x6d: {  	_ =	shalt  }
0x6e: {  	_ =	shalt  }
0x6f: {  	_ =	shalt  }
0x70: {  	_ =	shalt  }
0x71: {  	_ =	shalt  }
0x72: {  	_ =	shalt  }
0x73: {  	_ =	shalt  }
0x74: {  	_ =	shalt  }
0x75: {  	_ =	shalt  }
0x76: {  	_ =	shalt  }
0x77: {  	_ =	shalt  }
0x78: {  	_ =	shalt  }
0x79: {  	_ =	shalt  }
0x7a: {  	_ =	shalt  }
0x7b: {  	_ =	shalt  }
0x7c: {  	_ =	shalt  }
0x7d: {  	_ =	shalt  }
0x7e: {  	_ =	shalt  }
0x7f: {  	_ =	shalt  }
0x80: {  	_ =	shalt  }
0x81: {  	_ =	shalt  }
0x82: {  	_ =	shalt  }
0x83: {  	_ =	shalt  }
0x84: {  	_ =	shalt  }
0x85: {  	_ =	shalt  }
0x86: {  	_ =	shalt  }
0x87: {  	_ =	shalt  }
.Lfunc_end0:
.L_simem_size_0:
called_computation_lowered:
.L_overlay_start_0:
0x88: {  	s2 =	sld [smem:$0x3FD9]  }
0x89: {  	s3 =	sld [smem:$0x3FFE];
	_ =	sdelay $0x1  }
0x8a: {  	s1 =	srdreg.scid  }
0x8b: {  	s0 =	sand.u32 $0x1, s1  }
0x8c: {  	s18 =	sshll.u32 s0, $0xA;
	s2 =	sadd.s32 s3, s2  }
0x8d: {  	s2 =	sadd.s32 s2, s18  }
0x8e: {  	[smem:$0x3FC6] =	sst s2  }
0x8f: {  	_ = 	snop  }
0x90: {  	s2 =	sld [smem:$0x3FC9]  }
0x91: {  	s19 =	sld [smem:$0x3FC8]  }
0x92: {  	s4 =	sld [smem:$0x3FD0];
	(tm) =	ssettm $0x1  }
0x93: {  	s5 =	sld [smem:$0x3FFB];
	_ =	sdelay $0x3  }
0x94: {  	_ =	strace s5  }
0x95: {  	s5 =	sld [smem:$0x3FFC];
	_ =	sdelay $0x3  }
0x96: {  	_ =	strace s5  }
0x97: {  	s5 =	sld [smem:$0x3FFD];
	_ =	sdelay $0x3  }
0x98: {  	_ =	strace s5  }
0x99: {  	_ =	strace $0x8FFFFFFF  }
0x9a: {  	s20 =	sld [smem:$0x3FDB];
	_ =	sdelay $0x1  }
0x9b: {  	s6 =	simm.s32 $_scs_section_size  }
0x9c: {  	s7 =	simm.s32 $_size__tile_overlayer_lowered;
	s8 =	simm.s32 $_tile_overlayer_lowered  }
0x9d: {  	s23 =	simm.s32 $0x1BFF;
	s22 =	sshll.u32 s8, $0x1;
	s5 =	sadd.s32 s6, s20  }
0x9e: {  	s9 =	simm.s32 $0x0;
	s21 =	sshll.u32 s7, $0x1;
	s7 =	sadd.s32 s22, s5  }
0x9f: {  	[timem:s9], [sflag:s23] =	dma.local [hbm:s7], s21  }
0xa0: {  	_ =	swait.ge [sflag:s23], s21  }
0xa1: {  	s6 =	ssub.s32 $0x0, s21;
	[sflag:s23] =	ssyncset.done $0x0  }
0xa2: {  	[sflag:s23] =	ssyncadd.s32 s6;
	_ =	sdelay $0x1  }
0xa3: {  	s24 =	simm.s32 $0x1B8B  }
0xa4: {  	_ =	swait.ge [sflag:s24], $0x1  }
0xa5: {  	[sflag:s24] =	ssyncset.done $0x0  }
0xa6: {  	s25 =	simm.s32 $0x1B8E;
	[sflag:s24] =	ssyncadd.s32 $0xFFFFFFFF  }
0xa7: {  	s26 =	simm.s32 $execute0_lowered;
	[smem:$0x3FD2] =	sst s25  }
0xa8: {  	s6 =	sshll.u32 s26, $0x1;
	_ =	strace $0x80000046;
	[dreg:$0x1] =	wrdreg $0xFFFFFFFF  }
0xa9: {  	s28 =	simm.s32 $_size_execute0_lowered;
	s5 =	sadd.s32 s5, s6;
	[dreg:$0x0] =	wrdreg $0x0  }
0xaa: {  	s6 =	sshll.u32 s28, $0x1;
	[dreg:$0x2] =	wrdreg s5  }
0xab: {  	[dreg:$0x3] =	wrdreg s6  }
0xac: {  	[dreg:$0x4] =	wrdreg $0xC0  }
0xad: {  	_ =	task [dreg:s9], $0x5FFFF  }
0xae: {  	[dreg:$0x1] =	wrdreg $0xFFFFFFFF  }
0xaf: {  	[dreg:$0x0] =	wrdreg $0x60  }
0xb0: {  	[dreg:$0x2] =	wrdreg s2  }
0xb1: {  	[dreg:$0x3] =	wrdreg s19  }
0xb2: {  	[dreg:$0x4] =	wrdreg s4  }
0xb3: {  	[dreg:$0x5] =	wrdreg $0x9  }
0xb4: {  	_ =	task.clear_ibuf [dreg:s9], $0x6FFFF;
	_ =	strace $0x90000046  }
0xb5: {  	s29 =	simm.s32 $0x9;
	_ =	strace $0x80000048  }
0xb6: {  	_ =	swait.ge [sflag:s29], $0x1  }
0xb7: {  	[sflag:s29] =	ssyncadd.s32 $0xFFFFFFFF  }
0xb8: {  	_ =	strace $0x90000048  }
0xb9: {  	_ =	sfence  }
0xba: {  	s30 =	sld [smem:$0x0];
	_ =	sdelay $0x2  }
0xbb: {  	s31 =	sshll.u32 s1, $0xD;
	s1 =	sshrl.u32 s1, $0x2  }
0xbc: {  	s3 =	sand.u32 $0x4000, s31;
	s1 =	sadd.s32 s1, s30  }
0xbd: {  	s0 =	sor.u32 s3, s0;
	s1 =	sshll.u32 s1, $0x11  }
0xbe: {  	s0 =	sor.u32 s1, s0  }
0xbf: {  	s0 =	sadd.s32 $0x8F2B, s0  }
0xc0: {  	[sflag:s0] =	ssyncadd.remote.s32 $0x1  }
0xc1: {  	_ =	sfence.sel $0xFFFF  }
0xc2: {  	[dreg:$0x0] =	wrdreg $0xFFFFFFFF;
	(pc) =	sbr.abs _section_cstart, $3  }
0xc3: {  	[dreg:$0x1] =	wrdreg $0xFFFFFFFF  }
0xc4: {  	_ =	task.clear_ibuf [dreg:s9], $0x2FFFF;
	_ =	strace $0x9FFFFFFF  }
0xc5: {  	(tm) =	ssettm $0x7FFFFFFF  }
tec
execute0_lowered:
.L_overlay_start_1:
0x0: {  	(tag) =	ssettag $0x1  }
0x1: {  	s0 =	rddreg [dreg:$0x0]  }
0x2: {  	s1 =	rddreg [dreg:$0x1]  }
0x3: {  	s2 =	rddreg [dreg:$0x2];
	s4 =	simm.s32 $0x0;
	s3 =	srdreg.scid  }
0x4: {  	s6 =	stileid.u32;
	s15 =	simm.s32 $0x40;
	s28 =	simm.s32 $0xDC00  }
0x5: {  	s11 =	simm.s32 $0x13C00;
	s12 =	simm.s32 $0x1;
	s13 =	simm.s32 $0x2  }
0x6: {  	s18 =	simm.s32 $0x3;
	s20 =	simm.s32 $0x4;
	s22 =	simm.s32 $0x5  }
0x7: {  	s24 =	simm.s32 $0x6;
	s26 =	simm.s32 $0x7;
	s29 =	simm.s32 $0x8  }
0x8: {  	s31 =	simm.s32 $0x9;
	s14 =	simm.s32 $0x0;
	s3 =	sand.u32 $0x1, s3  }
0x9: {  	[smem:$0x7FF] =	sst s4;
	s6 =	sshll.u32 s6, $0x8;
	s5 =	ssub.s32 $0x2, s3  }
0xa: {  	s3 =	sshll.u32 s3, $0x7;
	_ =	strace $0x80000047;
	s7 =	sshrl.u32 s5, $0x1  }
.Ltmp0:
0xb: {  	s3 =	sor.u32 s3, s6;
	s5 =	ssub.s32 s5, s7;
	(pc) =	sbr.rel .LBB2_1-.Ltmp0, $4  }
0xc: {  	s0 =	sadd.s32 s0, s3;
	s6 =	sshll.u32 s3, $0x7;
	s3 =	simm.s32 $0xA  }
0xd: {  	[dreg:$0x4] =	wrdreg s0;
	s0 =	sadd.s32 $0x6000, s0;
	s8 =	sor.u32 $0x2000, s6  }
0xe: {  	s9 =	sor.u32 $0x180000, s6;
	s30 =	smax.u32 s5, $0x1;
	[dreg:$0x5] =	wrdreg s0  }
0xf: {  	s5 =	simm.s32 $0x11;
	[dreg:$0x6] =	wrdreg s30;
	s0 =	simm.s32 $0x11C00  }
.LBB2_24:
0x10: {  	s7 =	simm.s32 $0xB  }
0x11: {  	_ =	swait.ge [sflag:s7], $0x2000  }
0x12: {  	[sflag:s7] =	ssyncset.done $0x0  }
0x13: {  	s14 =	simm.s32 $0xC;
	[sflag:s7] =	ssyncadd.s32 $0xFFFFE000  }
0x14: {  	_ =	swait.ge [sflag:s14], $0x2000  }
0x15: {  	[sflag:s14] =	ssyncset.done $0x0  }
0x16: {  	s16 =	simm.s32 $0xD;
	[sflag:s14] =	ssyncadd.s32 $0xFFFFE000  }
0x17: {  	_ =	swait.ge [sflag:s16], $0x2000  }
0x18: {  	[sflag:s16] =	ssyncset.done $0x0  }
0x19: {  	s17 =	simm.s32 $0xE;
	[sflag:s16] =	ssyncadd.s32 $0xFFFFE000  }
0x1a: {  	_ =	swait.ge [sflag:s17], $0x2000  }
0x1b: {  	[sflag:s17] =	ssyncset.done $0x0  }
0x1c: {  	s19 =	simm.s32 $0xF;
	[sflag:s17] =	ssyncadd.s32 $0xFFFFE000  }
0x1d: {  	_ =	swait.ge [sflag:s19], $0x2000  }
0x1e: {  	[sflag:s19] =	ssyncset.done $0x0  }
0x1f: {  	s21 =	simm.s32 $0x10;
	[sflag:s19] =	ssyncadd.s32 $0xFFFFE000  }
0x20: {  	_ =	swait.ge [sflag:s21], $0x2000  }
0x21: {  	[sflag:s21] =	ssyncset.done $0x0  }
0x22: {  	[sflag:s21] =	ssyncadd.s32 $0xFFFFE000  }
0x23: {  	_ =	swait.ge [sflag:s5], $0x2000  }
0x24: {  	[sflag:s5] =	ssyncset.done $0x0  }
0x25: {  	s23 =	simm.s32 $0x12;
	[sflag:s5] =	ssyncadd.s32 $0xFFFFE000  }
0x26: {  	_ =	swait.ge [sflag:s23], $0x2000  }
0x27: {  	[sflag:s23] =	ssyncset.done $0x0  }
0x28: {  	s25 =	simm.s32 $0x13;
	[sflag:s23] =	ssyncadd.s32 $0xFFFFE000  }
0x29: {  	_ =	swait.ge [sflag:s25], $0x2000  }
0x2a: {  	[sflag:s25] =	ssyncset.done $0x0  }
0x2b: {  	s10 =	simm.s32 $0x14;
	[sflag:s25] =	ssyncadd.s32 $0xFFFFE000  }
0x2c: {  	_ =	swait.ge [sflag:s10], $0x2000  }
0x2d: {  	s14 =	rddreg [dreg:$0x7]  }
0x2e: {  	s30 =	rddreg [dreg:$0x6];
	s14 =	sadd.s32 $0x1, s14  }
0x2f: {  	p0 =	sne.s32 s14, s30  }
.Ltmp1:
0x30: {  	_ = 	snop;
	(pc) =	sbr.rel @!p0 .LBB2_25-.Ltmp1, $3  }
0x31: {  	_ =	sdelay $0x1  }
0x32: {  	[sflag:s10] =	ssyncset.done $0x0  }
0x33: {  	[sflag:s10] =	ssyncadd.s32 $0xFFFFE000  }
.LBB2_1:
0x34: {  	[dreg:$0x7] =	wrdreg s14  }
0x35: {  	s7 =	rddreg [dreg:$0x4];
	s10 =	simm.s32 $0x400;
	s30 =	simm.s32 $0x8000  }
0x36: {  	[tilespmem:s4], [sflag:$0x15] =	stream.strided.gather [hbm4b:s7+s10], $0x1800, s30, s10, $0x38;
	[tilespmem:$0x15C00] =	vst v63  }
0x37: {  	s14 =	simm.s32 $0x1800;
	s16 =	simm.s32 $0x15;
	s10 =	rddreg [dreg:$0x5]  }
0x38: {  	[tilespmem:s14], [sflag:$0x15] =	stream.linear.gather [hbm4b:s10+s4], $0x100, $0x38;
	[tilespmem:$0x15C00] =	vst v63  }
0x39: {  	_ =	swait.ge [sflag:s16], $0x1900  }
0x3a: {  	[sflag:s16] =	ssyncset.done $0x0  }
0x3b: {  	s17 =	simm.s32 $0x1C00;
	[sflag:s16] =	ssyncadd.s32 $0xFFFFE700  }
0x3c: {  	[tilespmem:s17], [sflag:$0x1] =	stream.indirect.gather [hbm4b:s1+s15], $0x80, s4, s15, $0xb8;
	[tilespmem:$0x15C00] =	vst v63  }
0x3d: {  	s19 =	simm.s32 $0x3C00  }
0x3e: {  	[tilespmem:s19], [sflag:$0x2] =	stream.indirect.gather [hbm4b:s1+s15], $0x80, s15, s15, $0xb8;
	[tilespmem:$0x15C00] =	vst v63  }
0x3f: {  	s21 =	simm.s32 $0x80;
	s23 =	simm.s32 $0x5C00  }
0x40: {  	[tilespmem:s23], [sflag:$0x3] =	stream.indirect.gather [hbm4b:s1+s15], $0x80, s21, s15, $0xb8;
	[tilespmem:$0x15C00] =	vst v63  }
0x41: {  	s25 =	simm.s32 $0xC0;
	s30 =	simm.s32 $0x7C00  }
0x42: {  	[tilespmem:s30], [sflag:$0x4] =	stream.indirect.gather [hbm4b:s1+s15], $0x80, s25, s15, $0xb8;
	[tilespmem:$0x15C00] =	vst v63  }
0x43: {  	s10 =	simm.s32 $0x100;
	s14 =	simm.s32 $0x9C00  }
0x44: {  	[tilespmem:s14], [sflag:$0x5] =	stream.indirect.gather [hbm4b:s1+s15], $0x80, s10, s15, $0xb8;
	[tilespmem:$0x15C00] =	vst v63  }
0x45: {  	s16 =	simm.s32 $0x140;
	s17 =	simm.s32 $0xBC00  }
0x46: {  	[tilespmem:s17], [sflag:$0x6] =	stream.indirect.gather [hbm4b:s1+s15], $0x80, s16, s15, $0xb8;
	[tilespmem:$0x15C00] =	vst v63  }
0x47: {  	s19 =	simm.s32 $0x180  }
0x48: {  	[tilespmem:s28], [sflag:$0x7] =	stream.indirect.gather [hbm4b:s1+s15], $0x80, s19, s15, $0xb8;
	[tilespmem:$0x15C00] =	vst v63  }
0x49: {  	s21 =	simm.s32 $0x1C0;
	s23 =	simm.s32 $0xFC00  }
0x4a: {  	[tilespmem:s23], [sflag:$0x8] =	stream.indirect.gather [hbm4b:s1+s15], $0x80, s21, s15, $0xb8;
	[tilespmem:$0x15C00] =	vst v63  }
0x4b: {  	s25 =	simm.s32 $0x200  }
0x4c: {  	[tilespmem:s0], [sflag:$0x9] =	stream.indirect.gather [hbm4b:s1+s15], $0x80, s25, s15, $0xb8;
	[tilespmem:$0x15C00] =	vst v63  }
0x4d: {  	s7 =	simm.s32 $0x0;
	s30 =	simm.s32 $0x240  }
0x4e: {  	[tilespmem:s11], [sflag:$0xA] =	stream.indirect.gather [hbm4b:s1+s15], $0x80, s30, s15, $0xb8;
	[tilespmem:$0x15C00] =	vst v63  }
.LBB2_2:
0x4f: {  	_ =	swait.ge [sflag:s12], $0x2000  }
0x50: {  	[sflag:s12] =	ssyncset.done $0x0  }
0x51: {  	s10 =	simm.s32 $0x0;
	[sflag:s12] =	ssyncadd.s32 $0xFFFFE000  }
0x52: {  	v2 =	vld [tilespmem:s10+$0x1C00]  }
0x53: {  	v5 =	vld [tilespmem:s10+$0x1C10]  }
0x54: {  	v4 =	vld [tilespmem:s10+$0x1C20]  }
0x55: {  	v3 =	vld [tilespmem:s10+$0x1C30]  }
0x56: {  	v0 =	vld [tilespmem:s10+$0x1C40]  }
0x57: {  	v1 =	vld [tilespmem:s10+$0x1C50];
	v6 =	vmul.f32 $1.131370830e+01, v2  }
0x58: {  	s14 =	simm.s32 $0x200;
	v5 =	vmul.f32 $1.131370830e+01, v5;
	v2 =	vld [tilespmem:s10+$0x1C60]  }
.LBB2_3:
0x59: {  	s16 =	sshra.s32 s14, $0x2;
	p0 =	sne.s32 s14, $0x7E00;
	[tilespmem:s10+$0x1C00] =	vst v6;
	v4 =	vmul.f32 $1.131370830e+01, v4;
	v6 =	vld [tilespmem:s10+$0x1C70]  }
0x5a: {  	v7 =	vld [tilespmem:s16+$0x1C00];
	[tilespmem:s10+$0x1C10] =	vst v5;
	v3 =	vmul.f32 $1.131370830e+01, v3  }
0x5b: {  	v5 =	vld [tilespmem:s16+$0x1C10];
	[tilespmem:s10+$0x1C20] =	vst v4;
	v0 =	vmul.f32 $1.131370830e+01, v0  }
.Ltmp2:
0x5c: {  	v4 =	vld [tilespmem:s16+$0x1C20];
	[tilespmem:s10+$0x1C30] =	vst v3;
	v1 =	vmul.f32 $1.131370830e+01, v1;
	(pc) =	sbr.rel @p0 .LBB2_3-.Ltmp2, $4  }
0x5d: {  	v3 =	vld [tilespmem:s16+$0x1C30];
	[tilespmem:s10+$0x1C40] =	vst v0;
	v2 =	vmul.f32 $1.131370830e+01, v2  }
0x5e: {  	v0 =	vld [tilespmem:s16+$0x1C40];
	[tilespmem:s10+$0x1C50] =	vst v1;
	v8 =	vmul.f32 $1.131370830e+01, v6  }
0x5f: {  	v6 =	vmul.f32 $1.131370830e+01, v7;
	v1 =	vld [tilespmem:s16+$0x1C50];
	[tilespmem:s10+$0x1C60] =	vst v2  }
0x60: {  	s14 =	sadd.s32 $0x200, s14;
	v5 =	vmul.f32 $1.131370830e+01, v5;
	v2 =	vld [tilespmem:s16+$0x1C60];
	[tilespmem:s10+$0x1C70] =	vst v8;
	s10 =	smov.u32 s16  }
0x61: {  	[tilespmem:s10+$0x1C00] =	vst v6;
	v4 =	vmul.f32 $1.131370830e+01, v4;
	v6 =	vld [tilespmem:s10+$0x1C70]  }
0x62: {  	[tilespmem:s10+$0x1C10] =	vst v5;
	v3 =	vmul.f32 $1.131370830e+01, v3  }
0x63: {  	[tilespmem:s10+$0x1C20] =	vst v4;
	v0 =	vmul.f32 $1.131370830e+01, v0  }
0x64: {  	s17 =	smul.u32 $0x280000, s7;
	[tilespmem:s10+$0x1C30] =	vst v3;
	v1 =	vmul.f32 $1.131370830e+01, v1  }
0x65: {  	[tilespmem:s10+$0x1C40] =	vst v0;
	v0 =	vmul.f32 $1.131370830e+01, v2  }
0x66: {  	s14 =	sor.u32 s6, s17;
	[tilespmem:s10+$0x1C50] =	vst v1;
	v1 =	vmul.f32 $1.131370830e+01, v6  }
0x67: {  	s30 =	simm.s32 $0x1C00;
	p0 =	seq.s32 s7, $0x0;
	s14 =	sshrl.u32 s14, $0x3;
	[tilespmem:s10+$0x1C60] =	vst v0  }
0x68: {  	s16 =	smul.u32 $0xA, s7;
	s25 =	sadd.s32 s2, s14;
	s14 =	simm.s32 @!p0 $0x12;
	[tilespmem:s10+$0x1C70] =	vst v1  }
0x69: {  	[hbm4b:s25+s4] =	stream.linear.scatter [tilespmem:s30], [sflag:$0xB], $0x2000, $0x38;
	[tilespmem:$0x15C00] =	vst v63  }
0x6a: {  	s10 =	sadd.s32 $0x7, s16;
	_ =	swait.ge @!p0 [sflag:s14], $0x2000  }
0x6b: {  	s19 =	sshll.u32 @!p0 s10, $0x6;
	[sflag:s14] =	ssyncset.done @!p0 $0x0  }
0x6c: {  	[sflag:s14] =	ssyncadd.s32 @!p0 $0xFFFFE000;
	s14 =	sand.u32 @!p0 $0x7F80, s19  }
0x6d: {  	s21 =	simm.s32 @!p0 $0xFC00;
	s19 =	simm.s32 @!p0 $0x40;
	s14 =	sor.u32 @!p0 $0x40, s14  }
0x6e: {  	[tilespmem:s21], [sflag:$0x8] =	stream.indirect.gather @!p0 [hbm4b:s1+s19], $0x80, s14, s19, $0xb8;
	[tilespmem:$0x15C00] =	vst v63  }
0x6f: {  	_ =	swait.ge [sflag:s13], $0x2000  }
0x70: {  	[sflag:s13] =	ssyncset.done $0x0  }
0x71: {  	s14 =	simm.s32 $0x0;
	[sflag:s13] =	ssyncadd.s32 $0xFFFFE000  }
0x72: {  	v3 =	vld [tilespmem:s14+$0x3C00]  }
0x73: {  	v5 =	vld [tilespmem:s14+$0x3C10]  }
0x74: {  	v4 =	vld [tilespmem:s14+$0x3C20]  }
0x75: {  	v2 =	vld [tilespmem:s14+$0x3C30]  }
0x76: {  	v0 =	vld [tilespmem:s14+$0x3C40]  }
0x77: {  	v1 =	vld [tilespmem:s14+$0x3C50];
	v6 =	vmul.f32 $1.131370830e+01, v3  }
0x78: {  	s19 =	simm.s32 $0x200;
	v5 =	vmul.f32 $1.131370830e+01, v5;
	v3 =	vld [tilespmem:s14+$0x3C60]  }
.LBB2_5:
0x79: {  	s21 =	sshra.s32 s19, $0x2;
	p1 =	sne.s32 s19, $0x7E00;
	[tilespmem:s14+$0x3C00] =	vst v6;
	v4 =	vmul.f32 $1.131370830e+01, v4;
	v6 =	vld [tilespmem:s14+$0x3C70]  }
0x7a: {  	v7 =	vld [tilespmem:s21+$0x3C00];
	[tilespmem:s14+$0x3C10] =	vst v5;
	v2 =	vmul.f32 $1.131370830e+01, v2  }
0x7b: {  	v5 =	vld [tilespmem:s21+$0x3C10];
	[tilespmem:s14+$0x3C20] =	vst v4;
	v0 =	vmul.f32 $1.131370830e+01, v0  }
.Ltmp3:
0x7c: {  	v4 =	vld [tilespmem:s21+$0x3C20];
	[tilespmem:s14+$0x3C30] =	vst v2;
	v1 =	vmul.f32 $1.131370830e+01, v1;
	(pc) =	sbr.rel @p1 .LBB2_5-.Ltmp3, $4  }
0x7d: {  	v2 =	vld [tilespmem:s21+$0x3C30];
	[tilespmem:s14+$0x3C40] =	vst v0;
	v3 =	vmul.f32 $1.131370830e+01, v3  }
0x7e: {  	v0 =	vld [tilespmem:s21+$0x3C40];
	[tilespmem:s14+$0x3C50] =	vst v1;
	v8 =	vmul.f32 $1.131370830e+01, v6  }
0x7f: {  	v6 =	vmul.f32 $1.131370830e+01, v7;
	v1 =	vld [tilespmem:s21+$0x3C50];
	[tilespmem:s14+$0x3C60] =	vst v3  }
0x80: {  	s19 =	sadd.s32 $0x200, s19;
	v5 =	vmul.f32 $1.131370830e+01, v5;
	v3 =	vld [tilespmem:s21+$0x3C60];
	[tilespmem:s14+$0x3C70] =	vst v8;
	s14 =	smov.u32 s21  }
0x81: {  	[tilespmem:s14+$0x3C00] =	vst v6;
	v4 =	vmul.f32 $1.131370830e+01, v4;
	v6 =	vld [tilespmem:s14+$0x3C70]  }
0x82: {  	[tilespmem:s14+$0x3C10] =	vst v5;
	v2 =	vmul.f32 $1.131370830e+01, v2  }
0x83: {  	[tilespmem:s14+$0x3C20] =	vst v4;
	v0 =	vmul.f32 $1.131370830e+01, v0  }
0x84: {  	[tilespmem:s14+$0x3C30] =	vst v2;
	v1 =	vmul.f32 $1.131370830e+01, v1  }
0x85: {  	[tilespmem:s14+$0x3C40] =	vst v0;
	v0 =	vmul.f32 $1.131370830e+01, v3  }
0x86: {  	s19 =	sor.u32 s8, s17;
	[tilespmem:s14+$0x3C50] =	vst v1;
	v1 =	vmul.f32 $1.131370830e+01, v6  }
0x87: {  	s19 =	sshrl.u32 s19, $0x3;
	[tilespmem:s14+$0x3C60] =	vst v0  }
0x88: {  	s30 =	simm.s32 $0x3C00;
	s25 =	sadd.s32 s2, s19;
	s19 =	simm.s32 @!p0 $0x13;
	[tilespmem:s14+$0x3C70] =	vst v1  }
0x89: {  	[hbm4b:s25+s4] =	stream.linear.scatter [tilespmem:s30], [sflag:$0xC], $0x2000, $0x38;
	[tilespmem:$0x15C00] =	vst v63  }
0x8a: {  	_ =	swait.ge @!p0 [sflag:s19], $0x2000  }
0x8b: {  	s14 =	sadd.s32 $0x8, s16;
	[sflag:s19] =	ssyncset.done @!p0 $0x0  }
0x8c: {  	[sflag:s19] =	ssyncadd.s32 @!p0 $0xFFFFE000;
	s19 =	sshll.u32 @!p0 s14, $0x6  }
0x8d: {  	s21 =	simm.s32 @!p0 $0x40;
	s23 =	simm.s32 @!p0 $0x11C00;
	s19 =	sand.u32 @!p0 $0x3FFFFFC0, s19  }
0x8e: {  	[tilespmem:s23], [sflag:$0x9] =	stream.indirect.gather @!p0 [hbm4b:s1+s21], $0x80, s19, s21, $0xb8;
	[tilespmem:$0x15C00] =	vst v63  }
0x8f: {  	_ =	swait.ge [sflag:s18], $0x2000  }
0x90: {  	[sflag:s18] =	ssyncset.done $0x0  }
0x91: {  	s21 =	simm.s32 $0x0;
	[sflag:s18] =	ssyncadd.s32 $0xFFFFE000  }
0x92: {  	v3 =	vld [tilespmem:s21+$0x5C00]  }
0x93: {  	v5 =	vld [tilespmem:s21+$0x5C10]  }
0x94: {  	v4 =	vld [tilespmem:s21+$0x5C20]  }
0x95: {  	v2 =	vld [tilespmem:s21+$0x5C30]  }
0x96: {  	v0 =	vld [tilespmem:s21+$0x5C40]  }
0x97: {  	v1 =	vld [tilespmem:s21+$0x5C50];
	v6 =	vmul.f32 $1.131370830e+01, v3  }
0x98: {  	s19 =	simm.s32 $0x200;
	v5 =	vmul.f32 $1.131370830e+01, v5;
	v3 =	vld [tilespmem:s21+$0x5C60]  }
.LBB2_7:
0x99: {  	s23 =	sshra.s32 s19, $0x2;
	p1 =	sne.s32 s19, $0x7E00;
	[tilespmem:s21+$0x5C00] =	vst v6;
	v4 =	vmul.f32 $1.131370830e+01, v4;
	v6 =	vld [tilespmem:s21+$0x5C70]  }
0x9a: {  	v7 =	vld [tilespmem:s23+$0x5C00];
	[tilespmem:s21+$0x5C10] =	vst v5;
	v2 =	vmul.f32 $1.131370830e+01, v2  }
0x9b: {  	v5 =	vld [tilespmem:s23+$0x5C10];
	[tilespmem:s21+$0x5C20] =	vst v4;
	v0 =	vmul.f32 $1.131370830e+01, v0  }
.Ltmp4:
0x9c: {  	v4 =	vld [tilespmem:s23+$0x5C20];
	[tilespmem:s21+$0x5C30] =	vst v2;
	v1 =	vmul.f32 $1.131370830e+01, v1;
	(pc) =	sbr.rel @p1 .LBB2_7-.Ltmp4, $4  }
0x9d: {  	v2 =	vld [tilespmem:s23+$0x5C30];
	[tilespmem:s21+$0x5C40] =	vst v0;
	v3 =	vmul.f32 $1.131370830e+01, v3  }
0x9e: {  	v0 =	vld [tilespmem:s23+$0x5C40];
	[tilespmem:s21+$0x5C50] =	vst v1;
	v8 =	vmul.f32 $1.131370830e+01, v6  }
0x9f: {  	v6 =	vmul.f32 $1.131370830e+01, v7;
	v1 =	vld [tilespmem:s23+$0x5C50];
	[tilespmem:s21+$0x5C60] =	vst v3  }
0xa0: {  	s19 =	sadd.s32 $0x200, s19;
	v5 =	vmul.f32 $1.131370830e+01, v5;
	v3 =	vld [tilespmem:s23+$0x5C60];
	[tilespmem:s21+$0x5C70] =	vst v8;
	s21 =	smov.u32 s23  }
0xa1: {  	[tilespmem:s21+$0x5C00] =	vst v6;
	v4 =	vmul.f32 $1.131370830e+01, v4;
	v6 =	vld [tilespmem:s21+$0x5C70]  }
0xa2: {  	[tilespmem:s21+$0x5C10] =	vst v5;
	v2 =	vmul.f32 $1.131370830e+01, v2  }
0xa3: {  	[tilespmem:s21+$0x5C20] =	vst v4;
	v0 =	vmul.f32 $1.131370830e+01, v0  }
0xa4: {  	[tilespmem:s21+$0x5C30] =	vst v2;
	v1 =	vmul.f32 $1.131370830e+01, v1  }
0xa5: {  	s19 =	sadd.s32 $0x80000, s17;
	[tilespmem:s21+$0x5C40] =	vst v0;
	v0 =	vmul.f32 $1.131370830e+01, v3  }
0xa6: {  	s23 =	sor.u32 s6, s19;
	[tilespmem:s21+$0x5C50] =	vst v1;
	v1 =	vmul.f32 $1.131370830e+01, v6  }
0xa7: {  	s23 =	sshrl.u32 s23, $0x3;
	[tilespmem:s21+$0x5C60] =	vst v0  }
0xa8: {  	s30 =	simm.s32 $0x5C00;
	s25 =	sadd.s32 s2, s23;
	[tilespmem:s21+$0x5C70] =	vst v1;
	s21 =	simm.s32 @!p0 $0x14  }
0xa9: {  	[hbm4b:s25+s4] =	stream.linear.scatter [tilespmem:s30], [sflag:$0xD], $0x2000, $0x38;
	[tilespmem:$0x15C00] =	vst v63  }
0xaa: {  	s16 =	sadd.s32 $0x9, s16;
	_ =	swait.ge @!p0 [sflag:s21], $0x2000  }
0xab: {  	s23 =	sshll.u32 @!p0 s16, $0x6;
	[sflag:s21] =	ssyncset.done @!p0 $0x0  }
0xac: {  	[sflag:s21] =	ssyncadd.s32 @!p0 $0xFFFFE000;
	s21 =	sand.u32 @!p0 $0x7F80, s23  }
0xad: {  	s25 =	simm.s32 @!p0 $0x13C00;
	s23 =	simm.s32 @!p0 $0x40;
	s21 =	sor.u32 @!p0 $0x40, s21  }
0xae: {  	[tilespmem:s25], [sflag:$0xA] =	stream.indirect.gather @!p0 [hbm4b:s1+s23], $0x80, s21, s23, $0xb8;
	[tilespmem:$0x15C00] =	vst v63  }
0xaf: {  	_ =	swait.ge [sflag:s20], $0x2000  }
0xb0: {  	[sflag:s20] =	ssyncset.done $0x0  }
0xb1: {  	s21 =	simm.s32 $0x0;
	[sflag:s20] =	ssyncadd.s32 $0xFFFFE000  }
0xb2: {  	v3 =	vld [tilespmem:s21+$0x7C00]  }
0xb3: {  	v5 =	vld [tilespmem:s21+$0x7C10]  }
0xb4: {  	v4 =	vld [tilespmem:s21+$0x7C20]  }
0xb5: {  	v2 =	vld [tilespmem:s21+$0x7C30]  }
0xb6: {  	v0 =	vld [tilespmem:s21+$0x7C40]  }
0xb7: {  	v1 =	vld [tilespmem:s21+$0x7C50];
	v6 =	vmul.f32 $1.131370830e+01, v3  }
0xb8: {  	s23 =	simm.s32 $0x200;
	v5 =	vmul.f32 $1.131370830e+01, v5;
	v3 =	vld [tilespmem:s21+$0x7C60]  }
.LBB2_9:
0xb9: {  	s25 =	sshra.s32 s23, $0x2;
	p0 =	sne.s32 s23, $0x7E00;
	[tilespmem:s21+$0x7C00] =	vst v6;
	v4 =	vmul.f32 $1.131370830e+01, v4;
	v6 =	vld [tilespmem:s21+$0x7C70]  }
0xba: {  	v7 =	vld [tilespmem:s25+$0x7C00];
	[tilespmem:s21+$0x7C10] =	vst v5;
	v2 =	vmul.f32 $1.131370830e+01, v2  }
0xbb: {  	v5 =	vld [tilespmem:s25+$0x7C10];
	[tilespmem:s21+$0x7C20] =	vst v4;
	v0 =	vmul.f32 $1.131370830e+01, v0  }
.Ltmp5:
0xbc: {  	v4 =	vld [tilespmem:s25+$0x7C20];
	[tilespmem:s21+$0x7C30] =	vst v2;
	v1 =	vmul.f32 $1.131370830e+01, v1;
	(pc) =	sbr.rel @p0 .LBB2_9-.Ltmp5, $4  }
0xbd: {  	v2 =	vld [tilespmem:s25+$0x7C30];
	[tilespmem:s21+$0x7C40] =	vst v0;
	v3 =	vmul.f32 $1.131370830e+01, v3  }
0xbe: {  	v0 =	vld [tilespmem:s25+$0x7C40];
	[tilespmem:s21+$0x7C50] =	vst v1;
	v8 =	vmul.f32 $1.131370830e+01, v6  }
0xbf: {  	v6 =	vmul.f32 $1.131370830e+01, v7;
	v1 =	vld [tilespmem:s25+$0x7C50];
	[tilespmem:s21+$0x7C60] =	vst v3  }
0xc0: {  	s23 =	sadd.s32 $0x200, s23;
	v5 =	vmul.f32 $1.131370830e+01, v5;
	v3 =	vld [tilespmem:s25+$0x7C60];
	[tilespmem:s21+$0x7C70] =	vst v8;
	s21 =	smov.u32 s25  }
0xc1: {  	[tilespmem:s21+$0x7C00] =	vst v6;
	v4 =	vmul.f32 $1.131370830e+01, v4;
	v6 =	vld [tilespmem:s21+$0x7C70]  }
0xc2: {  	[tilespmem:s21+$0x7C10] =	vst v5;
	v2 =	vmul.f32 $1.131370830e+01, v2  }
0xc3: {  	[tilespmem:s21+$0x7C20] =	vst v4;
	v0 =	vmul.f32 $1.131370830e+01, v0  }
0xc4: {  	[tilespmem:s21+$0x7C30] =	vst v2;
	v1 =	vmul.f32 $1.131370830e+01, v1  }
0xc5: {  	[tilespmem:s21+$0x7C40] =	vst v0;
	v0 =	vmul.f32 $1.131370830e+01, v3  }
0xc6: {  	s19 =	sor.u32 s8, s19;
	[tilespmem:s21+$0x7C50] =	vst v1;
	v1 =	vmul.f32 $1.131370830e+01, v6  }
0xc7: {  	s19 =	sshrl.u32 s19, $0x3;
	[tilespmem:s21+$0x7C60] =	vst v0  }
0xc8: {  	s30 =	simm.s32 $0x7C00;
	p0 =	seq.s32 s7, $0x9;
	s19 =	sadd.s32 s2, s19;
	[tilespmem:s21+$0x7C70] =	vst v1  }
0xc9: {  	[hbm4b:s19+s4] =	stream.linear.scatter [tilespmem:s30], [sflag:$0xE], $0x2000, $0x38;
	[tilespmem:$0x15C00] =	vst v63  }
0xca: {  	s19 =	simm.s32 @!p0 $0xB  }
0xcb: {  	s21 =	smul.u32 @!p0 $0xA00, s7;
	_ =	swait.ge @!p0 [sflag:s19], $0x2000  }
0xcc: {  	[sflag:s19] =	ssyncset.done @!p0 $0x0  }
0xcd: {  	[sflag:s19] =	ssyncadd.s32 @!p0 $0xFFFFE000;
	s19 =	sshra.s32 @!p0 s21, $0x2  }
0xce: {  	s23 =	simm.s32 @!p0 $0x40;
	s25 =	simm.s32 @!p0 $0x1C00;
	s21 =	sadd.s32 @!p0 $0x280, s19  }
0xcf: {  	[tilespmem:s25], [sflag:$0x1] =	stream.indirect.gather @!p0 [hbm4b:s1+s23], $0x80, s21, s23, $0xb8;
	[tilespmem:$0x15C00] =	vst v63  }
0xd0: {  	_ =	swait.ge [sflag:s22], $0x2000  }
0xd1: {  	[sflag:s22] =	ssyncset.done $0x0  }
0xd2: {  	s23 =	simm.s32 $0x0;
	[sflag:s22] =	ssyncadd.s32 $0xFFFFE000  }
0xd3: {  	v3 =	vld [tilespmem:s23+$0x9C00]  }
0xd4: {  	v5 =	vld [tilespmem:s23+$0x9C10]  }
0xd5: {  	v4 =	vld [tilespmem:s23+$0x9C20]  }
0xd6: {  	v2 =	vld [tilespmem:s23+$0x9C30]  }
0xd7: {  	v0 =	vld [tilespmem:s23+$0x9C40]  }
0xd8: {  	v1 =	vld [tilespmem:s23+$0x9C50];
	v6 =	vmul.f32 $1.131370830e+01, v3  }
0xd9: {  	s21 =	simm.s32 $0x200;
	v5 =	vmul.f32 $1.131370830e+01, v5;
	v3 =	vld [tilespmem:s23+$0x9C60]  }
.LBB2_11:
0xda: {  	s25 =	sshra.s32 s21, $0x2;
	p1 =	sne.s32 s21, $0x7E00;
	[tilespmem:s23+$0x9C00] =	vst v6;
	v4 =	vmul.f32 $1.131370830e+01, v4;
	v6 =	vld [tilespmem:s23+$0x9C70]  }
0xdb: {  	v7 =	vld [tilespmem:s25+$0x9C00];
	[tilespmem:s23+$0x9C10] =	vst v5;
	v2 =	vmul.f32 $1.131370830e+01, v2  }
0xdc: {  	v5 =	vld [tilespmem:s25+$0x9C10];
	[tilespmem:s23+$0x9C20] =	vst v4;
	v0 =	vmul.f32 $1.131370830e+01, v0  }
.Ltmp6:
0xdd: {  	v4 =	vld [tilespmem:s25+$0x9C20];
	[tilespmem:s23+$0x9C30] =	vst v2;
	v1 =	vmul.f32 $1.131370830e+01, v1;
	(pc) =	sbr.rel @p1 .LBB2_11-.Ltmp6, $4  }
0xde: {  	v2 =	vld [tilespmem:s25+$0x9C30];
	[tilespmem:s23+$0x9C40] =	vst v0;
	v3 =	vmul.f32 $1.131370830e+01, v3  }
0xdf: {  	v0 =	vld [tilespmem:s25+$0x9C40];
	[tilespmem:s23+$0x9C50] =	vst v1;
	v8 =	vmul.f32 $1.131370830e+01, v6  }
0xe0: {  	v6 =	vmul.f32 $1.131370830e+01, v7;
	v1 =	vld [tilespmem:s25+$0x9C50];
	[tilespmem:s23+$0x9C60] =	vst v3  }
0xe1: {  	s21 =	sadd.s32 $0x200, s21;
	v5 =	vmul.f32 $1.131370830e+01, v5;
	v3 =	vld [tilespmem:s25+$0x9C60];
	[tilespmem:s23+$0x9C70] =	vst v8;
	s23 =	smov.u32 s25  }
0xe2: {  	[tilespmem:s23+$0x9C00] =	vst v6;
	v4 =	vmul.f32 $1.131370830e+01, v4;
	v6 =	vld [tilespmem:s23+$0x9C70]  }
0xe3: {  	[tilespmem:s23+$0x9C10] =	vst v5;
	v2 =	vmul.f32 $1.131370830e+01, v2  }
0xe4: {  	[tilespmem:s23+$0x9C20] =	vst v4;
	v0 =	vmul.f32 $1.131370830e+01, v0  }
0xe5: {  	[tilespmem:s23+$0x9C30] =	vst v2;
	v1 =	vmul.f32 $1.131370830e+01, v1  }
0xe6: {  	s21 =	sadd.s32 $0x100000, s17;
	[tilespmem:s23+$0x9C40] =	vst v0;
	v0 =	vmul.f32 $1.131370830e+01, v3  }
0xe7: {  	s25 =	sor.u32 s6, s21;
	[tilespmem:s23+$0x9C50] =	vst v1;
	v1 =	vmul.f32 $1.131370830e+01, v6  }
0xe8: {  	s25 =	sshrl.u32 s25, $0x3;
	[tilespmem:s23+$0x9C60] =	vst v0  }
0xe9: {  	s30 =	simm.s32 $0x9C00;
	s25 =	sadd.s32 s2, s25;
	[tilespmem:s23+$0x9C70] =	vst v1;
	s23 =	simm.s32 @!p0 $0xC  }
0xea: {  	[hbm4b:s25+s4] =	stream.linear.scatter [tilespmem:s30], [sflag:$0xF], $0x2000, $0x38;
	[tilespmem:$0x15C00] =	vst v63  }
0xeb: {  	_ =	swait.ge @!p0 [sflag:s23], $0x2000  }
0xec: {  	s25 =	simm.s32 @!p0 $0x40;
	[sflag:s23] =	ssyncset.done @!p0 $0x0  }
0xed: {  	s30 =	simm.s32 @!p0 $0x3C00;
	[sflag:s23] =	ssyncadd.s32 @!p0 $0xFFFFE000;
	s23 =	sadd.s32 @!p0 $0x2C0, s19  }
0xee: {  	[tilespmem:s30], [sflag:$0x2] =	stream.indirect.gather @!p0 [hbm4b:s1+s25], $0x80, s23, s25, $0xb8;
	[tilespmem:$0x15C00] =	vst v63  }
0xef: {  	_ =	swait.ge [sflag:s24], $0x2000  }
0xf0: {  	[sflag:s24] =	ssyncset.done $0x0  }
0xf1: {  	s23 =	simm.s32 $0x0;
	[sflag:s24] =	ssyncadd.s32 $0xFFFFE000  }
0xf2: {  	v3 =	vld [tilespmem:s23+$0xBC00]  }
0xf3: {  	v5 =	vld [tilespmem:s23+$0xBC10]  }
0xf4: {  	v4 =	vld [tilespmem:s23+$0xBC20]  }
0xf5: {  	v2 =	vld [tilespmem:s23+$0xBC30]  }
0xf6: {  	v0 =	vld [tilespmem:s23+$0xBC40]  }
0xf7: {  	v1 =	vld [tilespmem:s23+$0xBC50];
	v6 =	vmul.f32 $1.131370830e+01, v3  }
0xf8: {  	s25 =	simm.s32 $0x200;
	v5 =	vmul.f32 $1.131370830e+01, v5;
	v3 =	vld [tilespmem:s23+$0xBC60]  }
.LBB2_13:
0xf9: {  	s30 =	sshra.s32 s25, $0x2;
	p1 =	sne.s32 s25, $0x7E00;
	[tilespmem:s23+$0xBC00] =	vst v6;
	v4 =	vmul.f32 $1.131370830e+01, v4;
	v6 =	vld [tilespmem:s23+$0xBC70]  }
0xfa: {  	v7 =	vld [tilespmem:s30+$0xBC00];
	[tilespmem:s23+$0xBC10] =	vst v5;
	v2 =	vmul.f32 $1.131370830e+01, v2  }
0xfb: {  	v5 =	vld [tilespmem:s30+$0xBC10];
	[tilespmem:s23+$0xBC20] =	vst v4;
	v0 =	vmul.f32 $1.131370830e+01, v0  }
.Ltmp7:
0xfc: {  	v4 =	vld [tilespmem:s30+$0xBC20];
	[tilespmem:s23+$0xBC30] =	vst v2;
	v1 =	vmul.f32 $1.131370830e+01, v1;
	(pc) =	sbr.rel @p1 .LBB2_13-.Ltmp7, $4  }
0xfd: {  	v2 =	vld [tilespmem:s30+$0xBC30];
	[tilespmem:s23+$0xBC40] =	vst v0;
	v3 =	vmul.f32 $1.131370830e+01, v3  }
0xfe: {  	v0 =	vld [tilespmem:s30+$0xBC40];
	[tilespmem:s23+$0xBC50] =	vst v1;
	v8 =	vmul.f32 $1.131370830e+01, v6  }
0xff: {  	v6 =	vmul.f32 $1.131370830e+01, v7;
	v1 =	vld [tilespmem:s30+$0xBC50];
	[tilespmem:s23+$0xBC60] =	vst v3  }
0x100: {  	s25 =	sadd.s32 $0x200, s25;
	v5 =	vmul.f32 $1.131370830e+01, v5;
	v3 =	vld [tilespmem:s30+$0xBC60];
	[tilespmem:s23+$0xBC70] =	vst v8;
	s23 =	smov.u32 s30  }
0x101: {  	[tilespmem:s23+$0xBC00] =	vst v6;
	v4 =	vmul.f32 $1.131370830e+01, v4;
	v6 =	vld [tilespmem:s23+$0xBC70]  }
0x102: {  	[tilespmem:s23+$0xBC10] =	vst v5;
	v2 =	vmul.f32 $1.131370830e+01, v2  }
0x103: {  	[tilespmem:s23+$0xBC20] =	vst v4;
	v0 =	vmul.f32 $1.131370830e+01, v0  }
0x104: {  	[tilespmem:s23+$0xBC30] =	vst v2;
	v1 =	vmul.f32 $1.131370830e+01, v1  }
0x105: {  	[tilespmem:s23+$0xBC40] =	vst v0;
	v0 =	vmul.f32 $1.131370830e+01, v3  }
0x106: {  	s21 =	sor.u32 s8, s21;
	[tilespmem:s23+$0xBC50] =	vst v1;
	v1 =	vmul.f32 $1.131370830e+01, v6  }
0x107: {  	s21 =	sshrl.u32 s21, $0x3;
	[tilespmem:s23+$0xBC60] =	vst v0  }
0x108: {  	s30 =	simm.s32 $0xBC00;
	s21 =	sadd.s32 s2, s21;
	[tilespmem:s23+$0xBC70] =	vst v1  }
0x109: {  	[hbm4b:s21+s4] =	stream.linear.scatter [tilespmem:s30], [sflag:$0x10], $0x2000, $0x38;
	[tilespmem:$0x15C00] =	vst v63  }
0x10a: {  	s21 =	simm.s32 @!p0 $0xD  }
0x10b: {  	_ =	swait.ge @!p0 [sflag:s21], $0x2000  }
0x10c: {  	s25 =	simm.s32 @!p0 $0x5C00;
	[sflag:s21] =	ssyncset.done @!p0 $0x0  }
0x10d: {  	s23 =	simm.s32 @!p0 $0x40;
	[sflag:s21] =	ssyncadd.s32 @!p0 $0xFFFFE000;
	s21 =	sadd.s32 @!p0 $0x300, s19  }
0x10e: {  	[tilespmem:s25], [sflag:$0x3] =	stream.indirect.gather @!p0 [hbm4b:s1+s23], $0x80, s21, s23, $0xb8;
	[tilespmem:$0x15C00] =	vst v63  }
0x10f: {  	_ =	swait.ge [sflag:s26], $0x2000  }
0x110: {  	[sflag:s26] =	ssyncset.done $0x0  }
0x111: {  	s21 =	simm.s32 $0x0;
	[sflag:s26] =	ssyncadd.s32 $0xFFFFE000  }
0x112: {  	v3 =	vld [tilespmem:s21+$0xDC00]  }
0x113: {  	v5 =	vld [tilespmem:s21+$0xDC10]  }
0x114: {  	v4 =	vld [tilespmem:s21+$0xDC20]  }
0x115: {  	v2 =	vld [tilespmem:s21+$0xDC30]  }
0x116: {  	v0 =	vld [tilespmem:s21+$0xDC40]  }
0x117: {  	v1 =	vld [tilespmem:s21+$0xDC50];
	v6 =	vmul.f32 $1.131370830e+01, v3  }
0x118: {  	s23 =	simm.s32 $0x200;
	v5 =	vmul.f32 $1.131370830e+01, v5;
	v3 =	vld [tilespmem:s21+$0xDC60]  }
.LBB2_15:
0x119: {  	s25 =	sshra.s32 s23, $0x2;
	p1 =	sne.s32 s23, $0x7E00;
	[tilespmem:s21+$0xDC00] =	vst v6;
	v4 =	vmul.f32 $1.131370830e+01, v4;
	v6 =	vld [tilespmem:s21+$0xDC70]  }
0x11a: {  	v7 =	vld [tilespmem:s25+$0xDC00];
	[tilespmem:s21+$0xDC10] =	vst v5;
	v2 =	vmul.f32 $1.131370830e+01, v2  }
0x11b: {  	v5 =	vld [tilespmem:s25+$0xDC10];
	[tilespmem:s21+$0xDC20] =	vst v4;
	v0 =	vmul.f32 $1.131370830e+01, v0  }
.Ltmp8:
0x11c: {  	v4 =	vld [tilespmem:s25+$0xDC20];
	[tilespmem:s21+$0xDC30] =	vst v2;
	v1 =	vmul.f32 $1.131370830e+01, v1;
	(pc) =	sbr.rel @p1 .LBB2_15-.Ltmp8, $4  }
0x11d: {  	v2 =	vld [tilespmem:s25+$0xDC30];
	[tilespmem:s21+$0xDC40] =	vst v0;
	v3 =	vmul.f32 $1.131370830e+01, v3  }
0x11e: {  	v0 =	vld [tilespmem:s25+$0xDC40];
	[tilespmem:s21+$0xDC50] =	vst v1;
	v8 =	vmul.f32 $1.131370830e+01, v6  }
0x11f: {  	v6 =	vmul.f32 $1.131370830e+01, v7;
	v1 =	vld [tilespmem:s25+$0xDC50];
	[tilespmem:s21+$0xDC60] =	vst v3  }
0x120: {  	s23 =	sadd.s32 $0x200, s23;
	v5 =	vmul.f32 $1.131370830e+01, v5;
	v3 =	vld [tilespmem:s25+$0xDC60];
	[tilespmem:s21+$0xDC70] =	vst v8;
	s21 =	smov.u32 s25  }
0x121: {  	[tilespmem:s21+$0xDC00] =	vst v6;
	v4 =	vmul.f32 $1.131370830e+01, v4;
	v6 =	vld [tilespmem:s21+$0xDC70]  }
0x122: {  	[tilespmem:s21+$0xDC10] =	vst v5;
	v2 =	vmul.f32 $1.131370830e+01, v2  }
0x123: {  	[tilespmem:s21+$0xDC20] =	vst v4;
	v0 =	vmul.f32 $1.131370830e+01, v0  }
0x124: {  	[tilespmem:s21+$0xDC30] =	vst v2;
	v1 =	vmul.f32 $1.131370830e+01, v1  }
0x125: {  	[tilespmem:s21+$0xDC40] =	vst v0;
	v0 =	vmul.f32 $1.131370830e+01, v3  }
0x126: {  	s17 =	sadd.s32 s9, s17;
	[tilespmem:s21+$0xDC50] =	vst v1;
	v1 =	vmul.f32 $1.131370830e+01, v6  }
0x127: {  	s17 =	sshrl.u32 s17, $0x3;
	[tilespmem:s21+$0xDC60] =	vst v0  }
0x128: {  	s17 =	sadd.s32 s2, s17;
	[tilespmem:s21+$0xDC70] =	vst v1  }
0x129: {  	[hbm4b:s17+s4] =	stream.linear.scatter [tilespmem:s28], [sflag:$0x11], $0x2000, $0x38;
	[tilespmem:$0x15C00] =	vst v63  }
0x12a: {  	s17 =	simm.s32 @!p0 $0xE  }
0x12b: {  	_ =	swait.ge @!p0 [sflag:s17], $0x2000  }
0x12c: {  	s23 =	simm.s32 @!p0 $0x7C00;
	[sflag:s17] =	ssyncset.done @!p0 $0x0  }
0x12d: {  	s21 =	simm.s32 @!p0 $0x40;
	[sflag:s17] =	ssyncadd.s32 @!p0 $0xFFFFE000;
	s17 =	sadd.s32 @!p0 $0x340, s19  }
0x12e: {  	[tilespmem:s23], [sflag:$0x4] =	stream.indirect.gather @!p0 [hbm4b:s1+s21], $0x80, s17, s21, $0xb8;
	[tilespmem:$0x15C00] =	vst v63  }
0x12f: {  	_ =	swait.ge [sflag:s29], $0x2000  }
0x130: {  	[sflag:s29] =	ssyncset.done $0x0  }
0x131: {  	s17 =	simm.s32 $0x0;
	[sflag:s29] =	ssyncadd.s32 $0xFFFFE000  }
0x132: {  	v2 =	vld [tilespmem:s17+$0xFC00]  }
0x133: {  	v5 =	vld [tilespmem:s17+$0xFC10]  }
0x134: {  	v4 =	vld [tilespmem:s17+$0xFC20]  }
0x135: {  	v3 =	vld [tilespmem:s17+$0xFC30]  }
0x136: {  	v0 =	vld [tilespmem:s17+$0xFC40]  }
0x137: {  	v1 =	vld [tilespmem:s17+$0xFC50];
	v6 =	vmul.f32 $1.131370830e+01, v2  }
0x138: {  	s21 =	simm.s32 $0x200;
	v5 =	vmul.f32 $1.131370830e+01, v5;
	v2 =	vld [tilespmem:s17+$0xFC60]  }
.LBB2_17:
0x139: {  	s23 =	sshra.s32 s21, $0x2;
	p1 =	sne.s32 s21, $0x7E00;
	[tilespmem:s17+$0xFC00] =	vst v6;
	v4 =	vmul.f32 $1.131370830e+01, v4;
	v6 =	vld [tilespmem:s17+$0xFC70]  }
0x13a: {  	v7 =	vld [tilespmem:s23+$0xFC00];
	[tilespmem:s17+$0xFC10] =	vst v5;
	v3 =	vmul.f32 $1.131370830e+01, v3  }
0x13b: {  	v5 =	vld [tilespmem:s23+$0xFC10];
	[tilespmem:s17+$0xFC20] =	vst v4;
	v0 =	vmul.f32 $1.131370830e+01, v0  }
.Ltmp9:
0x13c: {  	v4 =	vld [tilespmem:s23+$0xFC20];
	[tilespmem:s17+$0xFC30] =	vst v3;
	v1 =	vmul.f32 $1.131370830e+01, v1;
	(pc) =	sbr.rel @p1 .LBB2_17-.Ltmp9, $4  }
0x13d: {  	v3 =	vld [tilespmem:s23+$0xFC30];
	[tilespmem:s17+$0xFC40] =	vst v0;
	v2 =	vmul.f32 $1.131370830e+01, v2  }
0x13e: {  	v0 =	vld [tilespmem:s23+$0xFC40];
	[tilespmem:s17+$0xFC50] =	vst v1;
	v8 =	vmul.f32 $1.131370830e+01, v6  }
0x13f: {  	v6 =	vmul.f32 $1.131370830e+01, v7;
	v1 =	vld [tilespmem:s23+$0xFC50];
	[tilespmem:s17+$0xFC60] =	vst v2  }
0x140: {  	s21 =	sadd.s32 $0x200, s21;
	v5 =	vmul.f32 $1.131370830e+01, v5;
	v2 =	vld [tilespmem:s23+$0xFC60];
	[tilespmem:s17+$0xFC70] =	vst v8;
	s17 =	smov.u32 s23  }
0x141: {  	[tilespmem:s17+$0xFC00] =	vst v6;
	v4 =	vmul.f32 $1.131370830e+01, v4;
	v6 =	vld [tilespmem:s17+$0xFC70]  }
0x142: {  	[tilespmem:s17+$0xFC10] =	vst v5;
	v3 =	vmul.f32 $1.131370830e+01, v3  }
0x143: {  	[tilespmem:s17+$0xFC20] =	vst v4;
	v0 =	vmul.f32 $1.131370830e+01, v0  }
0x144: {  	s10 =	sshll.u32 s10, $0x12;
	[tilespmem:s17+$0xFC30] =	vst v3;
	v1 =	vmul.f32 $1.131370830e+01, v1  }
0x145: {  	s10 =	sand.u32 $0x7F80000, s10;
	[tilespmem:s17+$0xFC40] =	vst v0;
	v0 =	vmul.f32 $1.131370830e+01, v2  }
0x146: {  	s10 =	sor.u32 s8, s10;
	[tilespmem:s17+$0xFC50] =	vst v1;
	v1 =	vmul.f32 $1.131370830e+01, v6  }
0x147: {  	s10 =	sshrl.u32 s10, $0x3;
	[tilespmem:s17+$0xFC60] =	vst v0  }
0x148: {  	s30 =	simm.s32 $0xFC00;
	s10 =	sadd.s32 s2, s10;
	[tilespmem:s17+$0xFC70] =	vst v1  }
0x149: {  	[hbm4b:s10+s4] =	stream.linear.scatter [tilespmem:s30], [sflag:$0x12], $0x2000, $0x38;
	[tilespmem:$0x15C00] =	vst v63  }
0x14a: {  	s10 =	simm.s32 @!p0 $0xF  }
0x14b: {  	_ =	swait.ge @!p0 [sflag:s10], $0x2000  }
0x14c: {  	s21 =	simm.s32 @!p0 $0x9C00;
	[sflag:s10] =	ssyncset.done @!p0 $0x0  }
0x14d: {  	s17 =	simm.s32 @!p0 $0x40;
	[sflag:s10] =	ssyncadd.s32 @!p0 $0xFFFFE000;
	s10 =	sadd.s32 @!p0 $0x380, s19  }
0x14e: {  	[tilespmem:s21], [sflag:$0x5] =	stream.indirect.gather @!p0 [hbm4b:s1+s17], $0x80, s10, s17, $0xb8;
	[tilespmem:$0x15C00] =	vst v63  }
0x14f: {  	_ =	swait.ge [sflag:s31], $0x2000  }
0x150: {  	[sflag:s31] =	ssyncset.done $0x0  }
0x151: {  	s10 =	simm.s32 $0x0;
	[sflag:s31] =	ssyncadd.s32 $0xFFFFE000  }
0x152: {  	v3 =	vld [tilespmem:s10+$0x11C00]  }
0x153: {  	v5 =	vld [tilespmem:s10+$0x11C10]  }
0x154: {  	v4 =	vld [tilespmem:s10+$0x11C20]  }
0x155: {  	v2 =	vld [tilespmem:s10+$0x11C30]  }
0x156: {  	v0 =	vld [tilespmem:s10+$0x11C40]  }
0x157: {  	v1 =	vld [tilespmem:s10+$0x11C50];
	v6 =	vmul.f32 $1.131370830e+01, v3  }
0x158: {  	s17 =	simm.s32 $0x200;
	v5 =	vmul.f32 $1.131370830e+01, v5;
	v3 =	vld [tilespmem:s10+$0x11C60]  }
.LBB2_19:
0x159: {  	s21 =	sshra.s32 s17, $0x2;
	p1 =	sne.s32 s17, $0x7E00;
	[tilespmem:s10+$0x11C00] =	vst v6;
	v4 =	vmul.f32 $1.131370830e+01, v4;
	v6 =	vld [tilespmem:s10+$0x11C70]  }
0x15a: {  	v7 =	vld [tilespmem:s21+$0x11C00];
	[tilespmem:s10+$0x11C10] =	vst v5;
	v2 =	vmul.f32 $1.131370830e+01, v2  }
0x15b: {  	v5 =	vld [tilespmem:s21+$0x11C10];
	[tilespmem:s10+$0x11C20] =	vst v4;
	v0 =	vmul.f32 $1.131370830e+01, v0  }
.Ltmp10:
0x15c: {  	v4 =	vld [tilespmem:s21+$0x11C20];
	[tilespmem:s10+$0x11C30] =	vst v2;
	v1 =	vmul.f32 $1.131370830e+01, v1;
	(pc) =	sbr.rel @p1 .LBB2_19-.Ltmp10, $4  }
0x15d: {  	v2 =	vld [tilespmem:s21+$0x11C30];
	[tilespmem:s10+$0x11C40] =	vst v0;
	v3 =	vmul.f32 $1.131370830e+01, v3  }
0x15e: {  	v0 =	vld [tilespmem:s21+$0x11C40];
	[tilespmem:s10+$0x11C50] =	vst v1;
	v8 =	vmul.f32 $1.131370830e+01, v6  }
0x15f: {  	v6 =	vmul.f32 $1.131370830e+01, v7;
	v1 =	vld [tilespmem:s21+$0x11C50];
	[tilespmem:s10+$0x11C60] =	vst v3  }
0x160: {  	s17 =	sadd.s32 $0x200, s17;
	v5 =	vmul.f32 $1.131370830e+01, v5;
	v3 =	vld [tilespmem:s21+$0x11C60];
	[tilespmem:s10+$0x11C70] =	vst v8;
	s10 =	smov.u32 s21  }
0x161: {  	[tilespmem:s10+$0x11C00] =	vst v6;
	v4 =	vmul.f32 $1.131370830e+01, v4;
	v6 =	vld [tilespmem:s10+$0x11C70]  }
0x162: {  	[tilespmem:s10+$0x11C10] =	vst v5;
	v2 =	vmul.f32 $1.131370830e+01, v2  }
0x163: {  	[tilespmem:s10+$0x11C20] =	vst v4;
	v0 =	vmul.f32 $1.131370830e+01, v0  }
0x164: {  	[tilespmem:s10+$0x11C30] =	vst v2;
	v1 =	vmul.f32 $1.131370830e+01, v1  }
0x165: {  	s14 =	sshll.u32 s14, $0x12;
	[tilespmem:s10+$0x11C40] =	vst v0;
	v0 =	vmul.f32 $1.131370830e+01, v3  }
0x166: {  	s14 =	sor.u32 s6, s14;
	[tilespmem:s10+$0x11C50] =	vst v1;
	v1 =	vmul.f32 $1.131370830e+01, v6  }
0x167: {  	s14 =	sshrl.u32 s14, $0x3;
	[tilespmem:s10+$0x11C60] =	vst v0  }
0x168: {  	s30 =	sadd.s32 s2, s14;
	[tilespmem:s10+$0x11C70] =	vst v1;
	s10 =	simm.s32 @!p0 $0x10  }
0x169: {  	[hbm4b:s30+s4] =	stream.linear.scatter [tilespmem:s0], [sflag:$0x13], $0x2000, $0x38;
	[tilespmem:$0x15C00] =	vst v63  }
0x16a: {  	_ =	swait.ge @!p0 [sflag:s10], $0x2000  }
0x16b: {  	s17 =	simm.s32 @!p0 $0xBC00;
	[sflag:s10] =	ssyncset.done @!p0 $0x0  }
0x16c: {  	s14 =	simm.s32 @!p0 $0x40;
	[sflag:s10] =	ssyncadd.s32 @!p0 $0xFFFFE000;
	s10 =	sadd.s32 @!p0 $0x3C0, s19  }
0x16d: {  	[tilespmem:s17], [sflag:$0x6] =	stream.indirect.gather @!p0 [hbm4b:s1+s14], $0x80, s10, s14, $0xb8;
	[tilespmem:$0x15C00] =	vst v63  }
0x16e: {  	_ =	swait.ge [sflag:s3], $0x2000  }
0x16f: {  	[sflag:s3] =	ssyncset.done $0x0  }
0x170: {  	s10 =	simm.s32 $0x0;
	[sflag:s3] =	ssyncadd.s32 $0xFFFFE000  }
0x171: {  	v2 =	vld [tilespmem:s10+$0x13C00]  }
0x172: {  	v5 =	vld [tilespmem:s10+$0x13C10]  }
0x173: {  	v4 =	vld [tilespmem:s10+$0x13C20]  }
0x174: {  	v3 =	vld [tilespmem:s10+$0x13C30]  }
0x175: {  	v0 =	vld [tilespmem:s10+$0x13C40]  }
0x176: {  	v1 =	vld [tilespmem:s10+$0x13C50];
	v6 =	vmul.f32 $1.131370830e+01, v2  }
0x177: {  	s14 =	simm.s32 $0x200;
	v5 =	vmul.f32 $1.131370830e+01, v5;
	v2 =	vld [tilespmem:s10+$0x13C60]  }
.LBB2_21:
0x178: {  	s17 =	sshra.s32 s14, $0x2;
	p1 =	sne.s32 s14, $0x7E00;
	[tilespmem:s10+$0x13C00] =	vst v6;
	v4 =	vmul.f32 $1.131370830e+01, v4;
	v6 =	vld [tilespmem:s10+$0x13C70]  }
0x179: {  	v7 =	vld [tilespmem:s17+$0x13C00];
	[tilespmem:s10+$0x13C10] =	vst v5;
	v3 =	vmul.f32 $1.131370830e+01, v3  }
0x17a: {  	v5 =	vld [tilespmem:s17+$0x13C10];
	[tilespmem:s10+$0x13C20] =	vst v4;
	v0 =	vmul.f32 $1.131370830e+01, v0  }
.Ltmp11:
0x17b: {  	v4 =	vld [tilespmem:s17+$0x13C20];
	[tilespmem:s10+$0x13C30] =	vst v3;
	v1 =	vmul.f32 $1.131370830e+01, v1;
	(pc) =	sbr.rel @p1 .LBB2_21-.Ltmp11, $4  }
0x17c: {  	v3 =	vld [tilespmem:s17+$0x13C30];
	[tilespmem:s10+$0x13C40] =	vst v0;
	v2 =	vmul.f32 $1.131370830e+01, v2  }
0x17d: {  	v0 =	vld [tilespmem:s17+$0x13C40];
	[tilespmem:s10+$0x13C50] =	vst v1;
	v8 =	vmul.f32 $1.131370830e+01, v6  }
0x17e: {  	v6 =	vmul.f32 $1.131370830e+01, v7;
	v1 =	vld [tilespmem:s17+$0x13C50];
	[tilespmem:s10+$0x13C60] =	vst v2  }
0x17f: {  	s14 =	sadd.s32 $0x200, s14;
	v5 =	vmul.f32 $1.131370830e+01, v5;
	v2 =	vld [tilespmem:s17+$0x13C60];
	[tilespmem:s10+$0x13C70] =	vst v8;
	s10 =	smov.u32 s17  }
0x180: {  	[tilespmem:s10+$0x13C00] =	vst v6;
	v4 =	vmul.f32 $1.131370830e+01, v4;
	v61 =	vld [tilespmem:s10+$0x13C70]  }
0x181: {  	[tilespmem:s10+$0x13C10] =	vst v5;
	v3 =	vmul.f32 $1.131370830e+01, v3  }
0x182: {  	[tilespmem:s10+$0x13C20] =	vst v4;
	v0 =	vmul.f32 $1.131370830e+01, v0  }
0x183: {  	s14 =	sshll.u32 s16, $0x12;
	[tilespmem:s10+$0x13C30] =	vst v3;
	v1 =	vmul.f32 $1.131370830e+01, v1  }
.Ltmp12:
0x184: {  	s14 =	sand.u32 $0x7F80000, s14;
	[tilespmem:s10+$0x13C40] =	vst v0;
	v62 =	vmul.f32 $1.131370830e+01, v2;
	(pc) =	sbr.rel @p0 .LBB2_24-.Ltmp12, $4  }
0x185: {  	s14 =	sor.u32 s8, s14;
	[tilespmem:s10+$0x13C50] =	vst v1;
	v63 =	vmul.f32 $1.131370830e+01, v61  }
0x186: {  	s14 =	sshrl.u32 s14, $0x3;
	[tilespmem:s10+$0x13C60] =	vst v62  }
0x187: {  	s30 =	sadd.s32 s2, s14;
	[tilespmem:s10+$0x13C70] =	vst v63  }
0x188: {  	[hbm4b:s30+s4] =	stream.linear.scatter [tilespmem:s11], [sflag:$0x14], $0x2000, $0x38;
	[tilespmem:$0x15C00] =	vst v63  }
0x189: {  	s10 =	smul.u32 $0xA00, s7  }
.Ltmp13:
0x18a: {  	_ = 	snop;
	(pc) =	sbr.rel .LBB2_2-.Ltmp13, $4  }
0x18b: {  	_ =	swait.ge [sflag:s5], $0x2000  }
0x18c: {  	[sflag:s5] =	ssyncset.done $0x0;
	s10 =	sshra.s32 s10, $0x2  }
0x18d: {  	s7 =	sadd.s32 $0x1, s7;
	[sflag:s5] =	ssyncadd.s32 $0xFFFFE000;
	s10 =	sadd.s32 $0x400, s10  }
0x18e: {  	[tilespmem:s28], [sflag:$0x7] =	stream.indirect.gather [hbm4b:s1+s15], $0x80, s10, s15, $0xb8;
	[tilespmem:$0x15C00] =	vst v63  }
.LBB2_25:
0x18f: {  	_ =	sfence.sel $0x180000  }
0x190: {  	[bflag:$0x0] =	sbarrier.arrive $0xFFFF  }
0x191: {  	_ =	strace $0x90000047  }
0x192: {  	s0 =	stileid.u32;
	[bflag:$0x2] =	sbarrier.arrive $0xFFFF  }
0x193: {  	p0 =	sne.s32 s0, $0x0;
	s0 =	rddreg [dreg:$0x3]  }
0x194: {  	s0 =	sadd.s32 @!p0 $0x100000, s0  }
0x195: {  	[sflag:s0] =	ssyncadd.tile.s32 @!p0 $0x1;
	_ =	shalt  }
.Lfunc_end2:
_tile_overlayer_lowered:
.L_overlay_start_2:
0x196: {  	(tag) =	ssettag $0x2  }
0x197: {  	s0 =	rddreg [dreg:$0x0];
	s2 =	stileid.u32  }
0x198: {  	s1 =	rddreg [dreg:$0x1];
	p0 =	sne.s32 s2, $0x0  }
0x199: {  	s3 =	rddreg [dreg:$0x2];
	[bflag:$0x3] =	sbarrier.arrive $0xFFFF;
	s2 =	simm.s32 @!p0 $0x1C15  }
0x19a: {  	[timem:s3], [sflag:s2] =	dma.local @!p0 [hbm:s0], s1  }
0x19b: {  	s0 =	simm.s32 @!p0 $0x15  }
0x19c: {  	_ =	swait.ge @!p0 [sflag:s0], s1  }
0x19d: {  	s1 =	ssub.s32 @!p0 $0x0, s1;
	[sflag:s0] =	ssyncset.done @!p0 $0x0  }
0x19e: {  	[sflag:s0] =	ssyncadd.s32 @!p0 s1  }
0x19f: {  	[bflag:$0x3] =	sbarrier.arrive $0xFFFF  }
0x1a0: {  	_ =	shalt  }

</sc_bundles>
